<compile_context>
chip_gen: v7x
topology: tpu7x:2x2x1
jax: 0.10.2.dev20260603
libtpu: 0.0.44.dev20260713+nightly
codegen_flags: <defaults>
</compile_context>

<pallas_src>
import functools
import math

import jax
import jax.numpy as jnp
from jax import lax
from jax.experimental import pallas as pl
from jax.experimental.pallas import tpu as pltpu
from jax.experimental.pallas import tpu_sc as plsc

ACTIVE_THRESHOLD = 0.01
NUM_CORES = 2
NUM_SUBCORES = 16
NUM_WORKERS = NUM_CORES * NUM_SUBCORES
LANES = 16
CHUNK = 1024
STREAM_ROWS = 128


def _sc_accumulate(nnz_pad, rows, cols_total, batch, interpret=False):
  per_worker = nnz_pad // NUM_WORKERS
  n_sub = per_worker // CHUNK
  assert n_sub % 2 == 0
  groups = CHUNK // LANES
  n_streams = CHUNK // STREAM_ROWS
  rows_per_sub = rows // NUM_SUBCORES
  mask_iters = batch * cols_total // LANES

  mesh = plsc.VectorSubcoreMesh(
      core_axis_name="c", subcore_axis_name="s", num_cores=NUM_CORES,
      num_subcores=NUM_SUBCORES)

  @functools.partial(
      pl.kernel,
      out_type=jax.ShapeDtypeStruct((NUM_CORES, rows, LANES), jnp.float32),
      mesh=mesh,
      scratch_types=[
          pltpu.VMEM((batch * cols_total,), jnp.float32),
          pltpu.VMEM((2, CHUNK), jnp.int32),
          pltpu.VMEM((2, CHUNK), jnp.float32),
          pltpu.VMEM((2, n_streams, STREAM_ROWS), jnp.int32),
          pltpu.VMEM((2, CHUNK, LANES), jnp.float32),
          pltpu.VMEM_SHARED((rows, LANES), jnp.float32),
          pltpu.SemaphoreType.DMA,
          pltpu.SemaphoreType.DMA,
          pltpu.SemaphoreType.DMA,
          pltpu.SemaphoreType.DMA,
      ],
      compiler_params=pltpu.CompilerParams(
          needs_layout_passes=False, use_tc_tiling_on_sc=False),
      interpret=interpret,
  )
  def run(x_hbm, cols_hbm, vals_hbm, rows_hbm, zeros_hbm, out_hbm,
          xv, cbuf, vbuf, rbuf, stg, acc, in0, in1, st0, st1):
    cid = lax.axis_index("c")
    sid = lax.axis_index("s")
    wid = cid * NUM_SUBCORES + sid
    in_sems = (in0, in1)
    st_sems = (st0, st1)

    pltpu.sync_copy(x_hbm, xv)

    pltpu.sync_copy(zeros_hbm, acc.at[pl.ds(sid * rows_per_sub, rows_per_sub)])

    zero16 = jnp.zeros((LANES,), jnp.float32)

    @plsc.parallel_loop(0, mask_iters)
    def _mask(i):
      v = xv[pl.ds(i * LANES, LANES)]
      xv[pl.ds(i * LANES, LANES)] = jnp.where(v > ACTIVE_THRESHOLD, v, zero16)

    plsc.subcore_barrier()

    iota16 = lax.iota(jnp.int32, LANES)
    base = wid * per_worker

    def fire_in(j, slot):
      off = base + j * CHUNK
      roff = pl.multiple_of(off // STREAM_ROWS, 8)
      pltpu.async_copy(cols_hbm.at[pl.ds(off, CHUNK)], cbuf.at[slot],
                       in_sems[slot])
      pltpu.async_copy(vals_hbm.at[pl.ds(off, CHUNK)], vbuf.at[slot],
                       in_sems[slot])
      pltpu.async_copy(rows_hbm.at[pl.ds(roff, n_streams)], rbuf.at[slot],
                       in_sems[slot])

    def wait_in(slot):
      pltpu.make_async_copy(cols_hbm.at[pl.ds(0, CHUNK)], cbuf.at[slot],
                            in_sems[slot]).wait()
      pltpu.make_async_copy(vals_hbm.at[pl.ds(0, CHUNK)], vbuf.at[slot],
                            in_sems[slot]).wait()
      pltpu.make_async_copy(rows_hbm.at[pl.ds(0, n_streams)], rbuf.at[slot],
                            in_sems[slot]).wait()

    def compute(slot):
      @plsc.parallel_loop(0, groups)
      def _group(g):
        colv = cbuf[slot, pl.ds(g * LANES, LANES)]
        valv = vbuf[slot, pl.ds(g * LANES, LANES)]
        ridx = g * LANES + iota16
        contribs = []
        for b in range(batch):
          gathered = plsc.load_gather(xv, [colv + b * cols_total])
          contribs.append(gathered * valv)
        for b in range(batch):
          plsc.store_scatter(stg.at[slot],
                             [ridx, jnp.full((LANES,), b, jnp.int32)],
                             contribs[b])

    def fire_streams(slot):
      for i in range(n_streams):
        pltpu.async_copy(
            stg.at[slot].at[pl.ds(i * STREAM_ROWS, STREAM_ROWS)],
            acc.at[rbuf.at[slot].at[i]], st_sems[slot], add=True)

    def drain_streams(slot):
      for i in range(n_streams):
        pltpu.make_async_copy(
            stg.at[slot].at[pl.ds(i * STREAM_ROWS, STREAM_ROWS)],
            acc.at[rbuf.at[slot].at[i]], st_sems[slot]).wait()

    fire_in(0, 0)

    @pl.loop(0, n_sub // 2)
    def _pipeline(jj):
      j0 = jj * 2
      wait_in(0)
      compute(0)
      fire_streams(0)

      @pl.when(jj > 0)
      def _drain1():
        drain_streams(1)

      fire_in(j0 + 1, 1)
      wait_in(1)
      compute(1)
      fire_streams(1)
      drain_streams(0)

      @pl.when(j0 + 2 < n_sub)
      def _prefetch():
        fire_in(j0 + 2, 0)

    drain_streams(1)

    plsc.subcore_barrier()

    r0 = sid * rows_per_sub
    pltpu.sync_copy(acc.at[pl.ds(r0, rows_per_sub)],
                    out_hbm.at[cid, pl.ds(r0, rows_per_sub)])

  return run


def _combine_kernel(p_ref, b_ref, o_ref):
  s = p_ref[0] + p_ref[1]
  o_ref[...] = s.T + b_ref[...]


@jax.jit
def kernel(x, row_indices, col_indices, values, bias):
  batch, cols_total = x.shape
  rows = bias.shape[0]
  nnz = row_indices.shape[0]
  nnz_pad = math.ceil(nnz / (NUM_WORKERS * 2 * CHUNK)) * NUM_WORKERS * 2 * CHUNK
  pad = nnz_pad - nnz

  cols_p = jnp.concatenate([col_indices, jnp.zeros((pad,), jnp.int32)])
  vals_p = jnp.concatenate([values, jnp.zeros((pad,), jnp.float32)])
  rows_p = jnp.concatenate([row_indices, jnp.zeros((pad,), jnp.int32)])
  rows_2d = rows_p.reshape(nnz_pad // STREAM_ROWS, STREAM_ROWS)
  zeros_tile = jnp.zeros((rows // NUM_SUBCORES, LANES), jnp.float32)

  partials = _sc_accumulate(nnz_pad, rows, cols_total, batch)(
      x.reshape(-1), cols_p, vals_p, rows_2d, zeros_tile)

  out = pl.pallas_call(
      _combine_kernel,
      out_shape=jax.ShapeDtypeStruct((batch, rows), jnp.float32),
  )(partials, bias.reshape(1, rows))
  return out

# --- scband reference (transcript-rebuilt; emitter-appended) ---
"""Pipeline reference for scband-sparse-event-linear-9182640079528 (READ-ONLY COPY).

The authoritative reference and input builder live on the scoring server;
editing this copy changes nothing except your own understanding.
"""

import jax, jax.numpy as jnp
import numpy as np

ROWS = 4096  # out_features
COLS = 4096  # in_features
SPARSITY = 0.9
NNZ = int(ROWS * COLS * (1.0 - SPARSITY))
BATCH = 16
ACTIVE_THRESHOLD = 0.01


def setup_inputs(seed: int = 0) -> dict:
    key = jax.random.key(seed)
    k1, k2, k3, k4 = jax.random.split(key, 4)
    x = jax.random.normal(k1, (BATCH, COLS), dtype=jnp.float32)
    # SparseEventMatrix construction: random COO triplets
    row_indices = jax.random.randint(k2, (NNZ,), 0, ROWS, dtype=jnp.int32)
    col_indices = jax.random.randint(k3, (NNZ,), 0, COLS, dtype=jnp.int32)
    values = jax.random.normal(k4, (NNZ,), dtype=jnp.float32)
    # _build_core_mapping: sort nonzeros by neuromorphic core assignment (row // (rows // 16))
    core_assignments = row_indices // (ROWS // 16)
    order = jnp.argsort(core_assignments)
    row_indices = row_indices[order]
    col_indices = col_indices[order]
    values = values[order]
    bias = jnp.zeros((ROWS,), dtype=jnp.float32)
    return {"x": x, "row_indices": row_indices, "col_indices": col_indices, "values": values, "bias": bias}


def reference(x, row_indices, col_indices, values, bias):
    # event_driven_multiply per batch element:
    #   active cols are those with spike > threshold; entries whose col is inactive
    #   contribute nothing, equivalent to zeroing inactive spike entries.
    masked = jnp.where(x > ACTIVE_THRESHOLD, x, jnp.zeros_like(x))  # [B, COLS]
    gathered = jnp.take(masked, col_indices, axis=1)                 # [B, NNZ] gather
    contrib = gathered * values[None, :]                             # [B, NNZ]
    # result[r] += v * spike[c]  -> scatter-add over rows (segment_sum)
    out = jax.vmap(lambda c: jax.ops.segment_sum(c, row_indices, num_segments=ROWS))(contrib)
    return out + bias[None, :]

if __name__ == "__main__":
    import jax
    _d = setup_inputs()
    print(jax.jit(kernel)(*tuple(_d.values())))

</pallas_src>

<mosaic_0001>
#map = affine_map<(d0, d1) -> (0)>
#map1 = affine_map<(d0, d1) -> (0, 0)>
#map2 = affine_map<(d0, d1) -> (0, 0, 0)>
module attributes {stable_mosaic.version = 14 : i64} {
  func.func @run(%arg0: i32, %arg1: i32, %arg2: memref<65536xf32, #tpu.memory_space<hbm>>, %arg3: memref<1703936xi32, #tpu.memory_space<hbm>>, %arg4: memref<1703936xf32, #tpu.memory_space<hbm>>, %arg5: memref<13312x128xi32, #tpu.memory_space<hbm>>, %arg6: memref<256x16xf32, #tpu.memory_space<hbm>>, %arg7: memref<2x4096x16xf32, #tpu.memory_space<hbm>>, %arg8: memref<65536xf32, #tpu.memory_space<vmem>>, %arg9: memref<2x1024xi32, #tpu.memory_space<vmem>>, %arg10: memref<2x1024xf32, #tpu.memory_space<vmem>>, %arg11: memref<2x8x128xi32, #tpu.memory_space<vmem>>, %arg12: memref<2x1024x16xf32, #tpu.memory_space<vmem>>, %arg13: memref<4096x16xf32, #tpu.memory_space<vmem_shared>>, %arg14: memref<!tpu.dma_semaphore, #tpu.memory_space<semaphore_mem>>, %arg15: memref<!tpu.dma_semaphore, #tpu.memory_space<semaphore_mem>>, %arg16: memref<!tpu.dma_semaphore, #tpu.memory_space<semaphore_mem>>, %arg17: memref<!tpu.dma_semaphore, #tpu.memory_space<semaphore_mem>>) attributes {dimension_semantics = [#tpu.dimension_semantics<core_parallel>, #tpu.dimension_semantics<subcore_parallel>], iteration_bounds = array<i64: 2, 16>, scalar_prefetch = 0 : i64, scratch_operands = 10 : i64, tpu.core_type = #tpu.core_type<sc_vector_subcore>, window_params = [{transform_indices = #map}, {transform_indices = #map}, {transform_indices = #map}, {transform_indices = #map1}, {transform_indices = #map1}, {transform_indices = #map2}]} {
    %mul3A = arith.constant 16 : i32
    %mul3A_0 = arith.muli %arg0, %mul3A : i32
    %add3A = arith.addi %mul3A_0, %arg1 : i32
    "tpu.region"() ({
      %run_scoped3A = tpu.sem_alloc : memref<!tpu.dma_semaphore, #tpu.memory_space<semaphore_mem>>
      tpu.enqueue_dma source(%arg2 : memref<65536xf32, #tpu.memory_space<hbm>>) target(%arg8 : memref<65536xf32, #tpu.memory_space<vmem>>) target_semaphore(%run_scoped3A : memref<!tpu.dma_semaphore, #tpu.memory_space<semaphore_mem>>)
      tpu.wait_dma2 semaphore(%run_scoped3A : memref<!tpu.dma_semaphore, #tpu.memory_space<semaphore_mem>>) src(%arg2 : memref<65536xf32, #tpu.memory_space<hbm>>) dst(%arg8 : memref<65536xf32, #tpu.memory_space<vmem>>)
      tpu.yield
    }) : () -> ()
    %mul3A_1 = arith.constant 256 : i32
    %mul3A_2 = arith.muli %arg1, %mul3A_1 : i32
    "tpu.region"() ({
      %run_scoped3A = tpu.sem_alloc : memref<!tpu.dma_semaphore, #tpu.memory_space<semaphore_mem>>
      %dma_start3A_222 = arith.constant 0 : i32
      %dma_start3A_223 = tpu.memref_slice %arg13[%mul3A_2, %dma_start3A_222] : memref<4096x16xf32, #tpu.memory_space<vmem_shared>> -> memref<256x16xf32, #tpu.memory_space<vmem_shared>>
      tpu.enqueue_dma source(%arg6 : memref<256x16xf32, #tpu.memory_space<hbm>>) target(%dma_start3A_223 : memref<256x16xf32, #tpu.memory_space<vmem_shared>>) target_semaphore(%run_scoped3A : memref<!tpu.dma_semaphore, #tpu.memory_space<semaphore_mem>>)
      %dma_wait3A_224 = arith.constant 0 : i32
      %dma_wait3A_225 = tpu.memref_slice %arg13[%mul3A_2, %dma_wait3A_224] : memref<4096x16xf32, #tpu.memory_space<vmem_shared>> -> memref<256x16xf32, #tpu.memory_space<vmem_shared>>
      tpu.wait_dma2 semaphore(%run_scoped3A : memref<!tpu.dma_semaphore, #tpu.memory_space<semaphore_mem>>) src(%arg6 : memref<256x16xf32, #tpu.memory_space<hbm>>) dst(%dma_wait3A_225 : memref<256x16xf32, #tpu.memory_space<vmem_shared>>)
      tpu.yield
    }) : () -> ()
    %broadcast_in_dim3A = arith.constant 0.000000e+00 : f32
    %broadcast_in_dim3A_3 = vector.broadcast %broadcast_in_dim3A : f32 to vector<16xf32>
    %parallel_loop3A = arith.constant 0 : i32
    %parallel_loop3A_4 = arith.constant 4096 : i32
    %parallel_loop3A_5 = arith.constant 1 : i32
    scf.for %parallel_loop3A_222 = %parallel_loop3A to %parallel_loop3A_4 step %parallel_loop3A_5  : i32 {
      %parallel_loop3A_223 = arith.constant 16 : i32
      %parallel_loop3A_224 = arith.muli %parallel_loop3A_222, %parallel_loop3A_223 : i32
      %parallel_loop3A_225 = arith.index_cast %parallel_loop3A_224 : i32 to index
      %parallel_loop3A_226 = tpu.vector_load %arg8[%parallel_loop3A_225] {strides = array<i32>} : memref<65536xf32, #tpu.memory_space<vmem>>, vector<16xf32>,
      %parallel_loop3A_227 = arith.constant 0.00999999977 : f32
      %parallel_loop3A_228 = vector.broadcast %parallel_loop3A_227 : f32 to vector<16xf32>
      %parallel_loop3A_229 = arith.cmpf ogt, %parallel_loop3A_226, %parallel_loop3A_228 : vector<16xf32>
      %parallel_loop3A_230 = arith.select %parallel_loop3A_229, %parallel_loop3A_226, %broadcast_in_dim3A_3 : vector<16xi1>, vector<16xf32>
      %parallel_loop3A_231 = arith.constant 16 : i32
      %parallel_loop3A_232 = arith.muli %parallel_loop3A_222, %parallel_loop3A_231 : i32
      %parallel_loop3A_233 = arith.index_cast %parallel_loop3A_232 : i32 to index
      %parallel_loop3A_234 = tpu.vector_load %arg8[%parallel_loop3A_233] {strides = array<i32>} : memref<65536xf32, #tpu.memory_space<vmem>>, vector<16xf32>,
      tpu.vector_store %arg8[%parallel_loop3A_233], %parallel_loop3A_230 {strides = array<i32>} : memref<65536xf32, #tpu.memory_space<vmem>>, vector<16xf32>,
    } {sc.loop_unroll_factor = 1 : i64, sc.parallel_access}
    %barrier3A = arith.constant 0 : index
    tpu.barrier barrier_id(%barrier3A)
    %iota3A = tpu.iota {dimensions = array<i32: 0>} : vector<16xi32>
    %mul3A_6 = arith.constant 53248 : i32
    %mul3A_7 = arith.muli %add3A, %mul3A_6 : i32
    %add3A_8 = arith.constant 0 : i32
    %add3A_9 = arith.addi %mul3A_7, %add3A_8 : i32
    %jit3A = arith.constant 128 : i32
    %div3A = arith.divsi %add3A_9, %jit3A : i32
    %sign3A = arith.constant 0 : i32
    %sign3A_10 = arith.cmpi sgt, %add3A_9, %sign3A : i32
    %sign3A_11 = arith.extui %sign3A_10 : i1 to i32
    %sign3A_12 = arith.constant 0 : i32
    %sign3A_13 = arith.cmpi slt, %add3A_9, %sign3A_12 : i32
    %sign3A_14 = arith.extui %sign3A_13 : i1 to i32
    %sign3A_15 = arith.subi %sign3A_11, %sign3A_14 : i32
    %sign3A_16 = arith.constant 0 : i32
    %sign3A_17 = arith.cmpi sgt, %jit3A, %sign3A_16 : i32
    %sign3A_18 = arith.extui %sign3A_17 : i1 to i32
    %sign3A_19 = arith.constant 0 : i32
    %sign3A_20 = arith.cmpi slt, %jit3A, %sign3A_19 : i32
    %sign3A_21 = arith.extui %sign3A_20 : i1 to i32
    %sign3A_22 = arith.subi %sign3A_18, %sign3A_21 : i32
    %ne3A = arith.cmpi ne, %sign3A_15, %sign3A_22 : i32
    %rem3A = arith.remsi %add3A_9, %jit3A : i32
    %ne3A_23 = arith.constant 0 : i32
    %ne3A_24 = arith.cmpi ne, %rem3A, %ne3A_23 : i32
    %and3A = arith.andi %ne3A, %ne3A_24 : i1
    %sub3A = arith.constant 1 : i32
    %sub3A_25 = arith.subi %div3A, %sub3A : i32
    %select_n3A = arith.select %and3A, %sub3A_25, %div3A : i32
    %multiple_of3A = tpu.assume_multiple %select_n3A, 8 : i32
    %dma_start3A = arith.constant 0 : i32
    %dma_start3A_26 = arith.constant 0 : i32
    %dma_start3A_27 = tpu.memref_slice %arg9[%dma_start3A, %dma_start3A_26] : memref<2x1024xi32, #tpu.memory_space<vmem>> -> memref<1x1024xi32, #tpu.memory_space<vmem>>
    %dma_start3A_28 = tpu.memref_squeeze %dma_start3A_27 : memref<1x1024xi32, #tpu.memory_space<vmem>> -> memref<1024xi32, #tpu.memory_space<vmem>>
    %dma_start3A_29 = tpu.memref_slice %arg3[%add3A_9] : memref<1703936xi32, #tpu.memory_space<hbm>> -> memref<1024xi32, #tpu.memory_space<hbm>>
    %dma_start3A_30 = arith.constant 0 : i32
    %dma_start3A_31 = tpu.memref_slice %arg9[%dma_start3A, %dma_start3A_30] : memref<2x1024xi32, #tpu.memory_space<vmem>> -> memref<1x1024xi32, #tpu.memory_space<vmem>>
    %dma_start3A_32 = tpu.memref_squeeze %dma_start3A_31 : memref<1x1024xi32, #tpu.memory_space<vmem>> -> memref<1024xi32, #tpu.memory_space<vmem>>
    %dma_start3A_33 = tpu.memref_slice %arg3[%add3A_9] : memref<1703936xi32, #tpu.memory_space<hbm>> -> memref<1024xi32, #tpu.memory_space<hbm>>
    tpu.enqueue_dma source(%dma_start3A_33 : memref<1024xi32, #tpu.memory_space<hbm>>) target(%dma_start3A_32 : memref<1024xi32, #tpu.memory_space<vmem>>) target_semaphore(%arg14 : memref<!tpu.dma_semaphore, #tpu.memory_space<semaphore_mem>>)
    %dma_start3A_34 = arith.constant 0 : i32
    %dma_start3A_35 = arith.constant 0 : i32
    %dma_start3A_36 = tpu.memref_slice %arg10[%dma_start3A_34, %dma_start3A_35] : memref<2x1024xf32, #tpu.memory_space<vmem>> -> memref<1x1024xf32, #tpu.memory_space<vmem>>
    %dma_start3A_37 = tpu.memref_squeeze %dma_start3A_36 : memref<1x1024xf32, #tpu.memory_space<vmem>> -> memref<1024xf32, #tpu.memory_space<vmem>>
    %dma_start3A_38 = tpu.memref_slice %arg4[%add3A_9] : memref<1703936xf32, #tpu.memory_space<hbm>> -> memref<1024xf32, #tpu.memory_space<hbm>>
    %dma_start3A_39 = arith.constant 0 : i32
    %dma_start3A_40 = tpu.memref_slice %arg10[%dma_start3A_34, %dma_start3A_39] : memref<2x1024xf32, #tpu.memory_space<vmem>> -> memref<1x1024xf32, #tpu.memory_space<vmem>>
    %dma_start3A_41 = tpu.memref_squeeze %dma_start3A_40 : memref<1x1024xf32, #tpu.memory_space<vmem>> -> memref<1024xf32, #tpu.memory_space<vmem>>
    %dma_start3A_42 = tpu.memref_slice %arg4[%add3A_9] : memref<1703936xf32, #tpu.memory_space<hbm>> -> memref<1024xf32, #tpu.memory_space<hbm>>
    tpu.enqueue_dma source(%dma_start3A_42 : memref<1024xf32, #tpu.memory_space<hbm>>) target(%dma_start3A_41 : memref<1024xf32, #tpu.memory_space<vmem>>) target_semaphore(%arg14 : memref<!tpu.dma_semaphore, #tpu.memory_space<semaphore_mem>>)
    %dma_start3A_43 = arith.constant 0 : i32
    %dma_start3A_44 = arith.constant 0 : i32
    %dma_start3A_45 = arith.constant 0 : i32
    %dma_start3A_46 = tpu.memref_slice %arg11[%dma_start3A_43, %dma_start3A_44, %dma_start3A_45] : memref<2x8x128xi32, #tpu.memory_space<vmem>> -> memref<1x8x128xi32, #tpu.memory_space<vmem>>
    %dma_start3A_47 = tpu.memref_squeeze %dma_start3A_46 : memref<1x8x128xi32, #tpu.memory_space<vmem>> -> memref<8x128xi32, #tpu.memory_space<vmem>>
    %dma_start3A_48 = arith.constant 0 : i32
    %dma_start3A_49 = tpu.memref_slice %arg5[%multiple_of3A, %dma_start3A_48] : memref<13312x128xi32, #tpu.memory_space<hbm>> -> memref<8x128xi32, #tpu.memory_space<hbm>>
    %dma_start3A_50 = arith.constant 0 : i32
    %dma_start3A_51 = arith.constant 0 : i32
    %dma_start3A_52 = tpu.memref_slice %arg11[%dma_start3A_43, %dma_start3A_50, %dma_start3A_51] : memref<2x8x128xi32, #tpu.memory_space<vmem>> -> memref<1x8x128xi32, #tpu.memory_space<vmem>>
    %dma_start3A_53 = tpu.memref_squeeze %dma_start3A_52 : memref<1x8x128xi32, #tpu.memory_space<vmem>> -> memref<8x128xi32, #tpu.memory_space<vmem>>
    %dma_start3A_54 = arith.constant 0 : i32
    %dma_start3A_55 = tpu.memref_slice %arg5[%multiple_of3A, %dma_start3A_54] : memref<13312x128xi32, #tpu.memory_space<hbm>> -> memref<8x128xi32, #tpu.memory_space<hbm>>
    tpu.enqueue_dma source(%dma_start3A_55 : memref<8x128xi32, #tpu.memory_space<hbm>>) target(%dma_start3A_53 : memref<8x128xi32, #tpu.memory_space<vmem>>) target_semaphore(%arg14 : memref<!tpu.dma_semaphore, #tpu.memory_space<semaphore_mem>>)
    %scan3A = arith.constant 0 : i32
    %scan3A_56 = arith.constant 26 : i32
    %scan3A_57 = arith.addi %scan3A, %scan3A_56 : i32
    %scan3A_58 = arith.constant 1 : i32
    scf.for %scan3A_222 = %scan3A to %scan3A_57 step %scan3A_58  : i32 {
      %mul3A_223 = arith.constant 1 : i32
      %mul3A_224 = arith.muli %scan3A_222, %mul3A_223 : i32
      %add3A_225 = arith.constant 0 : i32
      %add3A_226 = arith.addi %add3A_225, %mul3A_224 : i32
      %mul3A_227 = arith.constant 2 : i32
      %mul3A_228 = arith.muli %add3A_226, %mul3A_227 : i32
      %dma_wait3A_229 = arith.constant 0 : i32
      %dma_wait3A_230 = arith.constant 0 : i32
      %dma_wait3A_231 = tpu.memref_slice %arg9[%dma_wait3A_229, %dma_wait3A_230] : memref<2x1024xi32, #tpu.memory_space<vmem>> -> memref<1x1024xi32, #tpu.memory_space<vmem>>
      %dma_wait3A_232 = tpu.memref_squeeze %dma_wait3A_231 : memref<1x1024xi32, #tpu.memory_space<vmem>> -> memref<1024xi32, #tpu.memory_space<vmem>>
      %dma_wait3A_233 = arith.constant 0 : i32
      %dma_wait3A_234 = tpu.memref_slice %arg3[%dma_wait3A_233] : memref<1703936xi32, #tpu.memory_space<hbm>> -> memref<1024xi32, #tpu.memory_space<hbm>>
      %dma_wait3A_235 = arith.constant 0 : i32
      %dma_wait3A_236 = tpu.memref_slice %arg9[%dma_wait3A_229, %dma_wait3A_235] : memref<2x1024xi32, #tpu.memory_space<vmem>> -> memref<1x1024xi32, #tpu.memory_space<vmem>>
      %dma_wait3A_237 = tpu.memref_squeeze %dma_wait3A_236 : memref<1x1024xi32, #tpu.memory_space<vmem>> -> memref<1024xi32, #tpu.memory_space<vmem>>
      %dma_wait3A_238 = arith.constant 0 : i32
      %dma_wait3A_239 = tpu.memref_slice %arg3[%dma_wait3A_238] : memref<1703936xi32, #tpu.memory_space<hbm>> -> memref<1024xi32, #tpu.memory_space<hbm>>
      tpu.wait_dma2 semaphore(%arg14 : memref<!tpu.dma_semaphore, #tpu.memory_space<semaphore_mem>>) src(%dma_wait3A_239 : memref<1024xi32, #tpu.memory_space<hbm>>) dst(%dma_wait3A_237 : memref<1024xi32, #tpu.memory_space<vmem>>)
      %dma_wait3A_240 = arith.constant 0 : i32
      %dma_wait3A_241 = arith.constant 0 : i32
      %dma_wait3A_242 = tpu.memref_slice %arg10[%dma_wait3A_240, %dma_wait3A_241] : memref<2x1024xf32, #tpu.memory_space<vmem>> -> memref<1x1024xf32, #tpu.memory_space<vmem>>
      %dma_wait3A_243 = tpu.memref_squeeze %dma_wait3A_242 : memref<1x1024xf32, #tpu.memory_space<vmem>> -> memref<1024xf32, #tpu.memory_space<vmem>>
      %dma_wait3A_244 = arith.constant 0 : i32
      %dma_wait3A_245 = tpu.memref_slice %arg4[%dma_wait3A_244] : memref<1703936xf32, #tpu.memory_space<hbm>> -> memref<1024xf32, #tpu.memory_space<hbm>>
      %dma_wait3A_246 = arith.constant 0 : i32
      %dma_wait3A_247 = tpu.memref_slice %arg10[%dma_wait3A_240, %dma_wait3A_246] : memref<2x1024xf32, #tpu.memory_space<vmem>> -> memref<1x1024xf32, #tpu.memory_space<vmem>>
      %dma_wait3A_248 = tpu.memref_squeeze %dma_wait3A_247 : memref<1x1024xf32, #tpu.memory_space<vmem>> -> memref<1024xf32, #tpu.memory_space<vmem>>
      %dma_wait3A_249 = arith.constant 0 : i32
      %dma_wait3A_250 = tpu.memref_slice %arg4[%dma_wait3A_249] : memref<1703936xf32, #tpu.memory_space<hbm>> -> memref<1024xf32, #tpu.memory_space<hbm>>
      tpu.wait_dma2 semaphore(%arg14 : memref<!tpu.dma_semaphore, #tpu.memory_space<semaphore_mem>>) src(%dma_wait3A_250 : memref<1024xf32, #tpu.memory_space<hbm>>) dst(%dma_wait3A_248 : memref<1024xf32, #tpu.memory_space<vmem>>)
      %dma_wait3A_251 = arith.constant 0 : i32
      %dma_wait3A_252 = arith.constant 0 : i32
      %dma_wait3A_253 = arith.constant 0 : i32
      %dma_wait3A_254 = tpu.memref_slice %arg11[%dma_wait3A_251, %dma_wait3A_252, %dma_wait3A_253] : memref<2x8x128xi32, #tpu.memory_space<vmem>> -> memref<1x8x128xi32, #tpu.memory_space<vmem>>
      %dma_wait3A_255 = tpu.memref_squeeze %dma_wait3A_254 : memref<1x8x128xi32, #tpu.memory_space<vmem>> -> memref<8x128xi32, #tpu.memory_space<vmem>>
      %dma_wait3A_256 = arith.constant 0 : i32
      %dma_wait3A_257 = arith.constant 0 : i32
      %dma_wait3A_258 = tpu.memref_slice %arg5[%dma_wait3A_256, %dma_wait3A_257] : memref<13312x128xi32, #tpu.memory_space<hbm>> -> memref<8x128xi32, #tpu.memory_space<hbm>>
      %dma_wait3A_259 = arith.constant 0 : i32
      %dma_wait3A_260 = arith.constant 0 : i32
      %dma_wait3A_261 = tpu.memref_slice %arg11[%dma_wait3A_251, %dma_wait3A_259, %dma_wait3A_260] : memref<2x8x128xi32, #tpu.memory_space<vmem>> -> memref<1x8x128xi32, #tpu.memory_space<vmem>>
      %dma_wait3A_262 = tpu.memref_squeeze %dma_wait3A_261 : memref<1x8x128xi32, #tpu.memory_space<vmem>> -> memref<8x128xi32, #tpu.memory_space<vmem>>
      %dma_wait3A_263 = arith.constant 0 : i32
      %dma_wait3A_264 = arith.constant 0 : i32
      %dma_wait3A_265 = tpu.memref_slice %arg5[%dma_wait3A_263, %dma_wait3A_264] : memref<13312x128xi32, #tpu.memory_space<hbm>> -> memref<8x128xi32, #tpu.memory_space<hbm>>
      tpu.wait_dma2 semaphore(%arg14 : memref<!tpu.dma_semaphore, #tpu.memory_space<semaphore_mem>>) src(%dma_wait3A_265 : memref<8x128xi32, #tpu.memory_space<hbm>>) dst(%dma_wait3A_262 : memref<8x128xi32, #tpu.memory_space<vmem>>)
      %parallel_loop3A_266 = arith.constant 0 : i32
      %parallel_loop3A_267 = arith.constant 64 : i32
      %parallel_loop3A_268 = arith.constant 1 : i32
      scf.for %parallel_loop3A_858 = %parallel_loop3A_266 to %parallel_loop3A_267 step %parallel_loop3A_268  : i32 {
        %parallel_loop3A_859 = arith.constant 16 : i32
        %parallel_loop3A_860 = arith.muli %parallel_loop3A_858, %parallel_loop3A_859 : i32
        %parallel_loop3A_861 = arith.constant 0 : i32
        %parallel_loop3A_862 = arith.index_cast %parallel_loop3A_861 : i32 to index
        %parallel_loop3A_863 = arith.index_cast %parallel_loop3A_860 : i32 to index
        %parallel_loop3A_864 = tpu.vector_load %arg9[%parallel_loop3A_862, %parallel_loop3A_863] {strides = array<i32>} : memref<2x1024xi32, #tpu.memory_space<vmem>>, vector<16xi32>,
        %parallel_loop3A_865 = arith.constant 16 : i32
        %parallel_loop3A_866 = arith.muli %parallel_loop3A_858, %parallel_loop3A_865 : i32
        %parallel_loop3A_867 = arith.constant 0 : i32
        %parallel_loop3A_868 = arith.index_cast %parallel_loop3A_867 : i32 to index
        %parallel_loop3A_869 = arith.index_cast %parallel_loop3A_866 : i32 to index
        %parallel_loop3A_870 = tpu.vector_load %arg10[%parallel_loop3A_868, %parallel_loop3A_869] {strides = array<i32>} : memref<2x1024xf32, #tpu.memory_space<vmem>>, vector<16xf32>,
        %parallel_loop3A_871 = arith.constant 16 : i32
        %parallel_loop3A_872 = arith.muli %parallel_loop3A_858, %parallel_loop3A_871 : i32
        %parallel_loop3A_873 = vector.broadcast %parallel_loop3A_872 : i32 to vector<16xi32>
        %parallel_loop3A_874 = arith.addi %parallel_loop3A_873, %iota3A : vector<16xi32>
        %parallel_loop3A_875 = arith.constant 0 : i32
        %parallel_loop3A_876 = vector.broadcast %parallel_loop3A_875 : i32 to vector<16xi32>
        %parallel_loop3A_877 = arith.addi %parallel_loop3A_864, %parallel_loop3A_876 : vector<16xi32>
        %parallel_loop3A_878 = tpu.vector_load_idx %arg8[%parallel_loop3A_877] : memref<65536xf32, #tpu.memory_space<vmem>>[vector<16xi32>], vector<16xf32>,
        %parallel_loop3A_879 = arith.mulf %parallel_loop3A_878, %parallel_loop3A_870 : vector<16xf32>
        %parallel_loop3A_880 = arith.constant 4096 : i32
        %parallel_loop3A_881 = vector.broadcast %parallel_loop3A_880 : i32 to vector<16xi32>
        %parallel_loop3A_882 = arith.addi %parallel_loop3A_864, %parallel_loop3A_881 : vector<16xi32>
        %parallel_loop3A_883 = tpu.vector_load_idx %arg8[%parallel_loop3A_882] : memref<65536xf32, #tpu.memory_space<vmem>>[vector<16xi32>], vector<16xf32>,
        %parallel_loop3A_884 = arith.mulf %parallel_loop3A_883, %parallel_loop3A_870 : vector<16xf32>
        %parallel_loop3A_885 = arith.constant 8192 : i32
        %parallel_loop3A_886 = vector.broadcast %parallel_loop3A_885 : i32 to vector<16xi32>
        %parallel_loop3A_887 = arith.addi %parallel_loop3A_864, %parallel_loop3A_886 : vector<16xi32>
        %parallel_loop3A_888 = tpu.vector_load_idx %arg8[%parallel_loop3A_887] : memref<65536xf32, #tpu.memory_space<vmem>>[vector<16xi32>], vector<16xf32>,
        %parallel_loop3A_889 = arith.mulf %parallel_loop3A_888, %parallel_loop3A_870 : vector<16xf32>
        %parallel_loop3A_890 = arith.constant 12288 : i32
        %parallel_loop3A_891 = vector.broadcast %parallel_loop3A_890 : i32 to vector<16xi32>
        %parallel_loop3A_892 = arith.addi %parallel_loop3A_864, %parallel_loop3A_891 : vector<16xi32>
        %parallel_loop3A_893 = tpu.vector_load_idx %arg8[%parallel_loop3A_892] : memref<65536xf32, #tpu.memory_space<vmem>>[vector<16xi32>], vector<16xf32>,
        %parallel_loop3A_894 = arith.mulf %parallel_loop3A_893, %parallel_loop3A_870 : vector<16xf32>
        %parallel_loop3A_895 = arith.constant 16384 : i32
        %parallel_loop3A_896 = vector.broadcast %parallel_loop3A_895 : i32 to vector<16xi32>
        %parallel_loop3A_897 = arith.addi %parallel_loop3A_864, %parallel_loop3A_896 : vector<16xi32>
        %parallel_loop3A_898 = tpu.vector_load_idx %arg8[%parallel_loop3A_897] : memref<65536xf32, #tpu.memory_space<vmem>>[vector<16xi32>], vector<16xf32>,
        %parallel_loop3A_899 = arith.mulf %parallel_loop3A_898, %parallel_loop3A_870 : vector<16xf32>
        %parallel_loop3A_900 = arith.constant 20480 : i32
        %parallel_loop3A_901 = vector.broadcast %parallel_loop3A_900 : i32 to vector<16xi32>
        %parallel_loop3A_902 = arith.addi %parallel_loop3A_864, %parallel_loop3A_901 : vector<16xi32>
        %parallel_loop3A_903 = tpu.vector_load_idx %arg8[%parallel_loop3A_902] : memref<65536xf32, #tpu.memory_space<vmem>>[vector<16xi32>], vector<16xf32>,
        %parallel_loop3A_904 = arith.mulf %parallel_loop3A_903, %parallel_loop3A_870 : vector<16xf32>
        %parallel_loop3A_905 = arith.constant 24576 : i32
        %parallel_loop3A_906 = vector.broadcast %parallel_loop3A_905 : i32 to vector<16xi32>
        %parallel_loop3A_907 = arith.addi %parallel_loop3A_864, %parallel_loop3A_906 : vector<16xi32>
        %parallel_loop3A_908 = tpu.vector_load_idx %arg8[%parallel_loop3A_907] : memref<65536xf32, #tpu.memory_space<vmem>>[vector<16xi32>], vector<16xf32>,
        %parallel_loop3A_909 = arith.mulf %parallel_loop3A_908, %parallel_loop3A_870 : vector<16xf32>
        %parallel_loop3A_910 = arith.constant 28672 : i32
        %parallel_loop3A_911 = vector.broadcast %parallel_loop3A_910 : i32 to vector<16xi32>
        %parallel_loop3A_912 = arith.addi %parallel_loop3A_864, %parallel_loop3A_911 : vector<16xi32>
        %parallel_loop3A_913 = tpu.vector_load_idx %arg8[%parallel_loop3A_912] : memref<65536xf32, #tpu.memory_space<vmem>>[vector<16xi32>], vector<16xf32>,
        %parallel_loop3A_914 = arith.mulf %parallel_loop3A_913, %parallel_loop3A_870 : vector<16xf32>
        %parallel_loop3A_915 = arith.constant 32768 : i32
        %parallel_loop3A_916 = vector.broadcast %parallel_loop3A_915 : i32 to vector<16xi32>
        %parallel_loop3A_917 = arith.addi %parallel_loop3A_864, %parallel_loop3A_916 : vector<16xi32>
        %parallel_loop3A_918 = tpu.vector_load_idx %arg8[%parallel_loop3A_917] : memref<65536xf32, #tpu.memory_space<vmem>>[vector<16xi32>], vector<16xf32>,
        %parallel_loop3A_919 = arith.mulf %parallel_loop3A_918, %parallel_loop3A_870 : vector<16xf32>
        %parallel_loop3A_920 = arith.constant 36864 : i32
        %parallel_loop3A_921 = vector.broadcast %parallel_loop3A_920 : i32 to vector<16xi32>
        %parallel_loop3A_922 = arith.addi %parallel_loop3A_864, %parallel_loop3A_921 : vector<16xi32>
        %parallel_loop3A_923 = tpu.vector_load_idx %arg8[%parallel_loop3A_922] : memref<65536xf32, #tpu.memory_space<vmem>>[vector<16xi32>], vector<16xf32>,
        %parallel_loop3A_924 = arith.mulf %parallel_loop3A_923, %parallel_loop3A_870 : vector<16xf32>
        %parallel_loop3A_925 = arith.constant 40960 : i32
        %parallel_loop3A_926 = vector.broadcast %parallel_loop3A_925 : i32 to vector<16xi32>
        %parallel_loop3A_927 = arith.addi %parallel_loop3A_864, %parallel_loop3A_926 : vector<16xi32>
        %parallel_loop3A_928 = tpu.vector_load_idx %arg8[%parallel_loop3A_927] : memref<65536xf32, #tpu.memory_space<vmem>>[vector<16xi32>], vector<16xf32>,
        %parallel_loop3A_929 = arith.mulf %parallel_loop3A_928, %parallel_loop3A_870 : vector<16xf32>
        %parallel_loop3A_930 = arith.constant 45056 : i32
        %parallel_loop3A_931 = vector.broadcast %parallel_loop3A_930 : i32 to vector<16xi32>
        %parallel_loop3A_932 = arith.addi %parallel_loop3A_864, %parallel_loop3A_931 : vector<16xi32>
        %parallel_loop3A_933 = tpu.vector_load_idx %arg8[%parallel_loop3A_932] : memref<65536xf32, #tpu.memory_space<vmem>>[vector<16xi32>], vector<16xf32>,
        %parallel_loop3A_934 = arith.mulf %parallel_loop3A_933, %parallel_loop3A_870 : vector<16xf32>
        %parallel_loop3A_935 = arith.constant 49152 : i32
        %parallel_loop3A_936 = vector.broadcast %parallel_loop3A_935 : i32 to vector<16xi32>
        %parallel_loop3A_937 = arith.addi %parallel_loop3A_864, %parallel_loop3A_936 : vector<16xi32>
        %parallel_loop3A_938 = tpu.vector_load_idx %arg8[%parallel_loop3A_937] : memref<65536xf32, #tpu.memory_space<vmem>>[vector<16xi32>], vector<16xf32>,
        %parallel_loop3A_939 = arith.mulf %parallel_loop3A_938, %parallel_loop3A_870 : vector<16xf32>
        %parallel_loop3A_940 = arith.constant 53248 : i32
        %parallel_loop3A_941 = vector.broadcast %parallel_loop3A_940 : i32 to vector<16xi32>
        %parallel_loop3A_942 = arith.addi %parallel_loop3A_864, %parallel_loop3A_941 : vector<16xi32>
        %parallel_loop3A_943 = tpu.vector_load_idx %arg8[%parallel_loop3A_942] : memref<65536xf32, #tpu.memory_space<vmem>>[vector<16xi32>], vector<16xf32>,
        %parallel_loop3A_944 = arith.mulf %parallel_loop3A_943, %parallel_loop3A_870 : vector<16xf32>
        %parallel_loop3A_945 = arith.constant 57344 : i32
        %parallel_loop3A_946 = vector.broadcast %parallel_loop3A_945 : i32 to vector<16xi32>
        %parallel_loop3A_947 = arith.addi %parallel_loop3A_864, %parallel_loop3A_946 : vector<16xi32>
        %parallel_loop3A_948 = tpu.vector_load_idx %arg8[%parallel_loop3A_947] : memref<65536xf32, #tpu.memory_space<vmem>>[vector<16xi32>], vector<16xf32>,
        %parallel_loop3A_949 = arith.mulf %parallel_loop3A_948, %parallel_loop3A_870 : vector<16xf32>
        %parallel_loop3A_950 = arith.constant 61440 : i32
        %parallel_loop3A_951 = vector.broadcast %parallel_loop3A_950 : i32 to vector<16xi32>
        %parallel_loop3A_952 = arith.addi %parallel_loop3A_864, %parallel_loop3A_951 : vector<16xi32>
        %parallel_loop3A_953 = tpu.vector_load_idx %arg8[%parallel_loop3A_952] : memref<65536xf32, #tpu.memory_space<vmem>>[vector<16xi32>], vector<16xf32>,
        %parallel_loop3A_954 = arith.mulf %parallel_loop3A_953, %parallel_loop3A_870 : vector<16xf32>
        %parallel_loop3A_955 = arith.constant 0 : i32
        %parallel_loop3A_956 = vector.broadcast %parallel_loop3A_955 : i32 to vector<16xi32>
        %parallel_loop3A_957 = arith.constant 0 : i32
        %parallel_loop3A_958 = arith.constant 0 : i32
        %parallel_loop3A_959 = arith.constant 0 : i32
        %parallel_loop3A_960 = tpu.memref_slice %arg12[%parallel_loop3A_957, %parallel_loop3A_958, %parallel_loop3A_959] : memref<2x1024x16xf32, #tpu.memory_space<vmem>> -> memref<1x1024x16xf32, #tpu.memory_space<vmem>>
        %parallel_loop3A_961 = tpu.memref_squeeze %parallel_loop3A_960 : memref<1x1024x16xf32, #tpu.memory_space<vmem>> -> memref<1024x16xf32, #tpu.memory_space<vmem>>
        tpu.vector_store_idx %parallel_loop3A_961[%parallel_loop3A_874, %parallel_loop3A_956], %parallel_loop3A_879 : memref<1024x16xf32, #tpu.memory_space<vmem>>[vector<16xi32>, vector<16xi32>], vector<16xf32>,
        %parallel_loop3A_962 = arith.constant 1 : i32
        %parallel_loop3A_963 = vector.broadcast %parallel_loop3A_962 : i32 to vector<16xi32>
        %parallel_loop3A_964 = arith.constant 0 : i32
        %parallel_loop3A_965 = arith.constant 0 : i32
        %parallel_loop3A_966 = arith.constant 0 : i32
        %parallel_loop3A_967 = tpu.memref_slice %arg12[%parallel_loop3A_964, %parallel_loop3A_965, %parallel_loop3A_966] : memref<2x1024x16xf32, #tpu.memory_space<vmem>> -> memref<1x1024x16xf32, #tpu.memory_space<vmem>>
        %parallel_loop3A_968 = tpu.memref_squeeze %parallel_loop3A_967 : memref<1x1024x16xf32, #tpu.memory_space<vmem>> -> memref<1024x16xf32, #tpu.memory_space<vmem>>
        tpu.vector_store_idx %parallel_loop3A_968[%parallel_loop3A_874, %parallel_loop3A_963], %parallel_loop3A_884 : memref<1024x16xf32, #tpu.memory_space<vmem>>[vector<16xi32>, vector<16xi32>], vector<16xf32>,
        %parallel_loop3A_969 = arith.constant 2 : i32
        %parallel_loop3A_970 = vector.broadcast %parallel_loop3A_969 : i32 to vector<16xi32>
        %parallel_loop3A_971 = arith.constant 0 : i32
        %parallel_loop3A_972 = arith.constant 0 : i32
        %parallel_loop3A_973 = arith.constant 0 : i32
        %parallel_loop3A_974 = tpu.memref_slice %arg12[%parallel_loop3A_971, %parallel_loop3A_972, %parallel_loop3A_973] : memref<2x1024x16xf32, #tpu.memory_space<vmem>> -> memref<1x1024x16xf32, #tpu.memory_space<vmem>>
        %parallel_loop3A_975 = tpu.memref_squeeze %parallel_loop3A_974 : memref<1x1024x16xf32, #tpu.memory_space<vmem>> -> memref<1024x16xf32, #tpu.memory_space<vmem>>
        tpu.vector_store_idx %parallel_loop3A_975[%parallel_loop3A_874, %parallel_loop3A_970], %parallel_loop3A_889 : memref<1024x16xf32, #tpu.memory_space<vmem>>[vector<16xi32>, vector<16xi32>], vector<16xf32>,
        %parallel_loop3A_976 = arith.constant 3 : i32
        %parallel_loop3A_977 = vector.broadcast %parallel_loop3A_976 : i32 to vector<16xi32>
        %parallel_loop3A_978 = arith.constant 0 : i32
        %parallel_loop3A_979 = arith.constant 0 : i32
        %parallel_loop3A_980 = arith.constant 0 : i32
        %parallel_loop3A_981 = tpu.memref_slice %arg12[%parallel_loop3A_978, %parallel_loop3A_979, %parallel_loop3A_980] : memref<2x1024x16xf32, #tpu.memory_space<vmem>> -> memref<1x1024x16xf32, #tpu.memory_space<vmem>>
        %parallel_loop3A_982 = tpu.memref_squeeze %parallel_loop3A_981 : memref<1x1024x16xf32, #tpu.memory_space<vmem>> -> memref<1024x16xf32, #tpu.memory_space<vmem>>
        tpu.vector_store_idx %parallel_loop3A_982[%parallel_loop3A_874, %parallel_loop3A_977], %parallel_loop3A_894 : memref<1024x16xf32, #tpu.memory_space<vmem>>[vector<16xi32>, vector<16xi32>], vector<16xf32>,
        %parallel_loop3A_983 = arith.constant 4 : i32
        %parallel_loop3A_984 = vector.broadcast %parallel_loop3A_983 : i32 to vector<16xi32>
        %parallel_loop3A_985 = arith.constant 0 : i32
        %parallel_loop3A_986 = arith.constant 0 : i32
        %parallel_loop3A_987 = arith.constant 0 : i32
        %parallel_loop3A_988 = tpu.memref_slice %arg12[%parallel_loop3A_985, %parallel_loop3A_986, %parallel_loop3A_987] : memref<2x1024x16xf32, #tpu.memory_space<vmem>> -> memref<1x1024x16xf32, #tpu.memory_space<vmem>>
        %parallel_loop3A_989 = tpu.memref_squeeze %parallel_loop3A_988 : memref<1x1024x16xf32, #tpu.memory_space<vmem>> -> memref<1024x16xf32, #tpu.memory_space<vmem>>
        tpu.vector_store_idx %parallel_loop3A_989[%parallel_loop3A_874, %parallel_loop3A_984], %parallel_loop3A_899 : memref<1024x16xf32, #tpu.memory_space<vmem>>[vector<16xi32>, vector<16xi32>], vector<16xf32>,
        %parallel_loop3A_990 = arith.constant 5 : i32
        %parallel_loop3A_991 = vector.broadcast %parallel_loop3A_990 : i32 to vector<16xi32>
        %parallel_loop3A_992 = arith.constant 0 : i32
        %parallel_loop3A_993 = arith.constant 0 : i32
        %parallel_loop3A_994 = arith.constant 0 : i32
        %parallel_loop3A_995 = tpu.memref_slice %arg12[%parallel_loop3A_992, %parallel_loop3A_993, %parallel_loop3A_994] : memref<2x1024x16xf32, #tpu.memory_space<vmem>> -> memref<1x1024x16xf32, #tpu.memory_space<vmem>>
        %parallel_loop3A_996 = tpu.memref_squeeze %parallel_loop3A_995 : memref<1x1024x16xf32, #tpu.memory_space<vmem>> -> memref<1024x16xf32, #tpu.memory_space<vmem>>
        tpu.vector_store_idx %parallel_loop3A_996[%parallel_loop3A_874, %parallel_loop3A_991], %parallel_loop3A_904 : memref<1024x16xf32, #tpu.memory_space<vmem>>[vector<16xi32>, vector<16xi32>], vector<16xf32>,
        %parallel_loop3A_997 = arith.constant 6 : i32
        %parallel_loop3A_998 = vector.broadcast %parallel_loop3A_997 : i32 to vector<16xi32>
        %parallel_loop3A_999 = arith.constant 0 : i32
        %parallel_loop3A_1000 = arith.constant 0 : i32
        %parallel_loop3A_1001 = arith.constant 0 : i32
        %parallel_loop3A_1002 = tpu.memref_slice %arg12[%parallel_loop3A_999, %parallel_loop3A_1000, %parallel_loop3A_1001] : memref<2x1024x16xf32, #tpu.memory_space<vmem>> -> memref<1x1024x16xf32, #tpu.memory_space<vmem>>
        %parallel_loop3A_1003 = tpu.memref_squeeze %parallel_loop3A_1002 : memref<1x1024x16xf32, #tpu.memory_space<vmem>> -> memref<1024x16xf32, #tpu.memory_space<vmem>>
        tpu.vector_store_idx %parallel_loop3A_1003[%parallel_loop3A_874, %parallel_loop3A_998], %parallel_loop3A_909 : memref<1024x16xf32, #tpu.memory_space<vmem>>[vector<16xi32>, vector<16xi32>], vector<16xf32>,
        %parallel_loop3A_1004 = arith.constant 7 : i32
        %parallel_loop3A_1005 = vector.broadcast %parallel_loop3A_1004 : i32 to vector<16xi32>
        %parallel_loop3A_1006 = arith.constant 0 : i32
        %parallel_loop3A_1007 = arith.constant 0 : i32
        %parallel_loop3A_1008 = arith.constant 0 : i32
        %parallel_loop3A_1009 = tpu.memref_slice %arg12[%parallel_loop3A_1006, %parallel_loop3A_1007, %parallel_loop3A_1008] : memref<2x1024x16xf32, #tpu.memory_space<vmem>> -> memref<1x1024x16xf32, #tpu.memory_space<vmem>>
        %parallel_loop3A_1010 = tpu.memref_squeeze %parallel_loop3A_1009 : memref<1x1024x16xf32, #tpu.memory_space<vmem>> -> memref<1024x16xf32, #tpu.memory_space<vmem>>
        tpu.vector_store_idx %parallel_loop3A_1010[%parallel_loop3A_874, %parallel_loop3A_1005], %parallel_loop3A_914 : memref<1024x16xf32, #tpu.memory_space<vmem>>[vector<16xi32>, vector<16xi32>], vector<16xf32>,
        %parallel_loop3A_1011 = arith.constant 8 : i32
        %parallel_loop3A_1012 = vector.broadcast %parallel_loop3A_1011 : i32 to vector<16xi32>
        %parallel_loop3A_1013 = arith.constant 0 : i32
        %parallel_loop3A_1014 = arith.constant 0 : i32
        %parallel_loop3A_1015 = arith.constant 0 : i32
        %parallel_loop3A_1016 = tpu.memref_slice %arg12[%parallel_loop3A_1013, %parallel_loop3A_1014, %parallel_loop3A_1015] : memref<2x1024x16xf32, #tpu.memory_space<vmem>> -> memref<1x1024x16xf32, #tpu.memory_space<vmem>>
        %parallel_loop3A_1017 = tpu.memref_squeeze %parallel_loop3A_1016 : memref<1x1024x16xf32, #tpu.memory_space<vmem>> -> memref<1024x16xf32, #tpu.memory_space<vmem>>
        tpu.vector_store_idx %parallel_loop3A_1017[%parallel_loop3A_874, %parallel_loop3A_1012], %parallel_loop3A_919 : memref<1024x16xf32, #tpu.memory_space<vmem>>[vector<16xi32>, vector<16xi32>], vector<16xf32>,
        %parallel_loop3A_1018 = arith.constant 9 : i32
        %parallel_loop3A_1019 = vector.broadcast %parallel_loop3A_1018 : i32 to vector<16xi32>
        %parallel_loop3A_1020 = arith.constant 0 : i32
        %parallel_loop3A_1021 = arith.constant 0 : i32
        %parallel_loop3A_1022 = arith.constant 0 : i32
        %parallel_loop3A_1023 = tpu.memref_slice %arg12[%parallel_loop3A_1020, %parallel_loop3A_1021, %parallel_loop3A_1022] : memref<2x1024x16xf32, #tpu.memory_space<vmem>> -> memref<1x1024x16xf32, #tpu.memory_space<vmem>>
        %parallel_loop3A_1024 = tpu.memref_squeeze %parallel_loop3A_1023 : memref<1x1024x16xf32, #tpu.memory_space<vmem>> -> memref<1024x16xf32, #tpu.memory_space<vmem>>
        tpu.vector_store_idx %parallel_loop3A_1024[%parallel_loop3A_874, %parallel_loop3A_1019], %parallel_loop3A_924 : memref<1024x16xf32, #tpu.memory_space<vmem>>[vector<16xi32>, vector<16xi32>], vector<16xf32>,
        %parallel_loop3A_1025 = arith.constant 10 : i32
        %parallel_loop3A_1026 = vector.broadcast %parallel_loop3A_1025 : i32 to vector<16xi32>
        %parallel_loop3A_1027 = arith.constant 0 : i32
        %parallel_loop3A_1028 = arith.constant 0 : i32
        %parallel_loop3A_1029 = arith.constant 0 : i32
        %parallel_loop3A_1030 = tpu.memref_slice %arg12[%parallel_loop3A_1027, %parallel_loop3A_1028, %parallel_loop3A_1029] : memref<2x1024x16xf32, #tpu.memory_space<vmem>> -> memref<1x1024x16xf32, #tpu.memory_space<vmem>>
        %parallel_loop3A_1031 = tpu.memref_squeeze %parallel_loop3A_1030 : memref<1x1024x16xf32, #tpu.memory_space<vmem>> -> memref<1024x16xf32, #tpu.memory_space<vmem>>
        tpu.vector_store_idx %parallel_loop3A_1031[%parallel_loop3A_874, %parallel_loop3A_1026], %parallel_loop3A_929 : memref<1024x16xf32, #tpu.memory_space<vmem>>[vector<16xi32>, vector<16xi32>], vector<16xf32>,
        %parallel_loop3A_1032 = arith.constant 11 : i32
        %parallel_loop3A_1033 = vector.broadcast %parallel_loop3A_1032 : i32 to vector<16xi32>
        %parallel_loop3A_1034 = arith.constant 0 : i32
        %parallel_loop3A_1035 = arith.constant 0 : i32
        %parallel_loop3A_1036 = arith.constant 0 : i32
        %parallel_loop3A_1037 = tpu.memref_slice %arg12[%parallel_loop3A_1034, %parallel_loop3A_1035, %parallel_loop3A_1036] : memref<2x1024x16xf32, #tpu.memory_space<vmem>> -> memref<1x1024x16xf32, #tpu.memory_space<vmem>>
        %parallel_loop3A_1038 = tpu.memref_squeeze %parallel_loop3A_1037 : memref<1x1024x16xf32, #tpu.memory_space<vmem>> -> memref<1024x16xf32, #tpu.memory_space<vmem>>
        tpu.vector_store_idx %parallel_loop3A_1038[%parallel_loop3A_874, %parallel_loop3A_1033], %parallel_loop3A_934 : memref<1024x16xf32, #tpu.memory_space<vmem>>[vector<16xi32>, vector<16xi32>], vector<16xf32>,
        %parallel_loop3A_1039 = arith.constant 12 : i32
        %parallel_loop3A_1040 = vector.broadcast %parallel_loop3A_1039 : i32 to vector<16xi32>
        %parallel_loop3A_1041 = arith.constant 0 : i32
        %parallel_loop3A_1042 = arith.constant 0 : i32
        %parallel_loop3A_1043 = arith.constant 0 : i32
        %parallel_loop3A_1044 = tpu.memref_slice %arg12[%parallel_loop3A_1041, %parallel_loop3A_1042, %parallel_loop3A_1043] : memref<2x1024x16xf32, #tpu.memory_space<vmem>> -> memref<1x1024x16xf32, #tpu.memory_space<vmem>>
        %parallel_loop3A_1045 = tpu.memref_squeeze %parallel_loop3A_1044 : memref<1x1024x16xf32, #tpu.memory_space<vmem>> -> memref<1024x16xf32, #tpu.memory_space<vmem>>
        tpu.vector_store_idx %parallel_loop3A_1045[%parallel_loop3A_874, %parallel_loop3A_1040], %parallel_loop3A_939 : memref<1024x16xf32, #tpu.memory_space<vmem>>[vector<16xi32>, vector<16xi32>], vector<16xf32>,
        %parallel_loop3A_1046 = arith.constant 13 : i32
        %parallel_loop3A_1047 = vector.broadcast %parallel_loop3A_1046 : i32 to vector<16xi32>
        %parallel_loop3A_1048 = arith.constant 0 : i32
        %parallel_loop3A_1049 = arith.constant 0 : i32
        %parallel_loop3A_1050 = arith.constant 0 : i32
        %parallel_loop3A_1051 = tpu.memref_slice %arg12[%parallel_loop3A_1048, %parallel_loop3A_1049, %parallel_loop3A_1050] : memref<2x1024x16xf32, #tpu.memory_space<vmem>> -> memref<1x1024x16xf32, #tpu.memory_space<vmem>>
        %parallel_loop3A_1052 = tpu.memref_squeeze %parallel_loop3A_1051 : memref<1x1024x16xf32, #tpu.memory_space<vmem>> -> memref<1024x16xf32, #tpu.memory_space<vmem>>
        tpu.vector_store_idx %parallel_loop3A_1052[%parallel_loop3A_874, %parallel_loop3A_1047], %parallel_loop3A_944 : memref<1024x16xf32, #tpu.memory_space<vmem>>[vector<16xi32>, vector<16xi32>], vector<16xf32>,
        %parallel_loop3A_1053 = arith.constant 14 : i32
        %parallel_loop3A_1054 = vector.broadcast %parallel_loop3A_1053 : i32 to vector<16xi32>
        %parallel_loop3A_1055 = arith.constant 0 : i32
        %parallel_loop3A_1056 = arith.constant 0 : i32
        %parallel_loop3A_1057 = arith.constant 0 : i32
        %parallel_loop3A_1058 = tpu.memref_slice %arg12[%parallel_loop3A_1055, %parallel_loop3A_1056, %parallel_loop3A_1057] : memref<2x1024x16xf32, #tpu.memory_space<vmem>> -> memref<1x1024x16xf32, #tpu.memory_space<vmem>>
        %parallel_loop3A_1059 = tpu.memref_squeeze %parallel_loop3A_1058 : memref<1x1024x16xf32, #tpu.memory_space<vmem>> -> memref<1024x16xf32, #tpu.memory_space<vmem>>
        tpu.vector_store_idx %parallel_loop3A_1059[%parallel_loop3A_874, %parallel_loop3A_1054], %parallel_loop3A_949 : memref<1024x16xf32, #tpu.memory_space<vmem>>[vector<16xi32>, vector<16xi32>], vector<16xf32>,
        %parallel_loop3A_1060 = arith.constant 15 : i32
        %parallel_loop3A_1061 = vector.broadcast %parallel_loop3A_1060 : i32 to vector<16xi32>
        %parallel_loop3A_1062 = arith.constant 0 : i32
        %parallel_loop3A_1063 = arith.constant 0 : i32
        %parallel_loop3A_1064 = arith.constant 0 : i32
        %parallel_loop3A_1065 = tpu.memref_slice %arg12[%parallel_loop3A_1062, %parallel_loop3A_1063, %parallel_loop3A_1064] : memref<2x1024x16xf32, #tpu.memory_space<vmem>> -> memref<1x1024x16xf32, #tpu.memory_space<vmem>>
        %parallel_loop3A_1066 = tpu.memref_squeeze %parallel_loop3A_1065 : memref<1x1024x16xf32, #tpu.memory_space<vmem>> -> memref<1024x16xf32, #tpu.memory_space<vmem>>
        tpu.vector_store_idx %parallel_loop3A_1066[%parallel_loop3A_874, %parallel_loop3A_1061], %parallel_loop3A_954 : memref<1024x16xf32, #tpu.memory_space<vmem>>[vector<16xi32>, vector<16xi32>], vector<16xf32>,
      } {sc.loop_unroll_factor = 1 : i64, sc.parallel_access}
      %dma_start3A_269 = arith.constant 0 : i32
      %dma_start3A_270 = arith.constant 0 : i32
      %dma_start3A_271 = arith.constant 0 : i32
      %dma_start3A_272 = arith.constant 0 : i32
      %dma_start3A_273 = arith.constant 0 : i32
      %dma_start3A_274 = tpu.memref_slice %arg12[%dma_start3A_269, %dma_start3A_272, %dma_start3A_273] : memref<2x1024x16xf32, #tpu.memory_space<vmem>> -> memref<1x1024x16xf32, #tpu.memory_space<vmem>>
      %dma_start3A_275 = tpu.memref_squeeze %dma_start3A_274 : memref<1x1024x16xf32, #tpu.memory_space<vmem>> -> memref<1024x16xf32, #tpu.memory_space<vmem>>
      %dma_start3A_276 = arith.constant 0 : i32
      %dma_start3A_277 = arith.constant 0 : i32
      %dma_start3A_278 = tpu.memref_slice %dma_start3A_275[%dma_start3A_276, %dma_start3A_277] : memref<1024x16xf32, #tpu.memory_space<vmem>> -> memref<128x16xf32, #tpu.memory_space<vmem>>
      %dma_start3A_279 = arith.constant 0 : i32
      %dma_start3A_280 = arith.constant 0 : i32
      %dma_start3A_281 = tpu.memref_slice %arg11[%dma_start3A_270, %dma_start3A_279, %dma_start3A_280] : memref<2x8x128xi32, #tpu.memory_space<vmem>> -> memref<1x8x128xi32, #tpu.memory_space<vmem>>
      %dma_start3A_282 = tpu.memref_squeeze %dma_start3A_281 : memref<1x8x128xi32, #tpu.memory_space<vmem>> -> memref<8x128xi32, #tpu.memory_space<vmem>>
      %dma_start3A_283 = arith.constant 0 : i32
      %dma_start3A_284 = tpu.memref_slice %dma_start3A_282[%dma_start3A_271, %dma_start3A_283] : memref<8x128xi32, #tpu.memory_space<vmem>> -> memref<1x128xi32, #tpu.memory_space<vmem>>
      %dma_start3A_285 = tpu.memref_squeeze %dma_start3A_284 : memref<1x128xi32, #tpu.memory_space<vmem>> -> memref<128xi32, #tpu.memory_space<vmem>>
      %dma_start3A_286 = arith.constant 0 : i32
      %dma_start3A_287 = arith.constant 0 : i32
      %dma_start3A_288 = tpu.memref_slice %arg13[%dma_start3A_286, %dma_start3A_287] : memref<4096x16xf32, #tpu.memory_space<vmem_shared>> -> memref<4096x16xf32, #tpu.memory_space<vmem_shared>>
      tpu.enqueue_indirect_dma source(%dma_start3A_278 : memref<128x16xf32, #tpu.memory_space<vmem>>) target(%dma_start3A_288 : memref<4096x16xf32, #tpu.memory_space<vmem_shared>>) offsets(%dma_start3A_285 : memref<128xi32, #tpu.memory_space<vmem>>) semaphore(%arg16 : memref<!tpu.dma_semaphore, #tpu.memory_space<semaphore_mem>>) {add = true}
      %dma_start3A_289 = arith.constant 0 : i32
      %dma_start3A_290 = arith.constant 0 : i32
      %dma_start3A_291 = arith.constant 1 : i32
      %dma_start3A_292 = arith.constant 0 : i32
      %dma_start3A_293 = arith.constant 0 : i32
      %dma_start3A_294 = tpu.memref_slice %arg12[%dma_start3A_289, %dma_start3A_292, %dma_start3A_293] : memref<2x1024x16xf32, #tpu.memory_space<vmem>> -> memref<1x1024x16xf32, #tpu.memory_space<vmem>>
      %dma_start3A_295 = tpu.memref_squeeze %dma_start3A_294 : memref<1x1024x16xf32, #tpu.memory_space<vmem>> -> memref<1024x16xf32, #tpu.memory_space<vmem>>
      %dma_start3A_296 = arith.constant 128 : i32
      %dma_start3A_297 = arith.constant 0 : i32
      %dma_start3A_298 = tpu.memref_slice %dma_start3A_295[%dma_start3A_296, %dma_start3A_297] : memref<1024x16xf32, #tpu.memory_space<vmem>> -> memref<128x16xf32, #tpu.memory_space<vmem>>
      %dma_start3A_299 = arith.constant 0 : i32
      %dma_start3A_300 = arith.constant 0 : i32
      %dma_start3A_301 = tpu.memref_slice %arg11[%dma_start3A_290, %dma_start3A_299, %dma_start3A_300] : memref<2x8x128xi32, #tpu.memory_space<vmem>> -> memref<1x8x128xi32, #tpu.memory_space<vmem>>
      %dma_start3A_302 = tpu.memref_squeeze %dma_start3A_301 : memref<1x8x128xi32, #tpu.memory_space<vmem>> -> memref<8x128xi32, #tpu.memory_space<vmem>>
      %dma_start3A_303 = arith.constant 0 : i32
      %dma_start3A_304 = tpu.memref_slice %dma_start3A_302[%dma_start3A_291, %dma_start3A_303] : memref<8x128xi32, #tpu.memory_space<vmem>> -> memref<1x128xi32, #tpu.memory_space<vmem>>
      %dma_start3A_305 = tpu.memref_squeeze %dma_start3A_304 : memref<1x128xi32, #tpu.memory_space<vmem>> -> memref<128xi32, #tpu.memory_space<vmem>>
      %dma_start3A_306 = arith.constant 0 : i32
      %dma_start3A_307 = arith.constant 0 : i32
      %dma_start3A_308 = tpu.memref_slice %arg13[%dma_start3A_306, %dma_start3A_307] : memref<4096x16xf32, #tpu.memory_space<vmem_shared>> -> memref<4096x16xf32, #tpu.memory_space<vmem_shared>>
      tpu.enqueue_indirect_dma source(%dma_start3A_298 : memref<128x16xf32, #tpu.memory_space<vmem>>) target(%dma_start3A_308 : memref<4096x16xf32, #tpu.memory_space<vmem_shared>>) offsets(%dma_start3A_305 : memref<128xi32, #tpu.memory_space<vmem>>) semaphore(%arg16 : memref<!tpu.dma_semaphore, #tpu.memory_space<semaphore_mem>>) {add = true}
      %dma_start3A_309 = arith.constant 0 : i32
      %dma_start3A_310 = arith.constant 0 : i32
      %dma_start3A_311 = arith.constant 2 : i32
      %dma_start3A_312 = arith.constant 0 : i32
      %dma_start3A_313 = arith.constant 0 : i32
      %dma_start3A_314 = tpu.memref_slice %arg12[%dma_start3A_309, %dma_start3A_312, %dma_start3A_313] : memref<2x1024x16xf32, #tpu.memory_space<vmem>> -> memref<1x1024x16xf32, #tpu.memory_space<vmem>>
      %dma_start3A_315 = tpu.memref_squeeze %dma_start3A_314 : memref<1x1024x16xf32, #tpu.memory_space<vmem>> -> memref<1024x16xf32, #tpu.memory_space<vmem>>
      %dma_start3A_316 = arith.constant 256 : i32
      %dma_start3A_317 = arith.constant 0 : i32
      %dma_start3A_318 = tpu.memref_slice %dma_start3A_315[%dma_start3A_316, %dma_start3A_317] : memref<1024x16xf32, #tpu.memory_space<vmem>> -> memref<128x16xf32, #tpu.memory_space<vmem>>
      %dma_start3A_319 = arith.constant 0 : i32
      %dma_start3A_320 = arith.constant 0 : i32
      %dma_start3A_321 = tpu.memref_slice %arg11[%dma_start3A_310, %dma_start3A_319, %dma_start3A_320] : memref<2x8x128xi32, #tpu.memory_space<vmem>> -> memref<1x8x128xi32, #tpu.memory_space<vmem>>
      %dma_start3A_322 = tpu.memref_squeeze %dma_start3A_321 : memref<1x8x128xi32, #tpu.memory_space<vmem>> -> memref<8x128xi32, #tpu.memory_space<vmem>>
      %dma_start3A_323 = arith.constant 0 : i32
      %dma_start3A_324 = tpu.memref_slice %dma_start3A_322[%dma_start3A_311, %dma_start3A_323] : memref<8x128xi32, #tpu.memory_space<vmem>> -> memref<1x128xi32, #tpu.memory_space<vmem>>
      %dma_start3A_325 = tpu.memref_squeeze %dma_start3A_324 : memref<1x128xi32, #tpu.memory_space<vmem>> -> memref<128xi32, #tpu.memory_space<vmem>>
      %dma_start3A_326 = arith.constant 0 : i32
      %dma_start3A_327 = arith.constant 0 : i32
      %dma_start3A_328 = tpu.memref_slice %arg13[%dma_start3A_326, %dma_start3A_327] : memref<4096x16xf32, #tpu.memory_space<vmem_shared>> -> memref<4096x16xf32, #tpu.memory_space<vmem_shared>>
      tpu.enqueue_indirect_dma source(%dma_start3A_318 : memref<128x16xf32, #tpu.memory_space<vmem>>) target(%dma_start3A_328 : memref<4096x16xf32, #tpu.memory_space<vmem_shared>>) offsets(%dma_start3A_325 : memref<128xi32, #tpu.memory_space<vmem>>) semaphore(%arg16 : memref<!tpu.dma_semaphore, #tpu.memory_space<semaphore_mem>>) {add = true}
      %dma_start3A_329 = arith.constant 0 : i32
      %dma_start3A_330 = arith.constant 0 : i32
      %dma_start3A_331 = arith.constant 3 : i32
      %dma_start3A_332 = arith.constant 0 : i32
      %dma_start3A_333 = arith.constant 0 : i32
      %dma_start3A_334 = tpu.memref_slice %arg12[%dma_start3A_329, %dma_start3A_332, %dma_start3A_333] : memref<2x1024x16xf32, #tpu.memory_space<vmem>> -> memref<1x1024x16xf32, #tpu.memory_space<vmem>>
      %dma_start3A_335 = tpu.memref_squeeze %dma_start3A_334 : memref<1x1024x16xf32, #tpu.memory_space<vmem>> -> memref<1024x16xf32, #tpu.memory_space<vmem>>
      %dma_start3A_336 = arith.constant 384 : i32
      %dma_start3A_337 = arith.constant 0 : i32
      %dma_start3A_338 = tpu.memref_slice %dma_start3A_335[%dma_start3A_336, %dma_start3A_337] : memref<1024x16xf32, #tpu.memory_space<vmem>> -> memref<128x16xf32, #tpu.memory_space<vmem>>
      %dma_start3A_339 = arith.constant 0 : i32
      %dma_start3A_340 = arith.constant 0 : i32
      %dma_start3A_341 = tpu.memref_slice %arg11[%dma_start3A_330, %dma_start3A_339, %dma_start3A_340] : memref<2x8x128xi32, #tpu.memory_space<vmem>> -> memref<1x8x128xi32, #tpu.memory_space<vmem>>
      %dma_start3A_342 = tpu.memref_squeeze %dma_start3A_341 : memref<1x8x128xi32, #tpu.memory_space<vmem>> -> memref<8x128xi32, #tpu.memory_space<vmem>>
      %dma_start3A_343 = arith.constant 0 : i32
      %dma_start3A_344 = tpu.memref_slice %dma_start3A_342[%dma_start3A_331, %dma_start3A_343] : memref<8x128xi32, #tpu.memory_space<vmem>> -> memref<1x128xi32, #tpu.memory_space<vmem>>
      %dma_start3A_345 = tpu.memref_squeeze %dma_start3A_344 : memref<1x128xi32, #tpu.memory_space<vmem>> -> memref<128xi32, #tpu.memory_space<vmem>>
      %dma_start3A_346 = arith.constant 0 : i32
      %dma_start3A_347 = arith.constant 0 : i32
      %dma_start3A_348 = tpu.memref_slice %arg13[%dma_start3A_346, %dma_start3A_347] : memref<4096x16xf32, #tpu.memory_space<vmem_shared>> -> memref<4096x16xf32, #tpu.memory_space<vmem_shared>>
      tpu.enqueue_indirect_dma source(%dma_start3A_338 : memref<128x16xf32, #tpu.memory_space<vmem>>) target(%dma_start3A_348 : memref<4096x16xf32, #tpu.memory_space<vmem_shared>>) offsets(%dma_start3A_345 : memref<128xi32, #tpu.memory_space<vmem>>) semaphore(%arg16 : memref<!tpu.dma_semaphore, #tpu.memory_space<semaphore_mem>>) {add = true}
      %dma_start3A_349 = arith.constant 0 : i32
      %dma_start3A_350 = arith.constant 0 : i32
      %dma_start3A_351 = arith.constant 4 : i32
      %dma_start3A_352 = arith.constant 0 : i32
      %dma_start3A_353 = arith.constant 0 : i32
      %dma_start3A_354 = tpu.memref_slice %arg12[%dma_start3A_349, %dma_start3A_352, %dma_start3A_353] : memref<2x1024x16xf32, #tpu.memory_space<vmem>> -> memref<1x1024x16xf32, #tpu.memory_space<vmem>>
      %dma_start3A_355 = tpu.memref_squeeze %dma_start3A_354 : memref<1x1024x16xf32, #tpu.memory_space<vmem>> -> memref<1024x16xf32, #tpu.memory_space<vmem>>
      %dma_start3A_356 = arith.constant 512 : i32
      %dma_start3A_357 = arith.constant 0 : i32
      %dma_start3A_358 = tpu.memref_slice %dma_start3A_355[%dma_start3A_356, %dma_start3A_357] : memref<1024x16xf32, #tpu.memory_space<vmem>> -> memref<128x16xf32, #tpu.memory_space<vmem>>
      %dma_start3A_359 = arith.constant 0 : i32
      %dma_start3A_360 = arith.constant 0 : i32
      %dma_start3A_361 = tpu.memref_slice %arg11[%dma_start3A_350, %dma_start3A_359, %dma_start3A_360] : memref<2x8x128xi32, #tpu.memory_space<vmem>> -> memref<1x8x128xi32, #tpu.memory_space<vmem>>
      %dma_start3A_362 = tpu.memref_squeeze %dma_start3A_361 : memref<1x8x128xi32, #tpu.memory_space<vmem>> -> memref<8x128xi32, #tpu.memory_space<vmem>>
      %dma_start3A_363 = arith.constant 0 : i32
      %dma_start3A_364 = tpu.memref_slice %dma_start3A_362[%dma_start3A_351, %dma_start3A_363] : memref<8x128xi32, #tpu.memory_space<vmem>> -> memref<1x128xi32, #tpu.memory_space<vmem>>
      %dma_start3A_365 = tpu.memref_squeeze %dma_start3A_364 : memref<1x128xi32, #tpu.memory_space<vmem>> -> memref<128xi32, #tpu.memory_space<vmem>>
      %dma_start3A_366 = arith.constant 0 : i32
      %dma_start3A_367 = arith.constant 0 : i32
      %dma_start3A_368 = tpu.memref_slice %arg13[%dma_start3A_366, %dma_start3A_367] : memref<4096x16xf32, #tpu.memory_space<vmem_shared>> -> memref<4096x16xf32, #tpu.memory_space<vmem_shared>>
      tpu.enqueue_indirect_dma source(%dma_start3A_358 : memref<128x16xf32, #tpu.memory_space<vmem>>) target(%dma_start3A_368 : memref<4096x16xf32, #tpu.memory_space<vmem_shared>>) offsets(%dma_start3A_365 : memref<128xi32, #tpu.memory_space<vmem>>) semaphore(%arg16 : memref<!tpu.dma_semaphore, #tpu.memory_space<semaphore_mem>>) {add = true}
      %dma_start3A_369 = arith.constant 0 : i32
      %dma_start3A_370 = arith.constant 0 : i32
      %dma_start3A_371 = arith.constant 5 : i32
      %dma_start3A_372 = arith.constant 0 : i32
      %dma_start3A_373 = arith.constant 0 : i32
      %dma_start3A_374 = tpu.memref_slice %arg12[%dma_start3A_369, %dma_start3A_372, %dma_start3A_373] : memref<2x1024x16xf32, #tpu.memory_space<vmem>> -> memref<1x1024x16xf32, #tpu.memory_space<vmem>>
      %dma_start3A_375 = tpu.memref_squeeze %dma_start3A_374 : memref<1x1024x16xf32, #tpu.memory_space<vmem>> -> memref<1024x16xf32, #tpu.memory_space<vmem>>
      %dma_start3A_376 = arith.constant 640 : i32
      %dma_start3A_377 = arith.constant 0 : i32
      %dma_start3A_378 = tpu.memref_slice %dma_start3A_375[%dma_start3A_376, %dma_start3A_377] : memref<1024x16xf32, #tpu.memory_space<vmem>> -> memref<128x16xf32, #tpu.memory_space<vmem>>
      %dma_start3A_379 = arith.constant 0 : i32
      %dma_start3A_380 = arith.constant 0 : i32
      %dma_start3A_381 = tpu.memref_slice %arg11[%dma_start3A_370, %dma_start3A_379, %dma_start3A_380] : memref<2x8x128xi32, #tpu.memory_space<vmem>> -> memref<1x8x128xi32, #tpu.memory_space<vmem>>
      %dma_start3A_382 = tpu.memref_squeeze %dma_start3A_381 : memref<1x8x128xi32, #tpu.memory_space<vmem>> -> memref<8x128xi32, #tpu.memory_space<vmem>>
      %dma_start3A_383 = arith.constant 0 : i32
      %dma_start3A_384 = tpu.memref_slice %dma_start3A_382[%dma_start3A_371, %dma_start3A_383] : memref<8x128xi32, #tpu.memory_space<vmem>> -> memref<1x128xi32, #tpu.memory_space<vmem>>
      %dma_start3A_385 = tpu.memref_squeeze %dma_start3A_384 : memref<1x128xi32, #tpu.memory_space<vmem>> -> memref<128xi32, #tpu.memory_space<vmem>>
      %dma_start3A_386 = arith.constant 0 : i32
      %dma_start3A_387 = arith.constant 0 : i32
      %dma_start3A_388 = tpu.memref_slice %arg13[%dma_start3A_386, %dma_start3A_387] : memref<4096x16xf32, #tpu.memory_space<vmem_shared>> -> memref<4096x16xf32, #tpu.memory_space<vmem_shared>>
      tpu.enqueue_indirect_dma source(%dma_start3A_378 : memref<128x16xf32, #tpu.memory_space<vmem>>) target(%dma_start3A_388 : memref<4096x16xf32, #tpu.memory_space<vmem_shared>>) offsets(%dma_start3A_385 : memref<128xi32, #tpu.memory_space<vmem>>) semaphore(%arg16 : memref<!tpu.dma_semaphore, #tpu.memory_space<semaphore_mem>>) {add = true}
      %dma_start3A_389 = arith.constant 0 : i32
      %dma_start3A_390 = arith.constant 0 : i32
      %dma_start3A_391 = arith.constant 6 : i32
      %dma_start3A_392 = arith.constant 0 : i32
      %dma_start3A_393 = arith.constant 0 : i32
      %dma_start3A_394 = tpu.memref_slice %arg12[%dma_start3A_389, %dma_start3A_392, %dma_start3A_393] : memref<2x1024x16xf32, #tpu.memory_space<vmem>> -> memref<1x1024x16xf32, #tpu.memory_space<vmem>>
      %dma_start3A_395 = tpu.memref_squeeze %dma_start3A_394 : memref<1x1024x16xf32, #tpu.memory_space<vmem>> -> memref<1024x16xf32, #tpu.memory_space<vmem>>
      %dma_start3A_396 = arith.constant 768 : i32
      %dma_start3A_397 = arith.constant 0 : i32
      %dma_start3A_398 = tpu.memref_slice %dma_start3A_395[%dma_start3A_396, %dma_start3A_397] : memref<1024x16xf32, #tpu.memory_space<vmem>> -> memref<128x16xf32, #tpu.memory_space<vmem>>
      %dma_start3A_399 = arith.constant 0 : i32
      %dma_start3A_400 = arith.constant 0 : i32
      %dma_start3A_401 = tpu.memref_slice %arg11[%dma_start3A_390, %dma_start3A_399, %dma_start3A_400] : memref<2x8x128xi32, #tpu.memory_space<vmem>> -> memref<1x8x128xi32, #tpu.memory_space<vmem>>
      %dma_start3A_402 = tpu.memref_squeeze %dma_start3A_401 : memref<1x8x128xi32, #tpu.memory_space<vmem>> -> memref<8x128xi32, #tpu.memory_space<vmem>>
      %dma_start3A_403 = arith.constant 0 : i32
      %dma_start3A_404 = tpu.memref_slice %dma_start3A_402[%dma_start3A_391, %dma_start3A_403] : memref<8x128xi32, #tpu.memory_space<vmem>> -> memref<1x128xi32, #tpu.memory_space<vmem>>
      %dma_start3A_405 = tpu.memref_squeeze %dma_start3A_404 : memref<1x128xi32, #tpu.memory_space<vmem>> -> memref<128xi32, #tpu.memory_space<vmem>>
      %dma_start3A_406 = arith.constant 0 : i32
      %dma_start3A_407 = arith.constant 0 : i32
      %dma_start3A_408 = tpu.memref_slice %arg13[%dma_start3A_406, %dma_start3A_407] : memref<4096x16xf32, #tpu.memory_space<vmem_shared>> -> memref<4096x16xf32, #tpu.memory_space<vmem_shared>>
      tpu.enqueue_indirect_dma source(%dma_start3A_398 : memref<128x16xf32, #tpu.memory_space<vmem>>) target(%dma_start3A_408 : memref<4096x16xf32, #tpu.memory_space<vmem_shared>>) offsets(%dma_start3A_405 : memref<128xi32, #tpu.memory_space<vmem>>) semaphore(%arg16 : memref<!tpu.dma_semaphore, #tpu.memory_space<semaphore_mem>>) {add = true}
      %dma_start3A_409 = arith.constant 0 : i32
      %dma_start3A_410 = arith.constant 0 : i32
      %dma_start3A_411 = arith.constant 7 : i32
      %dma_start3A_412 = arith.constant 0 : i32
      %dma_start3A_413 = arith.constant 0 : i32
      %dma_start3A_414 = tpu.memref_slice %arg12[%dma_start3A_409, %dma_start3A_412, %dma_start3A_413] : memref<2x1024x16xf32, #tpu.memory_space<vmem>> -> memref<1x1024x16xf32, #tpu.memory_space<vmem>>
      %dma_start3A_415 = tpu.memref_squeeze %dma_start3A_414 : memref<1x1024x16xf32, #tpu.memory_space<vmem>> -> memref<1024x16xf32, #tpu.memory_space<vmem>>
      %dma_start3A_416 = arith.constant 896 : i32
      %dma_start3A_417 = arith.constant 0 : i32
      %dma_start3A_418 = tpu.memref_slice %dma_start3A_415[%dma_start3A_416, %dma_start3A_417] : memref<1024x16xf32, #tpu.memory_space<vmem>> -> memref<128x16xf32, #tpu.memory_space<vmem>>
      %dma_start3A_419 = arith.constant 0 : i32
      %dma_start3A_420 = arith.constant 0 : i32
      %dma_start3A_421 = tpu.memref_slice %arg11[%dma_start3A_410, %dma_start3A_419, %dma_start3A_420] : memref<2x8x128xi32, #tpu.memory_space<vmem>> -> memref<1x8x128xi32, #tpu.memory_space<vmem>>
      %dma_start3A_422 = tpu.memref_squeeze %dma_start3A_421 : memref<1x8x128xi32, #tpu.memory_space<vmem>> -> memref<8x128xi32, #tpu.memory_space<vmem>>
      %dma_start3A_423 = arith.constant 0 : i32
      %dma_start3A_424 = tpu.memref_slice %dma_start3A_422[%dma_start3A_411, %dma_start3A_423] : memref<8x128xi32, #tpu.memory_space<vmem>> -> memref<1x128xi32, #tpu.memory_space<vmem>>
      %dma_start3A_425 = tpu.memref_squeeze %dma_start3A_424 : memref<1x128xi32, #tpu.memory_space<vmem>> -> memref<128xi32, #tpu.memory_space<vmem>>
      %dma_start3A_426 = arith.constant 0 : i32
      %dma_start3A_427 = arith.constant 0 : i32
      %dma_start3A_428 = tpu.memref_slice %arg13[%dma_start3A_426, %dma_start3A_427] : memref<4096x16xf32, #tpu.memory_space<vmem_shared>> -> memref<4096x16xf32, #tpu.memory_space<vmem_shared>>
      tpu.enqueue_indirect_dma source(%dma_start3A_418 : memref<128x16xf32, #tpu.memory_space<vmem>>) target(%dma_start3A_428 : memref<4096x16xf32, #tpu.memory_space<vmem_shared>>) offsets(%dma_start3A_425 : memref<128xi32, #tpu.memory_space<vmem>>) semaphore(%arg16 : memref<!tpu.dma_semaphore, #tpu.memory_space<semaphore_mem>>) {add = true}
      %gt3A = arith.constant 0 : i32
      %gt3A_429 = arith.cmpi sgt, %add3A_226, %gt3A : i32
      %convert_element_type3A = arith.extui %gt3A_429 : i1 to i32
      %cond3A = arith.constant 0 : i32
      %cond3A_430 = arith.cmpi ne, %convert_element_type3A, %cond3A : i32
      scf.if %cond3A_430 {
        %dma_wait3A_858 = arith.constant 1 : i32
        %dma_wait3A_859 = arith.constant 1 : i32
        %dma_wait3A_860 = arith.constant 0 : i32
        %dma_wait3A_861 = arith.constant 0 : i32
        %dma_wait3A_862 = arith.constant 0 : i32
        %dma_wait3A_863 = tpu.memref_slice %arg12[%dma_wait3A_858, %dma_wait3A_861, %dma_wait3A_862] : memref<2x1024x16xf32, #tpu.memory_space<vmem>> -> memref<1x1024x16xf32, #tpu.memory_space<vmem>>
        %dma_wait3A_864 = tpu.memref_squeeze %dma_wait3A_863 : memref<1x1024x16xf32, #tpu.memory_space<vmem>> -> memref<1024x16xf32, #tpu.memory_space<vmem>>
        %dma_wait3A_865 = arith.constant 0 : i32
        %dma_wait3A_866 = arith.constant 0 : i32
        %dma_wait3A_867 = tpu.memref_slice %dma_wait3A_864[%dma_wait3A_865, %dma_wait3A_866] : memref<1024x16xf32, #tpu.memory_space<vmem>> -> memref<128x16xf32, #tpu.memory_space<vmem>>
        %dma_wait3A_868 = arith.constant 0 : i32
        %dma_wait3A_869 = arith.constant 0 : i32
        %dma_wait3A_870 = tpu.memref_slice %arg11[%dma_wait3A_859, %dma_wait3A_868, %dma_wait3A_869] : memref<2x8x128xi32, #tpu.memory_space<vmem>> -> memref<1x8x128xi32, #tpu.memory_space<vmem>>
        %dma_wait3A_871 = tpu.memref_squeeze %dma_wait3A_870 : memref<1x8x128xi32, #tpu.memory_space<vmem>> -> memref<8x128xi32, #tpu.memory_space<vmem>>
        %dma_wait3A_872 = arith.constant 0 : i32
        %dma_wait3A_873 = tpu.memref_slice %dma_wait3A_871[%dma_wait3A_860, %dma_wait3A_872] : memref<8x128xi32, #tpu.memory_space<vmem>> -> memref<1x128xi32, #tpu.memory_space<vmem>>
        %dma_wait3A_874 = tpu.memref_squeeze %dma_wait3A_873 : memref<1x128xi32, #tpu.memory_space<vmem>> -> memref<128xi32, #tpu.memory_space<vmem>>
        %dma_wait3A_875 = arith.constant 0 : i32
        %dma_wait3A_876 = arith.constant 0 : i32
        %dma_wait3A_877 = tpu.memref_slice %arg13[%dma_wait3A_875, %dma_wait3A_876] : memref<4096x16xf32, #tpu.memory_space<vmem_shared>> -> memref<4096x16xf32, #tpu.memory_space<vmem_shared>>
        tpu.wait_indirect_dma semaphore(%arg17 : memref<!tpu.dma_semaphore, #tpu.memory_space<semaphore_mem>>) src(%dma_wait3A_867 : memref<128x16xf32, #tpu.memory_space<vmem>>) dst(%dma_wait3A_877 : memref<4096x16xf32, #tpu.memory_space<vmem_shared>>)
        %dma_wait3A_878 = arith.constant 1 : i32
        %dma_wait3A_879 = arith.constant 1 : i32
        %dma_wait3A_880 = arith.constant 1 : i32
        %dma_wait3A_881 = arith.constant 0 : i32
        %dma_wait3A_882 = arith.constant 0 : i32
        %dma_wait3A_883 = tpu.memref_slice %arg12[%dma_wait3A_878, %dma_wait3A_881, %dma_wait3A_882] : memref<2x1024x16xf32, #tpu.memory_space<vmem>> -> memref<1x1024x16xf32, #tpu.memory_space<vmem>>
        %dma_wait3A_884 = tpu.memref_squeeze %dma_wait3A_883 : memref<1x1024x16xf32, #tpu.memory_space<vmem>> -> memref<1024x16xf32, #tpu.memory_space<vmem>>
        %dma_wait3A_885 = arith.constant 128 : i32
        %dma_wait3A_886 = arith.constant 0 : i32
        %dma_wait3A_887 = tpu.memref_slice %dma_wait3A_884[%dma_wait3A_885, %dma_wait3A_886] : memref<1024x16xf32, #tpu.memory_space<vmem>> -> memref<128x16xf32, #tpu.memory_space<vmem>>
        %dma_wait3A_888 = arith.constant 0 : i32
        %dma_wait3A_889 = arith.constant 0 : i32
        %dma_wait3A_890 = tpu.memref_slice %arg11[%dma_wait3A_879, %dma_wait3A_888, %dma_wait3A_889] : memref<2x8x128xi32, #tpu.memory_space<vmem>> -> memref<1x8x128xi32, #tpu.memory_space<vmem>>
        %dma_wait3A_891 = tpu.memref_squeeze %dma_wait3A_890 : memref<1x8x128xi32, #tpu.memory_space<vmem>> -> memref<8x128xi32, #tpu.memory_space<vmem>>
        %dma_wait3A_892 = arith.constant 0 : i32
        %dma_wait3A_893 = tpu.memref_slice %dma_wait3A_891[%dma_wait3A_880, %dma_wait3A_892] : memref<8x128xi32, #tpu.memory_space<vmem>> -> memref<1x128xi32, #tpu.memory_space<vmem>>
        %dma_wait3A_894 = tpu.memref_squeeze %dma_wait3A_893 : memref<1x128xi32, #tpu.memory_space<vmem>> -> memref<128xi32, #tpu.memory_space<vmem>>
        %dma_wait3A_895 = arith.constant 0 : i32
        %dma_wait3A_896 = arith.constant 0 : i32
        %dma_wait3A_897 = tpu.memref_slice %arg13[%dma_wait3A_895, %dma_wait3A_896] : memref<4096x16xf32, #tpu.memory_space<vmem_shared>> -> memref<4096x16xf32, #tpu.memory_space<vmem_shared>>
        tpu.wait_indirect_dma semaphore(%arg17 : memref<!tpu.dma_semaphore, #tpu.memory_space<semaphore_mem>>) src(%dma_wait3A_887 : memref<128x16xf32, #tpu.memory_space<vmem>>) dst(%dma_wait3A_897 : memref<4096x16xf32, #tpu.memory_space<vmem_shared>>)
        %dma_wait3A_898 = arith.constant 1 : i32
        %dma_wait3A_899 = arith.constant 1 : i32
        %dma_wait3A_900 = arith.constant 2 : i32
        %dma_wait3A_901 = arith.constant 0 : i32
        %dma_wait3A_902 = arith.constant 0 : i32
        %dma_wait3A_903 = tpu.memref_slice %arg12[%dma_wait3A_898, %dma_wait3A_901, %dma_wait3A_902] : memref<2x1024x16xf32, #tpu.memory_space<vmem>> -> memref<1x1024x16xf32, #tpu.memory_space<vmem>>
        %dma_wait3A_904 = tpu.memref_squeeze %dma_wait3A_903 : memref<1x1024x16xf32, #tpu.memory_space<vmem>> -> memref<1024x16xf32, #tpu.memory_space<vmem>>
        %dma_wait3A_905 = arith.constant 256 : i32
        %dma_wait3A_906 = arith.constant 0 : i32
        %dma_wait3A_907 = tpu.memref_slice %dma_wait3A_904[%dma_wait3A_905, %dma_wait3A_906] : memref<1024x16xf32, #tpu.memory_space<vmem>> -> memref<128x16xf32, #tpu.memory_space<vmem>>
        %dma_wait3A_908 = arith.constant 0 : i32
        %dma_wait3A_909 = arith.constant 0 : i32
        %dma_wait3A_910 = tpu.memref_slice %arg11[%dma_wait3A_899, %dma_wait3A_908, %dma_wait3A_909] : memref<2x8x128xi32, #tpu.memory_space<vmem>> -> memref<1x8x128xi32, #tpu.memory_space<vmem>>
        %dma_wait3A_911 = tpu.memref_squeeze %dma_wait3A_910 : memref<1x8x128xi32, #tpu.memory_space<vmem>> -> memref<8x128xi32, #tpu.memory_space<vmem>>
        %dma_wait3A_912 = arith.constant 0 : i32
        %dma_wait3A_913 = tpu.memref_slice %dma_wait3A_911[%dma_wait3A_900, %dma_wait3A_912] : memref<8x128xi32, #tpu.memory_space<vmem>> -> memref<1x128xi32, #tpu.memory_space<vmem>>
        %dma_wait3A_914 = tpu.memref_squeeze %dma_wait3A_913 : memref<1x128xi32, #tpu.memory_space<vmem>> -> memref<128xi32, #tpu.memory_space<vmem>>
        %dma_wait3A_915 = arith.constant 0 : i32
        %dma_wait3A_916 = arith.constant 0 : i32
        %dma_wait3A_917 = tpu.memref_slice %arg13[%dma_wait3A_915, %dma_wait3A_916] : memref<4096x16xf32, #tpu.memory_space<vmem_shared>> -> memref<4096x16xf32, #tpu.memory_space<vmem_shared>>
        tpu.wait_indirect_dma semaphore(%arg17 : memref<!tpu.dma_semaphore, #tpu.memory_space<semaphore_mem>>) src(%dma_wait3A_907 : memref<128x16xf32, #tpu.memory_space<vmem>>) dst(%dma_wait3A_917 : memref<4096x16xf32, #tpu.memory_space<vmem_shared>>)
        %dma_wait3A_918 = arith.constant 1 : i32
        %dma_wait3A_919 = arith.constant 1 : i32
        %dma_wait3A_920 = arith.constant 3 : i32
        %dma_wait3A_921 = arith.constant 0 : i32
        %dma_wait3A_922 = arith.constant 0 : i32
        %dma_wait3A_923 = tpu.memref_slice %arg12[%dma_wait3A_918, %dma_wait3A_921, %dma_wait3A_922] : memref<2x1024x16xf32, #tpu.memory_space<vmem>> -> memref<1x1024x16xf32, #tpu.memory_space<vmem>>
        %dma_wait3A_924 = tpu.memref_squeeze %dma_wait3A_923 : memref<1x1024x16xf32, #tpu.memory_space<vmem>> -> memref<1024x16xf32, #tpu.memory_space<vmem>>
        %dma_wait3A_925 = arith.constant 384 : i32
        %dma_wait3A_926 = arith.constant 0 : i32
        %dma_wait3A_927 = tpu.memref_slice %dma_wait3A_924[%dma_wait3A_925, %dma_wait3A_926] : memref<1024x16xf32, #tpu.memory_space<vmem>> -> memref<128x16xf32, #tpu.memory_space<vmem>>
        %dma_wait3A_928 = arith.constant 0 : i32
        %dma_wait3A_929 = arith.constant 0 : i32
        %dma_wait3A_930 = tpu.memref_slice %arg11[%dma_wait3A_919, %dma_wait3A_928, %dma_wait3A_929] : memref<2x8x128xi32, #tpu.memory_space<vmem>> -> memref<1x8x128xi32, #tpu.memory_space<vmem>>
        %dma_wait3A_931 = tpu.memref_squeeze %dma_wait3A_930 : memref<1x8x128xi32, #tpu.memory_space<vmem>> -> memref<8x128xi32, #tpu.memory_space<vmem>>
        %dma_wait3A_932 = arith.constant 0 : i32
        %dma_wait3A_933 = tpu.memref_slice %dma_wait3A_931[%dma_wait3A_920, %dma_wait3A_932] : memref<8x128xi32, #tpu.memory_space<vmem>> -> memref<1x128xi32, #tpu.memory_space<vmem>>
        %dma_wait3A_934 = tpu.memref_squeeze %dma_wait3A_933 : memref<1x128xi32, #tpu.memory_space<vmem>> -> memref<128xi32, #tpu.memory_space<vmem>>
        %dma_wait3A_935 = arith.constant 0 : i32
        %dma_wait3A_936 = arith.constant 0 : i32
        %dma_wait3A_937 = tpu.memref_slice %arg13[%dma_wait3A_935, %dma_wait3A_936] : memref<4096x16xf32, #tpu.memory_space<vmem_shared>> -> memref<4096x16xf32, #tpu.memory_space<vmem_shared>>
        tpu.wait_indirect_dma semaphore(%arg17 : memref<!tpu.dma_semaphore, #tpu.memory_space<semaphore_mem>>) src(%dma_wait3A_927 : memref<128x16xf32, #tpu.memory_space<vmem>>) dst(%dma_wait3A_937 : memref<4096x16xf32, #tpu.memory_space<vmem_shared>>)
        %dma_wait3A_938 = arith.constant 1 : i32
        %dma_wait3A_939 = arith.constant 1 : i32
        %dma_wait3A_940 = arith.constant 4 : i32
        %dma_wait3A_941 = arith.constant 0 : i32
        %dma_wait3A_942 = arith.constant 0 : i32
        %dma_wait3A_943 = tpu.memref_slice %arg12[%dma_wait3A_938, %dma_wait3A_941, %dma_wait3A_942] : memref<2x1024x16xf32, #tpu.memory_space<vmem>> -> memref<1x1024x16xf32, #tpu.memory_space<vmem>>
        %dma_wait3A_944 = tpu.memref_squeeze %dma_wait3A_943 : memref<1x1024x16xf32, #tpu.memory_space<vmem>> -> memref<1024x16xf32, #tpu.memory_space<vmem>>
        %dma_wait3A_945 = arith.constant 512 : i32
        %dma_wait3A_946 = arith.constant 0 : i32
        %dma_wait3A_947 = tpu.memref_slice %dma_wait3A_944[%dma_wait3A_945, %dma_wait3A_946] : memref<1024x16xf32, #tpu.memory_space<vmem>> -> memref<128x16xf32, #tpu.memory_space<vmem>>
        %dma_wait3A_948 = arith.constant 0 : i32
        %dma_wait3A_949 = arith.constant 0 : i32
        %dma_wait3A_950 = tpu.memref_slice %arg11[%dma_wait3A_939, %dma_wait3A_948, %dma_wait3A_949] : memref<2x8x128xi32, #tpu.memory_space<vmem>> -> memref<1x8x128xi32, #tpu.memory_space<vmem>>
        %dma_wait3A_951 = tpu.memref_squeeze %dma_wait3A_950 : memref<1x8x128xi32, #tpu.memory_space<vmem>> -> memref<8x128xi32, #tpu.memory_space<vmem>>
        %dma_wait3A_952 = arith.constant 0 : i32
        %dma_wait3A_953 = tpu.memref_slice %dma_wait3A_951[%dma_wait3A_940, %dma_wait3A_952] : memref<8x128xi32, #tpu.memory_space<vmem>> -> memref<1x128xi32, #tpu.memory_space<vmem>>
        %dma_wait3A_954 = tpu.memref_squeeze %dma_wait3A_953 : memref<1x128xi32, #tpu.memory_space<vmem>> -> memref<128xi32, #tpu.memory_space<vmem>>
        %dma_wait3A_955 = arith.constant 0 : i32
        %dma_wait3A_956 = arith.constant 0 : i32
        %dma_wait3A_957 = tpu.memref_slice %arg13[%dma_wait3A_955, %dma_wait3A_956] : memref<4096x16xf32, #tpu.memory_space<vmem_shared>> -> memref<4096x16xf32, #tpu.memory_space<vmem_shared>>
        tpu.wait_indirect_dma semaphore(%arg17 : memref<!tpu.dma_semaphore, #tpu.memory_space<semaphore_mem>>) src(%dma_wait3A_947 : memref<128x16xf32, #tpu.memory_space<vmem>>) dst(%dma_wait3A_957 : memref<4096x16xf32, #tpu.memory_space<vmem_shared>>)
        %dma_wait3A_958 = arith.constant 1 : i32
        %dma_wait3A_959 = arith.constant 1 : i32
        %dma_wait3A_960 = arith.constant 5 : i32
        %dma_wait3A_961 = arith.constant 0 : i32
        %dma_wait3A_962 = arith.constant 0 : i32
        %dma_wait3A_963 = tpu.memref_slice %arg12[%dma_wait3A_958, %dma_wait3A_961, %dma_wait3A_962] : memref<2x1024x16xf32, #tpu.memory_space<vmem>> -> memref<1x1024x16xf32, #tpu.memory_space<vmem>>
        %dma_wait3A_964 = tpu.memref_squeeze %dma_wait3A_963 : memref<1x1024x16xf32, #tpu.memory_space<vmem>> -> memref<1024x16xf32, #tpu.memory_space<vmem>>
        %dma_wait3A_965 = arith.constant 640 : i32
        %dma_wait3A_966 = arith.constant 0 : i32
        %dma_wait3A_967 = tpu.memref_slice %dma_wait3A_964[%dma_wait3A_965, %dma_wait3A_966] : memref<1024x16xf32, #tpu.memory_space<vmem>> -> memref<128x16xf32, #tpu.memory_space<vmem>>
        %dma_wait3A_968 = arith.constant 0 : i32
        %dma_wait3A_969 = arith.constant 0 : i32
        %dma_wait3A_970 = tpu.memref_slice %arg11[%dma_wait3A_959, %dma_wait3A_968, %dma_wait3A_969] : memref<2x8x128xi32, #tpu.memory_space<vmem>> -> memref<1x8x128xi32, #tpu.memory_space<vmem>>
        %dma_wait3A_971 = tpu.memref_squeeze %dma_wait3A_970 : memref<1x8x128xi32, #tpu.memory_space<vmem>> -> memref<8x128xi32, #tpu.memory_space<vmem>>
        %dma_wait3A_972 = arith.constant 0 : i32
        %dma_wait3A_973 = tpu.memref_slice %dma_wait3A_971[%dma_wait3A_960, %dma_wait3A_972] : memref<8x128xi32, #tpu.memory_space<vmem>> -> memref<1x128xi32, #tpu.memory_space<vmem>>
        %dma_wait3A_974 = tpu.memref_squeeze %dma_wait3A_973 : memref<1x128xi32, #tpu.memory_space<vmem>> -> memref<128xi32, #tpu.memory_space<vmem>>
        %dma_wait3A_975 = arith.constant 0 : i32
        %dma_wait3A_976 = arith.constant 0 : i32
        %dma_wait3A_977 = tpu.memref_slice %arg13[%dma_wait3A_975, %dma_wait3A_976] : memref<4096x16xf32, #tpu.memory_space<vmem_shared>> -> memref<4096x16xf32, #tpu.memory_space<vmem_shared>>
        tpu.wait_indirect_dma semaphore(%arg17 : memref<!tpu.dma_semaphore, #tpu.memory_space<semaphore_mem>>) src(%dma_wait3A_967 : memref<128x16xf32, #tpu.memory_space<vmem>>) dst(%dma_wait3A_977 : memref<4096x16xf32, #tpu.memory_space<vmem_shared>>)
        %dma_wait3A_978 = arith.constant 1 : i32
        %dma_wait3A_979 = arith.constant 1 : i32
        %dma_wait3A_980 = arith.constant 6 : i32
        %dma_wait3A_981 = arith.constant 0 : i32
        %dma_wait3A_982 = arith.constant 0 : i32
        %dma_wait3A_983 = tpu.memref_slice %arg12[%dma_wait3A_978, %dma_wait3A_981, %dma_wait3A_982] : memref<2x1024x16xf32, #tpu.memory_space<vmem>> -> memref<1x1024x16xf32, #tpu.memory_space<vmem>>
        %dma_wait3A_984 = tpu.memref_squeeze %dma_wait3A_983 : memref<1x1024x16xf32, #tpu.memory_space<vmem>> -> memref<1024x16xf32, #tpu.memory_space<vmem>>
        %dma_wait3A_985 = arith.constant 768 : i32
        %dma_wait3A_986 = arith.constant 0 : i32
        %dma_wait3A_987 = tpu.memref_slice %dma_wait3A_984[%dma_wait3A_985, %dma_wait3A_986] : memref<1024x16xf32, #tpu.memory_space<vmem>> -> memref<128x16xf32, #tpu.memory_space<vmem>>
        %dma_wait3A_988 = arith.constant 0 : i32
        %dma_wait3A_989 = arith.constant 0 : i32
        %dma_wait3A_990 = tpu.memref_slice %arg11[%dma_wait3A_979, %dma_wait3A_988, %dma_wait3A_989] : memref<2x8x128xi32, #tpu.memory_space<vmem>> -> memref<1x8x128xi32, #tpu.memory_space<vmem>>
        %dma_wait3A_991 = tpu.memref_squeeze %dma_wait3A_990 : memref<1x8x128xi32, #tpu.memory_space<vmem>> -> memref<8x128xi32, #tpu.memory_space<vmem>>
        %dma_wait3A_992 = arith.constant 0 : i32
        %dma_wait3A_993 = tpu.memref_slice %dma_wait3A_991[%dma_wait3A_980, %dma_wait3A_992] : memref<8x128xi32, #tpu.memory_space<vmem>> -> memref<1x128xi32, #tpu.memory_space<vmem>>
        %dma_wait3A_994 = tpu.memref_squeeze %dma_wait3A_993 : memref<1x128xi32, #tpu.memory_space<vmem>> -> memref<128xi32, #tpu.memory_space<vmem>>
        %dma_wait3A_995 = arith.constant 0 : i32
        %dma_wait3A_996 = arith.constant 0 : i32
        %dma_wait3A_997 = tpu.memref_slice %arg13[%dma_wait3A_995, %dma_wait3A_996] : memref<4096x16xf32, #tpu.memory_space<vmem_shared>> -> memref<4096x16xf32, #tpu.memory_space<vmem_shared>>
        tpu.wait_indirect_dma semaphore(%arg17 : memref<!tpu.dma_semaphore, #tpu.memory_space<semaphore_mem>>) src(%dma_wait3A_987 : memref<128x16xf32, #tpu.memory_space<vmem>>) dst(%dma_wait3A_997 : memref<4096x16xf32, #tpu.memory_space<vmem_shared>>)
        %dma_wait3A_998 = arith.constant 1 : i32
        %dma_wait3A_999 = arith.constant 1 : i32
        %dma_wait3A_1000 = arith.constant 7 : i32
        %dma_wait3A_1001 = arith.constant 0 : i32
        %dma_wait3A_1002 = arith.constant 0 : i32
        %dma_wait3A_1003 = tpu.memref_slice %arg12[%dma_wait3A_998, %dma_wait3A_1001, %dma_wait3A_1002] : memref<2x1024x16xf32, #tpu.memory_space<vmem>> -> memref<1x1024x16xf32, #tpu.memory_space<vmem>>
        %dma_wait3A_1004 = tpu.memref_squeeze %dma_wait3A_1003 : memref<1x1024x16xf32, #tpu.memory_space<vmem>> -> memref<1024x16xf32, #tpu.memory_space<vmem>>
        %dma_wait3A_1005 = arith.constant 896 : i32
        %dma_wait3A_1006 = arith.constant 0 : i32
        %dma_wait3A_1007 = tpu.memref_slice %dma_wait3A_1004[%dma_wait3A_1005, %dma_wait3A_1006] : memref<1024x16xf32, #tpu.memory_space<vmem>> -> memref<128x16xf32, #tpu.memory_space<vmem>>
        %dma_wait3A_1008 = arith.constant 0 : i32
        %dma_wait3A_1009 = arith.constant 0 : i32
        %dma_wait3A_1010 = tpu.memref_slice %arg11[%dma_wait3A_999, %dma_wait3A_1008, %dma_wait3A_1009] : memref<2x8x128xi32, #tpu.memory_space<vmem>> -> memref<1x8x128xi32, #tpu.memory_space<vmem>>
        %dma_wait3A_1011 = tpu.memref_squeeze %dma_wait3A_1010 : memref<1x8x128xi32, #tpu.memory_space<vmem>> -> memref<8x128xi32, #tpu.memory_space<vmem>>
        %dma_wait3A_1012 = arith.constant 0 : i32
        %dma_wait3A_1013 = tpu.memref_slice %dma_wait3A_1011[%dma_wait3A_1000, %dma_wait3A_1012] : memref<8x128xi32, #tpu.memory_space<vmem>> -> memref<1x128xi32, #tpu.memory_space<vmem>>
        %dma_wait3A_1014 = tpu.memref_squeeze %dma_wait3A_1013 : memref<1x128xi32, #tpu.memory_space<vmem>> -> memref<128xi32, #tpu.memory_space<vmem>>
        %dma_wait3A_1015 = arith.constant 0 : i32
        %dma_wait3A_1016 = arith.constant 0 : i32
        %dma_wait3A_1017 = tpu.memref_slice %arg13[%dma_wait3A_1015, %dma_wait3A_1016] : memref<4096x16xf32, #tpu.memory_space<vmem_shared>> -> memref<4096x16xf32, #tpu.memory_space<vmem_shared>>
        tpu.wait_indirect_dma semaphore(%arg17 : memref<!tpu.dma_semaphore, #tpu.memory_space<semaphore_mem>>) src(%dma_wait3A_1007 : memref<128x16xf32, #tpu.memory_space<vmem>>) dst(%dma_wait3A_1017 : memref<4096x16xf32, #tpu.memory_space<vmem_shared>>)
      } else {
      }
      %add3A_431 = arith.constant 1 : i32
      %add3A_432 = arith.addi %mul3A_228, %add3A_431 : i32
      %mul3A_433 = arith.constant 1024 : i32
      %mul3A_434 = arith.muli %add3A_432, %mul3A_433 : i32
      %add3A_435 = arith.addi %mul3A_7, %mul3A_434 : i32
      %jit3A_436 = arith.constant 128 : i32
      %div3A_437 = arith.divsi %add3A_435, %jit3A_436 : i32
      %sign3A_438 = arith.constant 0 : i32
      %sign3A_439 = arith.cmpi sgt, %add3A_435, %sign3A_438 : i32
      %sign3A_440 = arith.extui %sign3A_439 : i1 to i32
      %sign3A_441 = arith.constant 0 : i32
      %sign3A_442 = arith.cmpi slt, %add3A_435, %sign3A_441 : i32
      %sign3A_443 = arith.extui %sign3A_442 : i1 to i32
      %sign3A_444 = arith.subi %sign3A_440, %sign3A_443 : i32
      %sign3A_445 = arith.constant 0 : i32
      %sign3A_446 = arith.cmpi sgt, %jit3A_436, %sign3A_445 : i32
      %sign3A_447 = arith.extui %sign3A_446 : i1 to i32
      %sign3A_448 = arith.constant 0 : i32
      %sign3A_449 = arith.cmpi slt, %jit3A_436, %sign3A_448 : i32
      %sign3A_450 = arith.extui %sign3A_449 : i1 to i32
      %sign3A_451 = arith.subi %sign3A_447, %sign3A_450 : i32
      %ne3A_452 = arith.cmpi ne, %sign3A_444, %sign3A_451 : i32
      %rem3A_453 = arith.remsi %add3A_435, %jit3A_436 : i32
      %ne3A_454 = arith.constant 0 : i32
      %ne3A_455 = arith.cmpi ne, %rem3A_453, %ne3A_454 : i32
      %and3A_456 = arith.andi %ne3A_452, %ne3A_455 : i1
      %sub3A_457 = arith.constant 1 : i32
      %sub3A_458 = arith.subi %div3A_437, %sub3A_457 : i32
      %select_n3A_459 = arith.select %and3A_456, %sub3A_458, %div3A_437 : i32
      %multiple_of3A_460 = tpu.assume_multiple %select_n3A_459, 8 : i32
      %dma_start3A_461 = arith.constant 1 : i32
      %dma_start3A_462 = arith.constant 0 : i32
      %dma_start3A_463 = tpu.memref_slice %arg9[%dma_start3A_461, %dma_start3A_462] : memref<2x1024xi32, #tpu.memory_space<vmem>> -> memref<1x1024xi32, #tpu.memory_space<vmem>>
      %dma_start3A_464 = tpu.memref_squeeze %dma_start3A_463 : memref<1x1024xi32, #tpu.memory_space<vmem>> -> memref<1024xi32, #tpu.memory_space<vmem>>
      %dma_start3A_465 = tpu.memref_slice %arg3[%add3A_435] : memref<1703936xi32, #tpu.memory_space<hbm>> -> memref<1024xi32, #tpu.memory_space<hbm>>
      %dma_start3A_466 = arith.constant 0 : i32
      %dma_start3A_467 = tpu.memref_slice %arg9[%dma_start3A_461, %dma_start3A_466] : memref<2x1024xi32, #tpu.memory_space<vmem>> -> memref<1x1024xi32, #tpu.memory_space<vmem>>
      %dma_start3A_468 = tpu.memref_squeeze %dma_start3A_467 : memref<1x1024xi32, #tpu.memory_space<vmem>> -> memref<1024xi32, #tpu.memory_space<vmem>>
      %dma_start3A_469 = tpu.memref_slice %arg3[%add3A_435] : memref<1703936xi32, #tpu.memory_space<hbm>> -> memref<1024xi32, #tpu.memory_space<hbm>>
      tpu.enqueue_dma source(%dma_start3A_469 : memref<1024xi32, #tpu.memory_space<hbm>>) target(%dma_start3A_468 : memref<1024xi32, #tpu.memory_space<vmem>>) target_semaphore(%arg15 : memref<!tpu.dma_semaphore, #tpu.memory_space<semaphore_mem>>)
      %dma_start3A_470 = arith.constant 1 : i32
      %dma_start3A_471 = arith.constant 0 : i32
      %dma_start3A_472 = tpu.memref_slice %arg10[%dma_start3A_470, %dma_start3A_471] : memref<2x1024xf32, #tpu.memory_space<vmem>> -> memref<1x1024xf32, #tpu.memory_space<vmem>>
      %dma_start3A_473 = tpu.memref_squeeze %dma_start3A_472 : memref<1x1024xf32, #tpu.memory_space<vmem>> -> memref<1024xf32, #tpu.memory_space<vmem>>
      %dma_start3A_474 = tpu.memref_slice %arg4[%add3A_435] : memref<1703936xf32, #tpu.memory_space<hbm>> -> memref<1024xf32, #tpu.memory_space<hbm>>
      %dma_start3A_475 = arith.constant 0 : i32
      %dma_start3A_476 = tpu.memref_slice %arg10[%dma_start3A_470, %dma_start3A_475] : memref<2x1024xf32, #tpu.memory_space<vmem>> -> memref<1x1024xf32, #tpu.memory_space<vmem>>
      %dma_start3A_477 = tpu.memref_squeeze %dma_start3A_476 : memref<1x1024xf32, #tpu.memory_space<vmem>> -> memref<1024xf32, #tpu.memory_space<vmem>>
      %dma_start3A_478 = tpu.memref_slice %arg4[%add3A_435] : memref<1703936xf32, #tpu.memory_space<hbm>> -> memref<1024xf32, #tpu.memory_space<hbm>>
      tpu.enqueue_dma source(%dma_start3A_478 : memref<1024xf32, #tpu.memory_space<hbm>>) target(%dma_start3A_477 : memref<1024xf32, #tpu.memory_space<vmem>>) target_semaphore(%arg15 : memref<!tpu.dma_semaphore, #tpu.memory_space<semaphore_mem>>)
      %dma_start3A_479 = arith.constant 1 : i32
      %dma_start3A_480 = arith.constant 0 : i32
      %dma_start3A_481 = arith.constant 0 : i32
      %dma_start3A_482 = tpu.memref_slice %arg11[%dma_start3A_479, %dma_start3A_480, %dma_start3A_481] : memref<2x8x128xi32, #tpu.memory_space<vmem>> -> memref<1x8x128xi32, #tpu.memory_space<vmem>>
      %dma_start3A_483 = tpu.memref_squeeze %dma_start3A_482 : memref<1x8x128xi32, #tpu.memory_space<vmem>> -> memref<8x128xi32, #tpu.memory_space<vmem>>
      %dma_start3A_484 = arith.constant 0 : i32
      %dma_start3A_485 = tpu.memref_slice %arg5[%multiple_of3A_460, %dma_start3A_484] : memref<13312x128xi32, #tpu.memory_space<hbm>> -> memref<8x128xi32, #tpu.memory_space<hbm>>
      %dma_start3A_486 = arith.constant 0 : i32
      %dma_start3A_487 = arith.constant 0 : i32
      %dma_start3A_488 = tpu.memref_slice %arg11[%dma_start3A_479, %dma_start3A_486, %dma_start3A_487] : memref<2x8x128xi32, #tpu.memory_space<vmem>> -> memref<1x8x128xi32, #tpu.memory_space<vmem>>
      %dma_start3A_489 = tpu.memref_squeeze %dma_start3A_488 : memref<1x8x128xi32, #tpu.memory_space<vmem>> -> memref<8x128xi32, #tpu.memory_space<vmem>>
      %dma_start3A_490 = arith.constant 0 : i32
      %dma_start3A_491 = tpu.memref_slice %arg5[%multiple_of3A_460, %dma_start3A_490] : memref<13312x128xi32, #tpu.memory_space<hbm>> -> memref<8x128xi32, #tpu.memory_space<hbm>>
      tpu.enqueue_dma source(%dma_start3A_491 : memref<8x128xi32, #tpu.memory_space<hbm>>) target(%dma_start3A_489 : memref<8x128xi32, #tpu.memory_space<vmem>>) target_semaphore(%arg15 : memref<!tpu.dma_semaphore, #tpu.memory_space<semaphore_mem>>)
      %dma_wait3A_492 = arith.constant 1 : i32
      %dma_wait3A_493 = arith.constant 0 : i32
      %dma_wait3A_494 = tpu.memref_slice %arg9[%dma_wait3A_492, %dma_wait3A_493] : memref<2x1024xi32, #tpu.memory_space<vmem>> -> memref<1x1024xi32, #tpu.memory_space<vmem>>
      %dma_wait3A_495 = tpu.memref_squeeze %dma_wait3A_494 : memref<1x1024xi32, #tpu.memory_space<vmem>> -> memref<1024xi32, #tpu.memory_space<vmem>>
      %dma_wait3A_496 = arith.constant 0 : i32
      %dma_wait3A_497 = tpu.memref_slice %arg3[%dma_wait3A_496] : memref<1703936xi32, #tpu.memory_space<hbm>> -> memref<1024xi32, #tpu.memory_space<hbm>>
      %dma_wait3A_498 = arith.constant 0 : i32
      %dma_wait3A_499 = tpu.memref_slice %arg9[%dma_wait3A_492, %dma_wait3A_498] : memref<2x1024xi32, #tpu.memory_space<vmem>> -> memref<1x1024xi32, #tpu.memory_space<vmem>>
      %dma_wait3A_500 = tpu.memref_squeeze %dma_wait3A_499 : memref<1x1024xi32, #tpu.memory_space<vmem>> -> memref<1024xi32, #tpu.memory_space<vmem>>
      %dma_wait3A_501 = arith.constant 0 : i32
      %dma_wait3A_502 = tpu.memref_slice %arg3[%dma_wait3A_501] : memref<1703936xi32, #tpu.memory_space<hbm>> -> memref<1024xi32, #tpu.memory_space<hbm>>
      tpu.wait_dma2 semaphore(%arg15 : memref<!tpu.dma_semaphore, #tpu.memory_space<semaphore_mem>>) src(%dma_wait3A_502 : memref<1024xi32, #tpu.memory_space<hbm>>) dst(%dma_wait3A_500 : memref<1024xi32, #tpu.memory_space<vmem>>)
      %dma_wait3A_503 = arith.constant 1 : i32
      %dma_wait3A_504 = arith.constant 0 : i32
      %dma_wait3A_505 = tpu.memref_slice %arg10[%dma_wait3A_503, %dma_wait3A_504] : memref<2x1024xf32, #tpu.memory_space<vmem>> -> memref<1x1024xf32, #tpu.memory_space<vmem>>
      %dma_wait3A_506 = tpu.memref_squeeze %dma_wait3A_505 : memref<1x1024xf32, #tpu.memory_space<vmem>> -> memref<1024xf32, #tpu.memory_space<vmem>>
      %dma_wait3A_507 = arith.constant 0 : i32
      %dma_wait3A_508 = tpu.memref_slice %arg4[%dma_wait3A_507] : memref<1703936xf32, #tpu.memory_space<hbm>> -> memref<1024xf32, #tpu.memory_space<hbm>>
      %dma_wait3A_509 = arith.constant 0 : i32
      %dma_wait3A_510 = tpu.memref_slice %arg10[%dma_wait3A_503, %dma_wait3A_509] : memref<2x1024xf32, #tpu.memory_space<vmem>> -> memref<1x1024xf32, #tpu.memory_space<vmem>>
      %dma_wait3A_511 = tpu.memref_squeeze %dma_wait3A_510 : memref<1x1024xf32, #tpu.memory_space<vmem>> -> memref<1024xf32, #tpu.memory_space<vmem>>
      %dma_wait3A_512 = arith.constant 0 : i32
      %dma_wait3A_513 = tpu.memref_slice %arg4[%dma_wait3A_512] : memref<1703936xf32, #tpu.memory_space<hbm>> -> memref<1024xf32, #tpu.memory_space<hbm>>
      tpu.wait_dma2 semaphore(%arg15 : memref<!tpu.dma_semaphore, #tpu.memory_space<semaphore_mem>>) src(%dma_wait3A_513 : memref<1024xf32, #tpu.memory_space<hbm>>) dst(%dma_wait3A_511 : memref<1024xf32, #tpu.memory_space<vmem>>)
      %dma_wait3A_514 = arith.constant 1 : i32
      %dma_wait3A_515 = arith.constant 0 : i32
      %dma_wait3A_516 = arith.constant 0 : i32
      %dma_wait3A_517 = tpu.memref_slice %arg11[%dma_wait3A_514, %dma_wait3A_515, %dma_wait3A_516] : memref<2x8x128xi32, #tpu.memory_space<vmem>> -> memref<1x8x128xi32, #tpu.memory_space<vmem>>
      %dma_wait3A_518 = tpu.memref_squeeze %dma_wait3A_517 : memref<1x8x128xi32, #tpu.memory_space<vmem>> -> memref<8x128xi32, #tpu.memory_space<vmem>>
      %dma_wait3A_519 = arith.constant 0 : i32
      %dma_wait3A_520 = arith.constant 0 : i32
      %dma_wait3A_521 = tpu.memref_slice %arg5[%dma_wait3A_519, %dma_wait3A_520] : memref<13312x128xi32, #tpu.memory_space<hbm>> -> memref<8x128xi32, #tpu.memory_space<hbm>>
      %dma_wait3A_522 = arith.constant 0 : i32
      %dma_wait3A_523 = arith.constant 0 : i32
      %dma_wait3A_524 = tpu.memref_slice %arg11[%dma_wait3A_514, %dma_wait3A_522, %dma_wait3A_523] : memref<2x8x128xi32, #tpu.memory_space<vmem>> -> memref<1x8x128xi32, #tpu.memory_space<vmem>>
      %dma_wait3A_525 = tpu.memref_squeeze %dma_wait3A_524 : memref<1x8x128xi32, #tpu.memory_space<vmem>> -> memref<8x128xi32, #tpu.memory_space<vmem>>
      %dma_wait3A_526 = arith.constant 0 : i32
      %dma_wait3A_527 = arith.constant 0 : i32
      %dma_wait3A_528 = tpu.memref_slice %arg5[%dma_wait3A_526, %dma_wait3A_527] : memref<13312x128xi32, #tpu.memory_space<hbm>> -> memref<8x128xi32, #tpu.memory_space<hbm>>
      tpu.wait_dma2 semaphore(%arg15 : memref<!tpu.dma_semaphore, #tpu.memory_space<semaphore_mem>>) src(%dma_wait3A_528 : memref<8x128xi32, #tpu.memory_space<hbm>>) dst(%dma_wait3A_525 : memref<8x128xi32, #tpu.memory_space<vmem>>)
      %parallel_loop3A_529 = arith.constant 0 : i32
      %parallel_loop3A_530 = arith.constant 64 : i32
      %parallel_loop3A_531 = arith.constant 1 : i32
      scf.for %parallel_loop3A_858 = %parallel_loop3A_529 to %parallel_loop3A_530 step %parallel_loop3A_531  : i32 {
        %parallel_loop3A_859 = arith.constant 16 : i32
        %parallel_loop3A_860 = arith.muli %parallel_loop3A_858, %parallel_loop3A_859 : i32
        %parallel_loop3A_861 = arith.constant 1 : i32
        %parallel_loop3A_862 = arith.index_cast %parallel_loop3A_861 : i32 to index
        %parallel_loop3A_863 = arith.index_cast %parallel_loop3A_860 : i32 to index
        %parallel_loop3A_864 = tpu.vector_load %arg9[%parallel_loop3A_862, %parallel_loop3A_863] {strides = array<i32>} : memref<2x1024xi32, #tpu.memory_space<vmem>>, vector<16xi32>,
        %parallel_loop3A_865 = arith.constant 16 : i32
        %parallel_loop3A_866 = arith.muli %parallel_loop3A_858, %parallel_loop3A_865 : i32
        %parallel_loop3A_867 = arith.constant 1 : i32
        %parallel_loop3A_868 = arith.index_cast %parallel_loop3A_867 : i32 to index
        %parallel_loop3A_869 = arith.index_cast %parallel_loop3A_866 : i32 to index
        %parallel_loop3A_870 = tpu.vector_load %arg10[%parallel_loop3A_868, %parallel_loop3A_869] {strides = array<i32>} : memref<2x1024xf32, #tpu.memory_space<vmem>>, vector<16xf32>,
        %parallel_loop3A_871 = arith.constant 16 : i32
        %parallel_loop3A_872 = arith.muli %parallel_loop3A_858, %parallel_loop3A_871 : i32
        %parallel_loop3A_873 = vector.broadcast %parallel_loop3A_872 : i32 to vector<16xi32>
        %parallel_loop3A_874 = arith.addi %parallel_loop3A_873, %iota3A : vector<16xi32>
        %parallel_loop3A_875 = arith.constant 0 : i32
        %parallel_loop3A_876 = vector.broadcast %parallel_loop3A_875 : i32 to vector<16xi32>
        %parallel_loop3A_877 = arith.addi %parallel_loop3A_864, %parallel_loop3A_876 : vector<16xi32>
        %parallel_loop3A_878 = tpu.vector_load_idx %arg8[%parallel_loop3A_877] : memref<65536xf32, #tpu.memory_space<vmem>>[vector<16xi32>], vector<16xf32>,
        %parallel_loop3A_879 = arith.mulf %parallel_loop3A_878, %parallel_loop3A_870 : vector<16xf32>
        %parallel_loop3A_880 = arith.constant 4096 : i32
        %parallel_loop3A_881 = vector.broadcast %parallel_loop3A_880 : i32 to vector<16xi32>
        %parallel_loop3A_882 = arith.addi %parallel_loop3A_864, %parallel_loop3A_881 : vector<16xi32>
        %parallel_loop3A_883 = tpu.vector_load_idx %arg8[%parallel_loop3A_882] : memref<65536xf32, #tpu.memory_space<vmem>>[vector<16xi32>], vector<16xf32>,
        %parallel_loop3A_884 = arith.mulf %parallel_loop3A_883, %parallel_loop3A_870 : vector<16xf32>
        %parallel_loop3A_885 = arith.constant 8192 : i32
        %parallel_loop3A_886 = vector.broadcast %parallel_loop3A_885 : i32 to vector<16xi32>
        %parallel_loop3A_887 = arith.addi %parallel_loop3A_864, %parallel_loop3A_886 : vector<16xi32>
        %parallel_loop3A_888 = tpu.vector_load_idx %arg8[%parallel_loop3A_887] : memref<65536xf32, #tpu.memory_space<vmem>>[vector<16xi32>], vector<16xf32>,
        %parallel_loop3A_889 = arith.mulf %parallel_loop3A_888, %parallel_loop3A_870 : vector<16xf32>
        %parallel_loop3A_890 = arith.constant 12288 : i32
        %parallel_loop3A_891 = vector.broadcast %parallel_loop3A_890 : i32 to vector<16xi32>
        %parallel_loop3A_892 = arith.addi %parallel_loop3A_864, %parallel_loop3A_891 : vector<16xi32>
        %parallel_loop3A_893 = tpu.vector_load_idx %arg8[%parallel_loop3A_892] : memref<65536xf32, #tpu.memory_space<vmem>>[vector<16xi32>], vector<16xf32>,
        %parallel_loop3A_894 = arith.mulf %parallel_loop3A_893, %parallel_loop3A_870 : vector<16xf32>
        %parallel_loop3A_895 = arith.constant 16384 : i32
        %parallel_loop3A_896 = vector.broadcast %parallel_loop3A_895 : i32 to vector<16xi32>
        %parallel_loop3A_897 = arith.addi %parallel_loop3A_864, %parallel_loop3A_896 : vector<16xi32>
        %parallel_loop3A_898 = tpu.vector_load_idx %arg8[%parallel_loop3A_897] : memref<65536xf32, #tpu.memory_space<vmem>>[vector<16xi32>], vector<16xf32>,
        %parallel_loop3A_899 = arith.mulf %parallel_loop3A_898, %parallel_loop3A_870 : vector<16xf32>
        %parallel_loop3A_900 = arith.constant 20480 : i32
        %parallel_loop3A_901 = vector.broadcast %parallel_loop3A_900 : i32 to vector<16xi32>
        %parallel_loop3A_902 = arith.addi %parallel_loop3A_864, %parallel_loop3A_901 : vector<16xi32>
        %parallel_loop3A_903 = tpu.vector_load_idx %arg8[%parallel_loop3A_902] : memref<65536xf32, #tpu.memory_space<vmem>>[vector<16xi32>], vector<16xf32>,
        %parallel_loop3A_904 = arith.mulf %parallel_loop3A_903, %parallel_loop3A_870 : vector<16xf32>
        %parallel_loop3A_905 = arith.constant 24576 : i32
        %parallel_loop3A_906 = vector.broadcast %parallel_loop3A_905 : i32 to vector<16xi32>
        %parallel_loop3A_907 = arith.addi %parallel_loop3A_864, %parallel_loop3A_906 : vector<16xi32>
        %parallel_loop3A_908 = tpu.vector_load_idx %arg8[%parallel_loop3A_907] : memref<65536xf32, #tpu.memory_space<vmem>>[vector<16xi32>], vector<16xf32>,
        %parallel_loop3A_909 = arith.mulf %parallel_loop3A_908, %parallel_loop3A_870 : vector<16xf32>
        %parallel_loop3A_910 = arith.constant 28672 : i32
        %parallel_loop3A_911 = vector.broadcast %parallel_loop3A_910 : i32 to vector<16xi32>
        %parallel_loop3A_912 = arith.addi %parallel_loop3A_864, %parallel_loop3A_911 : vector<16xi32>
        %parallel_loop3A_913 = tpu.vector_load_idx %arg8[%parallel_loop3A_912] : memref<65536xf32, #tpu.memory_space<vmem>>[vector<16xi32>], vector<16xf32>,
        %parallel_loop3A_914 = arith.mulf %parallel_loop3A_913, %parallel_loop3A_870 : vector<16xf32>
        %parallel_loop3A_915 = arith.constant 32768 : i32
        %parallel_loop3A_916 = vector.broadcast %parallel_loop3A_915 : i32 to vector<16xi32>
        %parallel_loop3A_917 = arith.addi %parallel_loop3A_864, %parallel_loop3A_916 : vector<16xi32>
        %parallel_loop3A_918 = tpu.vector_load_idx %arg8[%parallel_loop3A_917] : memref<65536xf32, #tpu.memory_space<vmem>>[vector<16xi32>], vector<16xf32>,
        %parallel_loop3A_919 = arith.mulf %parallel_loop3A_918, %parallel_loop3A_870 : vector<16xf32>
        %parallel_loop3A_920 = arith.constant 36864 : i32
        %parallel_loop3A_921 = vector.broadcast %parallel_loop3A_920 : i32 to vector<16xi32>
        %parallel_loop3A_922 = arith.addi %parallel_loop3A_864, %parallel_loop3A_921 : vector<16xi32>
        %parallel_loop3A_923 = tpu.vector_load_idx %arg8[%parallel_loop3A_922] : memref<65536xf32, #tpu.memory_space<vmem>>[vector<16xi32>], vector<16xf32>,
        %parallel_loop3A_924 = arith.mulf %parallel_loop3A_923, %parallel_loop3A_870 : vector<16xf32>
        %parallel_loop3A_925 = arith.constant 40960 : i32
        %parallel_loop3A_926 = vector.broadcast %parallel_loop3A_925 : i32 to vector<16xi32>
        %parallel_loop3A_927 = arith.addi %parallel_loop3A_864, %parallel_loop3A_926 : vector<16xi32>
        %parallel_loop3A_928 = tpu.vector_load_idx %arg8[%parallel_loop3A_927] : memref<65536xf32, #tpu.memory_space<vmem>>[vector<16xi32>], vector<16xf32>,
        %parallel_loop3A_929 = arith.mulf %parallel_loop3A_928, %parallel_loop3A_870 : vector<16xf32>
        %parallel_loop3A_930 = arith.constant 45056 : i32
        %parallel_loop3A_931 = vector.broadcast %parallel_loop3A_930 : i32 to vector<16xi32>
        %parallel_loop3A_932 = arith.addi %parallel_loop3A_864, %parallel_loop3A_931 : vector<16xi32>
        %parallel_loop3A_933 = tpu.vector_load_idx %arg8[%parallel_loop3A_932] : memref<65536xf32, #tpu.memory_space<vmem>>[vector<16xi32>], vector<16xf32>,
        %parallel_loop3A_934 = arith.mulf %parallel_loop3A_933, %parallel_loop3A_870 : vector<16xf32>
        %parallel_loop3A_935 = arith.constant 49152 : i32
        %parallel_loop3A_936 = vector.broadcast %parallel_loop3A_935 : i32 to vector<16xi32>
        %parallel_loop3A_937 = arith.addi %parallel_loop3A_864, %parallel_loop3A_936 : vector<16xi32>
        %parallel_loop3A_938 = tpu.vector_load_idx %arg8[%parallel_loop3A_937] : memref<65536xf32, #tpu.memory_space<vmem>>[vector<16xi32>], vector<16xf32>,
        %parallel_loop3A_939 = arith.mulf %parallel_loop3A_938, %parallel_loop3A_870 : vector<16xf32>
        %parallel_loop3A_940 = arith.constant 53248 : i32
        %parallel_loop3A_941 = vector.broadcast %parallel_loop3A_940 : i32 to vector<16xi32>
        %parallel_loop3A_942 = arith.addi %parallel_loop3A_864, %parallel_loop3A_941 : vector<16xi32>
        %parallel_loop3A_943 = tpu.vector_load_idx %arg8[%parallel_loop3A_942] : memref<65536xf32, #tpu.memory_space<vmem>>[vector<16xi32>], vector<16xf32>,
        %parallel_loop3A_944 = arith.mulf %parallel_loop3A_943, %parallel_loop3A_870 : vector<16xf32>
        %parallel_loop3A_945 = arith.constant 57344 : i32
        %parallel_loop3A_946 = vector.broadcast %parallel_loop3A_945 : i32 to vector<16xi32>
        %parallel_loop3A_947 = arith.addi %parallel_loop3A_864, %parallel_loop3A_946 : vector<16xi32>
        %parallel_loop3A_948 = tpu.vector_load_idx %arg8[%parallel_loop3A_947] : memref<65536xf32, #tpu.memory_space<vmem>>[vector<16xi32>], vector<16xf32>,
        %parallel_loop3A_949 = arith.mulf %parallel_loop3A_948, %parallel_loop3A_870 : vector<16xf32>
        %parallel_loop3A_950 = arith.constant 61440 : i32
        %parallel_loop3A_951 = vector.broadcast %parallel_loop3A_950 : i32 to vector<16xi32>
        %parallel_loop3A_952 = arith.addi %parallel_loop3A_864, %parallel_loop3A_951 : vector<16xi32>
        %parallel_loop3A_953 = tpu.vector_load_idx %arg8[%parallel_loop3A_952] : memref<65536xf32, #tpu.memory_space<vmem>>[vector<16xi32>], vector<16xf32>,
        %parallel_loop3A_954 = arith.mulf %parallel_loop3A_953, %parallel_loop3A_870 : vector<16xf32>
        %parallel_loop3A_955 = arith.constant 0 : i32
        %parallel_loop3A_956 = vector.broadcast %parallel_loop3A_955 : i32 to vector<16xi32>
        %parallel_loop3A_957 = arith.constant 1 : i32
        %parallel_loop3A_958 = arith.constant 0 : i32
        %parallel_loop3A_959 = arith.constant 0 : i32
        %parallel_loop3A_960 = tpu.memref_slice %arg12[%parallel_loop3A_957, %parallel_loop3A_958, %parallel_loop3A_959] : memref<2x1024x16xf32, #tpu.memory_space<vmem>> -> memref<1x1024x16xf32, #tpu.memory_space<vmem>>
        %parallel_loop3A_961 = tpu.memref_squeeze %parallel_loop3A_960 : memref<1x1024x16xf32, #tpu.memory_space<vmem>> -> memref<1024x16xf32, #tpu.memory_space<vmem>>
        tpu.vector_store_idx %parallel_loop3A_961[%parallel_loop3A_874, %parallel_loop3A_956], %parallel_loop3A_879 : memref<1024x16xf32, #tpu.memory_space<vmem>>[vector<16xi32>, vector<16xi32>], vector<16xf32>,
        %parallel_loop3A_962 = arith.constant 1 : i32
        %parallel_loop3A_963 = vector.broadcast %parallel_loop3A_962 : i32 to vector<16xi32>
        %parallel_loop3A_964 = arith.constant 1 : i32
        %parallel_loop3A_965 = arith.constant 0 : i32
        %parallel_loop3A_966 = arith.constant 0 : i32
        %parallel_loop3A_967 = tpu.memref_slice %arg12[%parallel_loop3A_964, %parallel_loop3A_965, %parallel_loop3A_966] : memref<2x1024x16xf32, #tpu.memory_space<vmem>> -> memref<1x1024x16xf32, #tpu.memory_space<vmem>>
        %parallel_loop3A_968 = tpu.memref_squeeze %parallel_loop3A_967 : memref<1x1024x16xf32, #tpu.memory_space<vmem>> -> memref<1024x16xf32, #tpu.memory_space<vmem>>
        tpu.vector_store_idx %parallel_loop3A_968[%parallel_loop3A_874, %parallel_loop3A_963], %parallel_loop3A_884 : memref<1024x16xf32, #tpu.memory_space<vmem>>[vector<16xi32>, vector<16xi32>], vector<16xf32>,
        %parallel_loop3A_969 = arith.constant 2 : i32
        %parallel_loop3A_970 = vector.broadcast %parallel_loop3A_969 : i32 to vector<16xi32>
        %parallel_loop3A_971 = arith.constant 1 : i32
        %parallel_loop3A_972 = arith.constant 0 : i32
        %parallel_loop3A_973 = arith.constant 0 : i32
        %parallel_loop3A_974 = tpu.memref_slice %arg12[%parallel_loop3A_971, %parallel_loop3A_972, %parallel_loop3A_973] : memref<2x1024x16xf32, #tpu.memory_space<vmem>> -> memref<1x1024x16xf32, #tpu.memory_space<vmem>>
        %parallel_loop3A_975 = tpu.memref_squeeze %parallel_loop3A_974 : memref<1x1024x16xf32, #tpu.memory_space<vmem>> -> memref<1024x16xf32, #tpu.memory_space<vmem>>
        tpu.vector_store_idx %parallel_loop3A_975[%parallel_loop3A_874, %parallel_loop3A_970], %parallel_loop3A_889 : memref<1024x16xf32, #tpu.memory_space<vmem>>[vector<16xi32>, vector<16xi32>], vector<16xf32>,
        %parallel_loop3A_976 = arith.constant 3 : i32
        %parallel_loop3A_977 = vector.broadcast %parallel_loop3A_976 : i32 to vector<16xi32>
        %parallel_loop3A_978 = arith.constant 1 : i32
        %parallel_loop3A_979 = arith.constant 0 : i32
        %parallel_loop3A_980 = arith.constant 0 : i32
        %parallel_loop3A_981 = tpu.memref_slice %arg12[%parallel_loop3A_978, %parallel_loop3A_979, %parallel_loop3A_980] : memref<2x1024x16xf32, #tpu.memory_space<vmem>> -> memref<1x1024x16xf32, #tpu.memory_space<vmem>>
        %parallel_loop3A_982 = tpu.memref_squeeze %parallel_loop3A_981 : memref<1x1024x16xf32, #tpu.memory_space<vmem>> -> memref<1024x16xf32, #tpu.memory_space<vmem>>
        tpu.vector_store_idx %parallel_loop3A_982[%parallel_loop3A_874, %parallel_loop3A_977], %parallel_loop3A_894 : memref<1024x16xf32, #tpu.memory_space<vmem>>[vector<16xi32>, vector<16xi32>], vector<16xf32>,
        %parallel_loop3A_983 = arith.constant 4 : i32
        %parallel_loop3A_984 = vector.broadcast %parallel_loop3A_983 : i32 to vector<16xi32>
        %parallel_loop3A_985 = arith.constant 1 : i32
        %parallel_loop3A_986 = arith.constant 0 : i32
        %parallel_loop3A_987 = arith.constant 0 : i32
        %parallel_loop3A_988 = tpu.memref_slice %arg12[%parallel_loop3A_985, %parallel_loop3A_986, %parallel_loop3A_987] : memref<2x1024x16xf32, #tpu.memory_space<vmem>> -> memref<1x1024x16xf32, #tpu.memory_space<vmem>>
        %parallel_loop3A_989 = tpu.memref_squeeze %parallel_loop3A_988 : memref<1x1024x16xf32, #tpu.memory_space<vmem>> -> memref<1024x16xf32, #tpu.memory_space<vmem>>
        tpu.vector_store_idx %parallel_loop3A_989[%parallel_loop3A_874, %parallel_loop3A_984], %parallel_loop3A_899 : memref<1024x16xf32, #tpu.memory_space<vmem>>[vector<16xi32>, vector<16xi32>], vector<16xf32>,
        %parallel_loop3A_990 = arith.constant 5 : i32
        %parallel_loop3A_991 = vector.broadcast %parallel_loop3A_990 : i32 to vector<16xi32>
        %parallel_loop3A_992 = arith.constant 1 : i32
        %parallel_loop3A_993 = arith.constant 0 : i32
        %parallel_loop3A_994 = arith.constant 0 : i32
        %parallel_loop3A_995 = tpu.memref_slice %arg12[%parallel_loop3A_992, %parallel_loop3A_993, %parallel_loop3A_994] : memref<2x1024x16xf32, #tpu.memory_space<vmem>> -> memref<1x1024x16xf32, #tpu.memory_space<vmem>>
        %parallel_loop3A_996 = tpu.memref_squeeze %parallel_loop3A_995 : memref<1x1024x16xf32, #tpu.memory_space<vmem>> -> memref<1024x16xf32, #tpu.memory_space<vmem>>
        tpu.vector_store_idx %parallel_loop3A_996[%parallel_loop3A_874, %parallel_loop3A_991], %parallel_loop3A_904 : memref<1024x16xf32, #tpu.memory_space<vmem>>[vector<16xi32>, vector<16xi32>], vector<16xf32>,
        %parallel_loop3A_997 = arith.constant 6 : i32
        %parallel_loop3A_998 = vector.broadcast %parallel_loop3A_997 : i32 to vector<16xi32>
        %parallel_loop3A_999 = arith.constant 1 : i32
        %parallel_loop3A_1000 = arith.constant 0 : i32
        %parallel_loop3A_1001 = arith.constant 0 : i32
        %parallel_loop3A_1002 = tpu.memref_slice %arg12[%parallel_loop3A_999, %parallel_loop3A_1000, %parallel_loop3A_1001] : memref<2x1024x16xf32, #tpu.memory_space<vmem>> -> memref<1x1024x16xf32, #tpu.memory_space<vmem>>
        %parallel_loop3A_1003 = tpu.memref_squeeze %parallel_loop3A_1002 : memref<1x1024x16xf32, #tpu.memory_space<vmem>> -> memref<1024x16xf32, #tpu.memory_space<vmem>>
        tpu.vector_store_idx %parallel_loop3A_1003[%parallel_loop3A_874, %parallel_loop3A_998], %parallel_loop3A_909 : memref<1024x16xf32, #tpu.memory_space<vmem>>[vector<16xi32>, vector<16xi32>], vector<16xf32>,
        %parallel_loop3A_1004 = arith.constant 7 : i32
        %parallel_loop3A_1005 = vector.broadcast %parallel_loop3A_1004 : i32 to vector<16xi32>
        %parallel_loop3A_1006 = arith.constant 1 : i32
        %parallel_loop3A_1007 = arith.constant 0 : i32
        %parallel_loop3A_1008 = arith.constant 0 : i32
        %parallel_loop3A_1009 = tpu.memref_slice %arg12[%parallel_loop3A_1006, %parallel_loop3A_1007, %parallel_loop3A_1008] : memref<2x1024x16xf32, #tpu.memory_space<vmem>> -> memref<1x1024x16xf32, #tpu.memory_space<vmem>>
        %parallel_loop3A_1010 = tpu.memref_squeeze %parallel_loop3A_1009 : memref<1x1024x16xf32, #tpu.memory_space<vmem>> -> memref<1024x16xf32, #tpu.memory_space<vmem>>
        tpu.vector_store_idx %parallel_loop3A_1010[%parallel_loop3A_874, %parallel_loop3A_1005], %parallel_loop3A_914 : memref<1024x16xf32, #tpu.memory_space<vmem>>[vector<16xi32>, vector<16xi32>], vector<16xf32>,
        %parallel_loop3A_1011 = arith.constant 8 : i32
        %parallel_loop3A_1012 = vector.broadcast %parallel_loop3A_1011 : i32 to vector<16xi32>
        %parallel_loop3A_1013 = arith.constant 1 : i32
        %parallel_loop3A_1014 = arith.constant 0 : i32
        %parallel_loop3A_1015 = arith.constant 0 : i32
        %parallel_loop3A_1016 = tpu.memref_slice %arg12[%parallel_loop3A_1013, %parallel_loop3A_1014, %parallel_loop3A_1015] : memref<2x1024x16xf32, #tpu.memory_space<vmem>> -> memref<1x1024x16xf32, #tpu.memory_space<vmem>>
        %parallel_loop3A_1017 = tpu.memref_squeeze %parallel_loop3A_1016 : memref<1x1024x16xf32, #tpu.memory_space<vmem>> -> memref<1024x16xf32, #tpu.memory_space<vmem>>
        tpu.vector_store_idx %parallel_loop3A_1017[%parallel_loop3A_874, %parallel_loop3A_1012], %parallel_loop3A_919 : memref<1024x16xf32, #tpu.memory_space<vmem>>[vector<16xi32>, vector<16xi32>], vector<16xf32>,
        %parallel_loop3A_1018 = arith.constant 9 : i32
        %parallel_loop3A_1019 = vector.broadcast %parallel_loop3A_1018 : i32 to vector<16xi32>
        %parallel_loop3A_1020 = arith.constant 1 : i32
        %parallel_loop3A_1021 = arith.constant 0 : i32
        %parallel_loop3A_1022 = arith.constant 0 : i32
        %parallel_loop3A_1023 = tpu.memref_slice %arg12[%parallel_loop3A_1020, %parallel_loop3A_1021, %parallel_loop3A_1022] : memref<2x1024x16xf32, #tpu.memory_space<vmem>> -> memref<1x1024x16xf32, #tpu.memory_space<vmem>>
        %parallel_loop3A_1024 = tpu.memref_squeeze %parallel_loop3A_1023 : memref<1x1024x16xf32, #tpu.memory_space<vmem>> -> memref<1024x16xf32, #tpu.memory_space<vmem>>
        tpu.vector_store_idx %parallel_loop3A_1024[%parallel_loop3A_874, %parallel_loop3A_1019], %parallel_loop3A_924 : memref<1024x16xf32, #tpu.memory_space<vmem>>[vector<16xi32>, vector<16xi32>], vector<16xf32>,
        %parallel_loop3A_1025 = arith.constant 10 : i32
        %parallel_loop3A_1026 = vector.broadcast %parallel_loop3A_1025 : i32 to vector<16xi32>
        %parallel_loop3A_1027 = arith.constant 1 : i32
        %parallel_loop3A_1028 = arith.constant 0 : i32
        %parallel_loop3A_1029 = arith.constant 0 : i32
        %parallel_loop3A_1030 = tpu.memref_slice %arg12[%parallel_loop3A_1027, %parallel_loop3A_1028, %parallel_loop3A_1029] : memref<2x1024x16xf32, #tpu.memory_space<vmem>> -> memref<1x1024x16xf32, #tpu.memory_space<vmem>>
        %parallel_loop3A_1031 = tpu.memref_squeeze %parallel_loop3A_1030 : memref<1x1024x16xf32, #tpu.memory_space<vmem>> -> memref<1024x16xf32, #tpu.memory_space<vmem>>
        tpu.vector_store_idx %parallel_loop3A_1031[%parallel_loop3A_874, %parallel_loop3A_1026], %parallel_loop3A_929 : memref<1024x16xf32, #tpu.memory_space<vmem>>[vector<16xi32>, vector<16xi32>], vector<16xf32>,
        %parallel_loop3A_1032 = arith.constant 11 : i32
        %parallel_loop3A_1033 = vector.broadcast %parallel_loop3A_1032 : i32 to vector<16xi32>
        %parallel_loop3A_1034 = arith.constant 1 : i32
        %parallel_loop3A_1035 = arith.constant 0 : i32
        %parallel_loop3A_1036 = arith.constant 0 : i32
        %parallel_loop3A_1037 = tpu.memref_slice %arg12[%parallel_loop3A_1034, %parallel_loop3A_1035, %parallel_loop3A_1036] : memref<2x1024x16xf32, #tpu.memory_space<vmem>> -> memref<1x1024x16xf32, #tpu.memory_space<vmem>>
        %parallel_loop3A_1038 = tpu.memref_squeeze %parallel_loop3A_1037 : memref<1x1024x16xf32, #tpu.memory_space<vmem>> -> memref<1024x16xf32, #tpu.memory_space<vmem>>
        tpu.vector_store_idx %parallel_loop3A_1038[%parallel_loop3A_874, %parallel_loop3A_1033], %parallel_loop3A_934 : memref<1024x16xf32, #tpu.memory_space<vmem>>[vector<16xi32>, vector<16xi32>], vector<16xf32>,
        %parallel_loop3A_1039 = arith.constant 12 : i32
        %parallel_loop3A_1040 = vector.broadcast %parallel_loop3A_1039 : i32 to vector<16xi32>
        %parallel_loop3A_1041 = arith.constant 1 : i32
        %parallel_loop3A_1042 = arith.constant 0 : i32
        %parallel_loop3A_1043 = arith.constant 0 : i32
        %parallel_loop3A_1044 = tpu.memref_slice %arg12[%parallel_loop3A_1041, %parallel_loop3A_1042, %parallel_loop3A_1043] : memref<2x1024x16xf32, #tpu.memory_space<vmem>> -> memref<1x1024x16xf32, #tpu.memory_space<vmem>>
        %parallel_loop3A_1045 = tpu.memref_squeeze %parallel_loop3A_1044 : memref<1x1024x16xf32, #tpu.memory_space<vmem>> -> memref<1024x16xf32, #tpu.memory_space<vmem>>
        tpu.vector_store_idx %parallel_loop3A_1045[%parallel_loop3A_874, %parallel_loop3A_1040], %parallel_loop3A_939 : memref<1024x16xf32, #tpu.memory_space<vmem>>[vector<16xi32>, vector<16xi32>], vector<16xf32>,
        %parallel_loop3A_1046 = arith.constant 13 : i32
        %parallel_loop3A_1047 = vector.broadcast %parallel_loop3A_1046 : i32 to vector<16xi32>
        %parallel_loop3A_1048 = arith.constant 1 : i32
        %parallel_loop3A_1049 = arith.constant 0 : i32
        %parallel_loop3A_1050 = arith.constant 0 : i32
        %parallel_loop3A_1051 = tpu.memref_slice %arg12[%parallel_loop3A_1048, %parallel_loop3A_1049, %parallel_loop3A_1050] : memref<2x1024x16xf32, #tpu.memory_space<vmem>> -> memref<1x1024x16xf32, #tpu.memory_space<vmem>>
        %parallel_loop3A_1052 = tpu.memref_squeeze %parallel_loop3A_1051 : memref<1x1024x16xf32, #tpu.memory_space<vmem>> -> memref<1024x16xf32, #tpu.memory_space<vmem>>
        tpu.vector_store_idx %parallel_loop3A_1052[%parallel_loop3A_874, %parallel_loop3A_1047], %parallel_loop3A_944 : memref<1024x16xf32, #tpu.memory_space<vmem>>[vector<16xi32>, vector<16xi32>], vector<16xf32>,
        %parallel_loop3A_1053 = arith.constant 14 : i32
        %parallel_loop3A_1054 = vector.broadcast %parallel_loop3A_1053 : i32 to vector<16xi32>
        %parallel_loop3A_1055 = arith.constant 1 : i32
        %parallel_loop3A_1056 = arith.constant 0 : i32
        %parallel_loop3A_1057 = arith.constant 0 : i32
        %parallel_loop3A_1058 = tpu.memref_slice %arg12[%parallel_loop3A_1055, %parallel_loop3A_1056, %parallel_loop3A_1057] : memref<2x1024x16xf32, #tpu.memory_space<vmem>> -> memref<1x1024x16xf32, #tpu.memory_space<vmem>>
        %parallel_loop3A_1059 = tpu.memref_squeeze %parallel_loop3A_1058 : memref<1x1024x16xf32, #tpu.memory_space<vmem>> -> memref<1024x16xf32, #tpu.memory_space<vmem>>
        tpu.vector_store_idx %parallel_loop3A_1059[%parallel_loop3A_874, %parallel_loop3A_1054], %parallel_loop3A_949 : memref<1024x16xf32, #tpu.memory_space<vmem>>[vector<16xi32>, vector<16xi32>], vector<16xf32>,
        %parallel_loop3A_1060 = arith.constant 15 : i32
        %parallel_loop3A_1061 = vector.broadcast %parallel_loop3A_1060 : i32 to vector<16xi32>
        %parallel_loop3A_1062 = arith.constant 1 : i32
        %parallel_loop3A_1063 = arith.constant 0 : i32
        %parallel_loop3A_1064 = arith.constant 0 : i32
        %parallel_loop3A_1065 = tpu.memref_slice %arg12[%parallel_loop3A_1062, %parallel_loop3A_1063, %parallel_loop3A_1064] : memref<2x1024x16xf32, #tpu.memory_space<vmem>> -> memref<1x1024x16xf32, #tpu.memory_space<vmem>>
        %parallel_loop3A_1066 = tpu.memref_squeeze %parallel_loop3A_1065 : memref<1x1024x16xf32, #tpu.memory_space<vmem>> -> memref<1024x16xf32, #tpu.memory_space<vmem>>
        tpu.vector_store_idx %parallel_loop3A_1066[%parallel_loop3A_874, %parallel_loop3A_1061], %parallel_loop3A_954 : memref<1024x16xf32, #tpu.memory_space<vmem>>[vector<16xi32>, vector<16xi32>], vector<16xf32>,
      } {sc.loop_unroll_factor = 1 : i64, sc.parallel_access}
      %dma_start3A_532 = arith.constant 1 : i32
      %dma_start3A_533 = arith.constant 1 : i32
      %dma_start3A_534 = arith.constant 0 : i32
      %dma_start3A_535 = arith.constant 0 : i32
      %dma_start3A_536 = arith.constant 0 : i32
      %dma_start3A_537 = tpu.memref_slice %arg12[%dma_start3A_532, %dma_start3A_535, %dma_start3A_536] : memref<2x1024x16xf32, #tpu.memory_space<vmem>> -> memref<1x1024x16xf32, #tpu.memory_space<vmem>>
      %dma_start3A_538 = tpu.memref_squeeze %dma_start3A_537 : memref<1x1024x16xf32, #tpu.memory_space<vmem>> -> memref<1024x16xf32, #tpu.memory_space<vmem>>
      %dma_start3A_539 = arith.constant 0 : i32
      %dma_start3A_540 = arith.constant 0 : i32
      %dma_start3A_541 = tpu.memref_slice %dma_start3A_538[%dma_start3A_539, %dma_start3A_540] : memref<1024x16xf32, #tpu.memory_space<vmem>> -> memref<128x16xf32, #tpu.memory_space<vmem>>
      %dma_start3A_542 = arith.constant 0 : i32
      %dma_start3A_543 = arith.constant 0 : i32
      %dma_start3A_544 = tpu.memref_slice %arg11[%dma_start3A_533, %dma_start3A_542, %dma_start3A_543] : memref<2x8x128xi32, #tpu.memory_space<vmem>> -> memref<1x8x128xi32, #tpu.memory_space<vmem>>
      %dma_start3A_545 = tpu.memref_squeeze %dma_start3A_544 : memref<1x8x128xi32, #tpu.memory_space<vmem>> -> memref<8x128xi32, #tpu.memory_space<vmem>>
      %dma_start3A_546 = arith.constant 0 : i32
      %dma_start3A_547 = tpu.memref_slice %dma_start3A_545[%dma_start3A_534, %dma_start3A_546] : memref<8x128xi32, #tpu.memory_space<vmem>> -> memref<1x128xi32, #tpu.memory_space<vmem>>
      %dma_start3A_548 = tpu.memref_squeeze %dma_start3A_547 : memref<1x128xi32, #tpu.memory_space<vmem>> -> memref<128xi32, #tpu.memory_space<vmem>>
      %dma_start3A_549 = arith.constant 0 : i32
      %dma_start3A_550 = arith.constant 0 : i32
      %dma_start3A_551 = tpu.memref_slice %arg13[%dma_start3A_549, %dma_start3A_550] : memref<4096x16xf32, #tpu.memory_space<vmem_shared>> -> memref<4096x16xf32, #tpu.memory_space<vmem_shared>>
      tpu.enqueue_indirect_dma source(%dma_start3A_541 : memref<128x16xf32, #tpu.memory_space<vmem>>) target(%dma_start3A_551 : memref<4096x16xf32, #tpu.memory_space<vmem_shared>>) offsets(%dma_start3A_548 : memref<128xi32, #tpu.memory_space<vmem>>) semaphore(%arg17 : memref<!tpu.dma_semaphore, #tpu.memory_space<semaphore_mem>>) {add = true}
      %dma_start3A_552 = arith.constant 1 : i32
      %dma_start3A_553 = arith.constant 1 : i32
      %dma_start3A_554 = arith.constant 1 : i32
      %dma_start3A_555 = arith.constant 0 : i32
      %dma_start3A_556 = arith.constant 0 : i32
      %dma_start3A_557 = tpu.memref_slice %arg12[%dma_start3A_552, %dma_start3A_555, %dma_start3A_556] : memref<2x1024x16xf32, #tpu.memory_space<vmem>> -> memref<1x1024x16xf32, #tpu.memory_space<vmem>>
      %dma_start3A_558 = tpu.memref_squeeze %dma_start3A_557 : memref<1x1024x16xf32, #tpu.memory_space<vmem>> -> memref<1024x16xf32, #tpu.memory_space<vmem>>
      %dma_start3A_559 = arith.constant 128 : i32
      %dma_start3A_560 = arith.constant 0 : i32
      %dma_start3A_561 = tpu.memref_slice %dma_start3A_558[%dma_start3A_559, %dma_start3A_560] : memref<1024x16xf32, #tpu.memory_space<vmem>> -> memref<128x16xf32, #tpu.memory_space<vmem>>
      %dma_start3A_562 = arith.constant 0 : i32
      %dma_start3A_563 = arith.constant 0 : i32
      %dma_start3A_564 = tpu.memref_slice %arg11[%dma_start3A_553, %dma_start3A_562, %dma_start3A_563] : memref<2x8x128xi32, #tpu.memory_space<vmem>> -> memref<1x8x128xi32, #tpu.memory_space<vmem>>
      %dma_start3A_565 = tpu.memref_squeeze %dma_start3A_564 : memref<1x8x128xi32, #tpu.memory_space<vmem>> -> memref<8x128xi32, #tpu.memory_space<vmem>>
      %dma_start3A_566 = arith.constant 0 : i32
      %dma_start3A_567 = tpu.memref_slice %dma_start3A_565[%dma_start3A_554, %dma_start3A_566] : memref<8x128xi32, #tpu.memory_space<vmem>> -> memref<1x128xi32, #tpu.memory_space<vmem>>
      %dma_start3A_568 = tpu.memref_squeeze %dma_start3A_567 : memref<1x128xi32, #tpu.memory_space<vmem>> -> memref<128xi32, #tpu.memory_space<vmem>>
      %dma_start3A_569 = arith.constant 0 : i32
      %dma_start3A_570 = arith.constant 0 : i32
      %dma_start3A_571 = tpu.memref_slice %arg13[%dma_start3A_569, %dma_start3A_570] : memref<4096x16xf32, #tpu.memory_space<vmem_shared>> -> memref<4096x16xf32, #tpu.memory_space<vmem_shared>>
      tpu.enqueue_indirect_dma source(%dma_start3A_561 : memref<128x16xf32, #tpu.memory_space<vmem>>) target(%dma_start3A_571 : memref<4096x16xf32, #tpu.memory_space<vmem_shared>>) offsets(%dma_start3A_568 : memref<128xi32, #tpu.memory_space<vmem>>) semaphore(%arg17 : memref<!tpu.dma_semaphore, #tpu.memory_space<semaphore_mem>>) {add = true}
      %dma_start3A_572 = arith.constant 1 : i32
      %dma_start3A_573 = arith.constant 1 : i32
      %dma_start3A_574 = arith.constant 2 : i32
      %dma_start3A_575 = arith.constant 0 : i32
      %dma_start3A_576 = arith.constant 0 : i32
      %dma_start3A_577 = tpu.memref_slice %arg12[%dma_start3A_572, %dma_start3A_575, %dma_start3A_576] : memref<2x1024x16xf32, #tpu.memory_space<vmem>> -> memref<1x1024x16xf32, #tpu.memory_space<vmem>>
      %dma_start3A_578 = tpu.memref_squeeze %dma_start3A_577 : memref<1x1024x16xf32, #tpu.memory_space<vmem>> -> memref<1024x16xf32, #tpu.memory_space<vmem>>
      %dma_start3A_579 = arith.constant 256 : i32
      %dma_start3A_580 = arith.constant 0 : i32
      %dma_start3A_581 = tpu.memref_slice %dma_start3A_578[%dma_start3A_579, %dma_start3A_580] : memref<1024x16xf32, #tpu.memory_space<vmem>> -> memref<128x16xf32, #tpu.memory_space<vmem>>
      %dma_start3A_582 = arith.constant 0 : i32
      %dma_start3A_583 = arith.constant 0 : i32
      %dma_start3A_584 = tpu.memref_slice %arg11[%dma_start3A_573, %dma_start3A_582, %dma_start3A_583] : memref<2x8x128xi32, #tpu.memory_space<vmem>> -> memref<1x8x128xi32, #tpu.memory_space<vmem>>
      %dma_start3A_585 = tpu.memref_squeeze %dma_start3A_584 : memref<1x8x128xi32, #tpu.memory_space<vmem>> -> memref<8x128xi32, #tpu.memory_space<vmem>>
      %dma_start3A_586 = arith.constant 0 : i32
      %dma_start3A_587 = tpu.memref_slice %dma_start3A_585[%dma_start3A_574, %dma_start3A_586] : memref<8x128xi32, #tpu.memory_space<vmem>> -> memref<1x128xi32, #tpu.memory_space<vmem>>
      %dma_start3A_588 = tpu.memref_squeeze %dma_start3A_587 : memref<1x128xi32, #tpu.memory_space<vmem>> -> memref<128xi32, #tpu.memory_space<vmem>>
      %dma_start3A_589 = arith.constant 0 : i32
      %dma_start3A_590 = arith.constant 0 : i32
      %dma_start3A_591 = tpu.memref_slice %arg13[%dma_start3A_589, %dma_start3A_590] : memref<4096x16xf32, #tpu.memory_space<vmem_shared>> -> memref<4096x16xf32, #tpu.memory_space<vmem_shared>>
      tpu.enqueue_indirect_dma source(%dma_start3A_581 : memref<128x16xf32, #tpu.memory_space<vmem>>) target(%dma_start3A_591 : memref<4096x16xf32, #tpu.memory_space<vmem_shared>>) offsets(%dma_start3A_588 : memref<128xi32, #tpu.memory_space<vmem>>) semaphore(%arg17 : memref<!tpu.dma_semaphore, #tpu.memory_space<semaphore_mem>>) {add = true}
      %dma_start3A_592 = arith.constant 1 : i32
      %dma_start3A_593 = arith.constant 1 : i32
      %dma_start3A_594 = arith.constant 3 : i32
      %dma_start3A_595 = arith.constant 0 : i32
      %dma_start3A_596 = arith.constant 0 : i32
      %dma_start3A_597 = tpu.memref_slice %arg12[%dma_start3A_592, %dma_start3A_595, %dma_start3A_596] : memref<2x1024x16xf32, #tpu.memory_space<vmem>> -> memref<1x1024x16xf32, #tpu.memory_space<vmem>>
      %dma_start3A_598 = tpu.memref_squeeze %dma_start3A_597 : memref<1x1024x16xf32, #tpu.memory_space<vmem>> -> memref<1024x16xf32, #tpu.memory_space<vmem>>
      %dma_start3A_599 = arith.constant 384 : i32
      %dma_start3A_600 = arith.constant 0 : i32
      %dma_start3A_601 = tpu.memref_slice %dma_start3A_598[%dma_start3A_599, %dma_start3A_600] : memref<1024x16xf32, #tpu.memory_space<vmem>> -> memref<128x16xf32, #tpu.memory_space<vmem>>
      %dma_start3A_602 = arith.constant 0 : i32
      %dma_start3A_603 = arith.constant 0 : i32
      %dma_start3A_604 = tpu.memref_slice %arg11[%dma_start3A_593, %dma_start3A_602, %dma_start3A_603] : memref<2x8x128xi32, #tpu.memory_space<vmem>> -> memref<1x8x128xi32, #tpu.memory_space<vmem>>
      %dma_start3A_605 = tpu.memref_squeeze %dma_start3A_604 : memref<1x8x128xi32, #tpu.memory_space<vmem>> -> memref<8x128xi32, #tpu.memory_space<vmem>>
      %dma_start3A_606 = arith.constant 0 : i32
      %dma_start3A_607 = tpu.memref_slice %dma_start3A_605[%dma_start3A_594, %dma_start3A_606] : memref<8x128xi32, #tpu.memory_space<vmem>> -> memref<1x128xi32, #tpu.memory_space<vmem>>
      %dma_start3A_608 = tpu.memref_squeeze %dma_start3A_607 : memref<1x128xi32, #tpu.memory_space<vmem>> -> memref<128xi32, #tpu.memory_space<vmem>>
      %dma_start3A_609 = arith.constant 0 : i32
      %dma_start3A_610 = arith.constant 0 : i32
      %dma_start3A_611 = tpu.memref_slice %arg13[%dma_start3A_609, %dma_start3A_610] : memref<4096x16xf32, #tpu.memory_space<vmem_shared>> -> memref<4096x16xf32, #tpu.memory_space<vmem_shared>>
      tpu.enqueue_indirect_dma source(%dma_start3A_601 : memref<128x16xf32, #tpu.memory_space<vmem>>) target(%dma_start3A_611 : memref<4096x16xf32, #tpu.memory_space<vmem_shared>>) offsets(%dma_start3A_608 : memref<128xi32, #tpu.memory_space<vmem>>) semaphore(%arg17 : memref<!tpu.dma_semaphore, #tpu.memory_space<semaphore_mem>>) {add = true}
      %dma_start3A_612 = arith.constant 1 : i32
      %dma_start3A_613 = arith.constant 1 : i32
      %dma_start3A_614 = arith.constant 4 : i32
      %dma_start3A_615 = arith.constant 0 : i32
      %dma_start3A_616 = arith.constant 0 : i32
      %dma_start3A_617 = tpu.memref_slice %arg12[%dma_start3A_612, %dma_start3A_615, %dma_start3A_616] : memref<2x1024x16xf32, #tpu.memory_space<vmem>> -> memref<1x1024x16xf32, #tpu.memory_space<vmem>>
      %dma_start3A_618 = tpu.memref_squeeze %dma_start3A_617 : memref<1x1024x16xf32, #tpu.memory_space<vmem>> -> memref<1024x16xf32, #tpu.memory_space<vmem>>
      %dma_start3A_619 = arith.constant 512 : i32
      %dma_start3A_620 = arith.constant 0 : i32
      %dma_start3A_621 = tpu.memref_slice %dma_start3A_618[%dma_start3A_619, %dma_start3A_620] : memref<1024x16xf32, #tpu.memory_space<vmem>> -> memref<128x16xf32, #tpu.memory_space<vmem>>
      %dma_start3A_622 = arith.constant 0 : i32
      %dma_start3A_623 = arith.constant 0 : i32
      %dma_start3A_624 = tpu.memref_slice %arg11[%dma_start3A_613, %dma_start3A_622, %dma_start3A_623] : memref<2x8x128xi32, #tpu.memory_space<vmem>> -> memref<1x8x128xi32, #tpu.memory_space<vmem>>
      %dma_start3A_625 = tpu.memref_squeeze %dma_start3A_624 : memref<1x8x128xi32, #tpu.memory_space<vmem>> -> memref<8x128xi32, #tpu.memory_space<vmem>>
      %dma_start3A_626 = arith.constant 0 : i32
      %dma_start3A_627 = tpu.memref_slice %dma_start3A_625[%dma_start3A_614, %dma_start3A_626] : memref<8x128xi32, #tpu.memory_space<vmem>> -> memref<1x128xi32, #tpu.memory_space<vmem>>
      %dma_start3A_628 = tpu.memref_squeeze %dma_start3A_627 : memref<1x128xi32, #tpu.memory_space<vmem>> -> memref<128xi32, #tpu.memory_space<vmem>>
      %dma_start3A_629 = arith.constant 0 : i32
      %dma_start3A_630 = arith.constant 0 : i32
      %dma_start3A_631 = tpu.memref_slice %arg13[%dma_start3A_629, %dma_start3A_630] : memref<4096x16xf32, #tpu.memory_space<vmem_shared>> -> memref<4096x16xf32, #tpu.memory_space<vmem_shared>>
      tpu.enqueue_indirect_dma source(%dma_start3A_621 : memref<128x16xf32, #tpu.memory_space<vmem>>) target(%dma_start3A_631 : memref<4096x16xf32, #tpu.memory_space<vmem_shared>>) offsets(%dma_start3A_628 : memref<128xi32, #tpu.memory_space<vmem>>) semaphore(%arg17 : memref<!tpu.dma_semaphore, #tpu.memory_space<semaphore_mem>>) {add = true}
      %dma_start3A_632 = arith.constant 1 : i32
      %dma_start3A_633 = arith.constant 1 : i32
      %dma_start3A_634 = arith.constant 5 : i32
      %dma_start3A_635 = arith.constant 0 : i32
      %dma_start3A_636 = arith.constant 0 : i32
      %dma_start3A_637 = tpu.memref_slice %arg12[%dma_start3A_632, %dma_start3A_635, %dma_start3A_636] : memref<2x1024x16xf32, #tpu.memory_space<vmem>> -> memref<1x1024x16xf32, #tpu.memory_space<vmem>>
      %dma_start3A_638 = tpu.memref_squeeze %dma_start3A_637 : memref<1x1024x16xf32, #tpu.memory_space<vmem>> -> memref<1024x16xf32, #tpu.memory_space<vmem>>
      %dma_start3A_639 = arith.constant 640 : i32
      %dma_start3A_640 = arith.constant 0 : i32
      %dma_start3A_641 = tpu.memref_slice %dma_start3A_638[%dma_start3A_639, %dma_start3A_640] : memref<1024x16xf32, #tpu.memory_space<vmem>> -> memref<128x16xf32, #tpu.memory_space<vmem>>
      %dma_start3A_642 = arith.constant 0 : i32
      %dma_start3A_643 = arith.constant 0 : i32
      %dma_start3A_644 = tpu.memref_slice %arg11[%dma_start3A_633, %dma_start3A_642, %dma_start3A_643] : memref<2x8x128xi32, #tpu.memory_space<vmem>> -> memref<1x8x128xi32, #tpu.memory_space<vmem>>
      %dma_start3A_645 = tpu.memref_squeeze %dma_start3A_644 : memref<1x8x128xi32, #tpu.memory_space<vmem>> -> memref<8x128xi32, #tpu.memory_space<vmem>>
      %dma_start3A_646 = arith.constant 0 : i32
      %dma_start3A_647 = tpu.memref_slice %dma_start3A_645[%dma_start3A_634, %dma_start3A_646] : memref<8x128xi32, #tpu.memory_space<vmem>> -> memref<1x128xi32, #tpu.memory_space<vmem>>
      %dma_start3A_648 = tpu.memref_squeeze %dma_start3A_647 : memref<1x128xi32, #tpu.memory_space<vmem>> -> memref<128xi32, #tpu.memory_space<vmem>>
      %dma_start3A_649 = arith.constant 0 : i32
      %dma_start3A_650 = arith.constant 0 : i32
      %dma_start3A_651 = tpu.memref_slice %arg13[%dma_start3A_649, %dma_start3A_650] : memref<4096x16xf32, #tpu.memory_space<vmem_shared>> -> memref<4096x16xf32, #tpu.memory_space<vmem_shared>>
      tpu.enqueue_indirect_dma source(%dma_start3A_641 : memref<128x16xf32, #tpu.memory_space<vmem>>) target(%dma_start3A_651 : memref<4096x16xf32, #tpu.memory_space<vmem_shared>>) offsets(%dma_start3A_648 : memref<128xi32, #tpu.memory_space<vmem>>) semaphore(%arg17 : memref<!tpu.dma_semaphore, #tpu.memory_space<semaphore_mem>>) {add = true}
      %dma_start3A_652 = arith.constant 1 : i32
      %dma_start3A_653 = arith.constant 1 : i32
      %dma_start3A_654 = arith.constant 6 : i32
      %dma_start3A_655 = arith.constant 0 : i32
      %dma_start3A_656 = arith.constant 0 : i32
      %dma_start3A_657 = tpu.memref_slice %arg12[%dma_start3A_652, %dma_start3A_655, %dma_start3A_656] : memref<2x1024x16xf32, #tpu.memory_space<vmem>> -> memref<1x1024x16xf32, #tpu.memory_space<vmem>>
      %dma_start3A_658 = tpu.memref_squeeze %dma_start3A_657 : memref<1x1024x16xf32, #tpu.memory_space<vmem>> -> memref<1024x16xf32, #tpu.memory_space<vmem>>
      %dma_start3A_659 = arith.constant 768 : i32
      %dma_start3A_660 = arith.constant 0 : i32
      %dma_start3A_661 = tpu.memref_slice %dma_start3A_658[%dma_start3A_659, %dma_start3A_660] : memref<1024x16xf32, #tpu.memory_space<vmem>> -> memref<128x16xf32, #tpu.memory_space<vmem>>
      %dma_start3A_662 = arith.constant 0 : i32
      %dma_start3A_663 = arith.constant 0 : i32
      %dma_start3A_664 = tpu.memref_slice %arg11[%dma_start3A_653, %dma_start3A_662, %dma_start3A_663] : memref<2x8x128xi32, #tpu.memory_space<vmem>> -> memref<1x8x128xi32, #tpu.memory_space<vmem>>
      %dma_start3A_665 = tpu.memref_squeeze %dma_start3A_664 : memref<1x8x128xi32, #tpu.memory_space<vmem>> -> memref<8x128xi32, #tpu.memory_space<vmem>>
      %dma_start3A_666 = arith.constant 0 : i32
      %dma_start3A_667 = tpu.memref_slice %dma_start3A_665[%dma_start3A_654, %dma_start3A_666] : memref<8x128xi32, #tpu.memory_space<vmem>> -> memref<1x128xi32, #tpu.memory_space<vmem>>
      %dma_start3A_668 = tpu.memref_squeeze %dma_start3A_667 : memref<1x128xi32, #tpu.memory_space<vmem>> -> memref<128xi32, #tpu.memory_space<vmem>>
      %dma_start3A_669 = arith.constant 0 : i32
      %dma_start3A_670 = arith.constant 0 : i32
      %dma_start3A_671 = tpu.memref_slice %arg13[%dma_start3A_669, %dma_start3A_670] : memref<4096x16xf32, #tpu.memory_space<vmem_shared>> -> memref<4096x16xf32, #tpu.memory_space<vmem_shared>>
      tpu.enqueue_indirect_dma source(%dma_start3A_661 : memref<128x16xf32, #tpu.memory_space<vmem>>) target(%dma_start3A_671 : memref<4096x16xf32, #tpu.memory_space<vmem_shared>>) offsets(%dma_start3A_668 : memref<128xi32, #tpu.memory_space<vmem>>) semaphore(%arg17 : memref<!tpu.dma_semaphore, #tpu.memory_space<semaphore_mem>>) {add = true}
      %dma_start3A_672 = arith.constant 1 : i32
      %dma_start3A_673 = arith.constant 1 : i32
      %dma_start3A_674 = arith.constant 7 : i32
      %dma_start3A_675 = arith.constant 0 : i32
      %dma_start3A_676 = arith.constant 0 : i32
      %dma_start3A_677 = tpu.memref_slice %arg12[%dma_start3A_672, %dma_start3A_675, %dma_start3A_676] : memref<2x1024x16xf32, #tpu.memory_space<vmem>> -> memref<1x1024x16xf32, #tpu.memory_space<vmem>>
      %dma_start3A_678 = tpu.memref_squeeze %dma_start3A_677 : memref<1x1024x16xf32, #tpu.memory_space<vmem>> -> memref<1024x16xf32, #tpu.memory_space<vmem>>
      %dma_start3A_679 = arith.constant 896 : i32
      %dma_start3A_680 = arith.constant 0 : i32
      %dma_start3A_681 = tpu.memref_slice %dma_start3A_678[%dma_start3A_679, %dma_start3A_680] : memref<1024x16xf32, #tpu.memory_space<vmem>> -> memref<128x16xf32, #tpu.memory_space<vmem>>
      %dma_start3A_682 = arith.constant 0 : i32
      %dma_start3A_683 = arith.constant 0 : i32
      %dma_start3A_684 = tpu.memref_slice %arg11[%dma_start3A_673, %dma_start3A_682, %dma_start3A_683] : memref<2x8x128xi32, #tpu.memory_space<vmem>> -> memref<1x8x128xi32, #tpu.memory_space<vmem>>
      %dma_start3A_685 = tpu.memref_squeeze %dma_start3A_684 : memref<1x8x128xi32, #tpu.memory_space<vmem>> -> memref<8x128xi32, #tpu.memory_space<vmem>>
      %dma_start3A_686 = arith.constant 0 : i32
      %dma_start3A_687 = tpu.memref_slice %dma_start3A_685[%dma_start3A_674, %dma_start3A_686] : memref<8x128xi32, #tpu.memory_space<vmem>> -> memref<1x128xi32, #tpu.memory_space<vmem>>
      %dma_start3A_688 = tpu.memref_squeeze %dma_start3A_687 : memref<1x128xi32, #tpu.memory_space<vmem>> -> memref<128xi32, #tpu.memory_space<vmem>>
      %dma_start3A_689 = arith.constant 0 : i32
      %dma_start3A_690 = arith.constant 0 : i32
      %dma_start3A_691 = tpu.memref_slice %arg13[%dma_start3A_689, %dma_start3A_690] : memref<4096x16xf32, #tpu.memory_space<vmem_shared>> -> memref<4096x16xf32, #tpu.memory_space<vmem_shared>>
      tpu.enqueue_indirect_dma source(%dma_start3A_681 : memref<128x16xf32, #tpu.memory_space<vmem>>) target(%dma_start3A_691 : memref<4096x16xf32, #tpu.memory_space<vmem_shared>>) offsets(%dma_start3A_688 : memref<128xi32, #tpu.memory_space<vmem>>) semaphore(%arg17 : memref<!tpu.dma_semaphore, #tpu.memory_space<semaphore_mem>>) {add = true}
      %dma_wait3A_692 = arith.constant 0 : i32
      %dma_wait3A_693 = arith.constant 0 : i32
      %dma_wait3A_694 = arith.constant 0 : i32
      %dma_wait3A_695 = arith.constant 0 : i32
      %dma_wait3A_696 = arith.constant 0 : i32
      %dma_wait3A_697 = tpu.memref_slice %arg12[%dma_wait3A_692, %dma_wait3A_695, %dma_wait3A_696] : memref<2x1024x16xf32, #tpu.memory_space<vmem>> -> memref<1x1024x16xf32, #tpu.memory_space<vmem>>
      %dma_wait3A_698 = tpu.memref_squeeze %dma_wait3A_697 : memref<1x1024x16xf32, #tpu.memory_space<vmem>> -> memref<1024x16xf32, #tpu.memory_space<vmem>>
      %dma_wait3A_699 = arith.constant 0 : i32
      %dma_wait3A_700 = arith.constant 0 : i32
      %dma_wait3A_701 = tpu.memref_slice %dma_wait3A_698[%dma_wait3A_699, %dma_wait3A_700] : memref<1024x16xf32, #tpu.memory_space<vmem>> -> memref<128x16xf32, #tpu.memory_space<vmem>>
      %dma_wait3A_702 = arith.constant 0 : i32
      %dma_wait3A_703 = arith.constant 0 : i32
      %dma_wait3A_704 = tpu.memref_slice %arg11[%dma_wait3A_693, %dma_wait3A_702, %dma_wait3A_703] : memref<2x8x128xi32, #tpu.memory_space<vmem>> -> memref<1x8x128xi32, #tpu.memory_space<vmem>>
      %dma_wait3A_705 = tpu.memref_squeeze %dma_wait3A_704 : memref<1x8x128xi32, #tpu.memory_space<vmem>> -> memref<8x128xi32, #tpu.memory_space<vmem>>
      %dma_wait3A_706 = arith.constant 0 : i32
      %dma_wait3A_707 = tpu.memref_slice %dma_wait3A_705[%dma_wait3A_694, %dma_wait3A_706] : memref<8x128xi32, #tpu.memory_space<vmem>> -> memref<1x128xi32, #tpu.memory_space<vmem>>
      %dma_wait3A_708 = tpu.memref_squeeze %dma_wait3A_707 : memref<1x128xi32, #tpu.memory_space<vmem>> -> memref<128xi32, #tpu.memory_space<vmem>>
      %dma_wait3A_709 = arith.constant 0 : i32
      %dma_wait3A_710 = arith.constant 0 : i32
      %dma_wait3A_711 = tpu.memref_slice %arg13[%dma_wait3A_709, %dma_wait3A_710] : memref<4096x16xf32, #tpu.memory_space<vmem_shared>> -> memref<4096x16xf32, #tpu.memory_space<vmem_shared>>
      tpu.wait_indirect_dma semaphore(%arg16 : memref<!tpu.dma_semaphore, #tpu.memory_space<semaphore_mem>>) src(%dma_wait3A_701 : memref<128x16xf32, #tpu.memory_space<vmem>>) dst(%dma_wait3A_711 : memref<4096x16xf32, #tpu.memory_space<vmem_shared>>)
      %dma_wait3A_712 = arith.constant 0 : i32
      %dma_wait3A_713 = arith.constant 0 : i32
      %dma_wait3A_714 = arith.constant 1 : i32
      %dma_wait3A_715 = arith.constant 0 : i32
      %dma_wait3A_716 = arith.constant 0 : i32
      %dma_wait3A_717 = tpu.memref_slice %arg12[%dma_wait3A_712, %dma_wait3A_715, %dma_wait3A_716] : memref<2x1024x16xf32, #tpu.memory_space<vmem>> -> memref<1x1024x16xf32, #tpu.memory_space<vmem>>
      %dma_wait3A_718 = tpu.memref_squeeze %dma_wait3A_717 : memref<1x1024x16xf32, #tpu.memory_space<vmem>> -> memref<1024x16xf32, #tpu.memory_space<vmem>>
      %dma_wait3A_719 = arith.constant 128 : i32
      %dma_wait3A_720 = arith.constant 0 : i32
      %dma_wait3A_721 = tpu.memref_slice %dma_wait3A_718[%dma_wait3A_719, %dma_wait3A_720] : memref<1024x16xf32, #tpu.memory_space<vmem>> -> memref<128x16xf32, #tpu.memory_space<vmem>>
      %dma_wait3A_722 = arith.constant 0 : i32
      %dma_wait3A_723 = arith.constant 0 : i32
      %dma_wait3A_724 = tpu.memref_slice %arg11[%dma_wait3A_713, %dma_wait3A_722, %dma_wait3A_723] : memref<2x8x128xi32, #tpu.memory_space<vmem>> -> memref<1x8x128xi32, #tpu.memory_space<vmem>>
      %dma_wait3A_725 = tpu.memref_squeeze %dma_wait3A_724 : memref<1x8x128xi32, #tpu.memory_space<vmem>> -> memref<8x128xi32, #tpu.memory_space<vmem>>
      %dma_wait3A_726 = arith.constant 0 : i32
      %dma_wait3A_727 = tpu.memref_slice %dma_wait3A_725[%dma_wait3A_714, %dma_wait3A_726] : memref<8x128xi32, #tpu.memory_space<vmem>> -> memref<1x128xi32, #tpu.memory_space<vmem>>
      %dma_wait3A_728 = tpu.memref_squeeze %dma_wait3A_727 : memref<1x128xi32, #tpu.memory_space<vmem>> -> memref<128xi32, #tpu.memory_space<vmem>>
      %dma_wait3A_729 = arith.constant 0 : i32
      %dma_wait3A_730 = arith.constant 0 : i32
      %dma_wait3A_731 = tpu.memref_slice %arg13[%dma_wait3A_729, %dma_wait3A_730] : memref<4096x16xf32, #tpu.memory_space<vmem_shared>> -> memref<4096x16xf32, #tpu.memory_space<vmem_shared>>
      tpu.wait_indirect_dma semaphore(%arg16 : memref<!tpu.dma_semaphore, #tpu.memory_space<semaphore_mem>>) src(%dma_wait3A_721 : memref<128x16xf32, #tpu.memory_space<vmem>>) dst(%dma_wait3A_731 : memref<4096x16xf32, #tpu.memory_space<vmem_shared>>)
      %dma_wait3A_732 = arith.constant 0 : i32
      %dma_wait3A_733 = arith.constant 0 : i32
      %dma_wait3A_734 = arith.constant 2 : i32
      %dma_wait3A_735 = arith.constant 0 : i32
      %dma_wait3A_736 = arith.constant 0 : i32
      %dma_wait3A_737 = tpu.memref_slice %arg12[%dma_wait3A_732, %dma_wait3A_735, %dma_wait3A_736] : memref<2x1024x16xf32, #tpu.memory_space<vmem>> -> memref<1x1024x16xf32, #tpu.memory_space<vmem>>
      %dma_wait3A_738 = tpu.memref_squeeze %dma_wait3A_737 : memref<1x1024x16xf32, #tpu.memory_space<vmem>> -> memref<1024x16xf32, #tpu.memory_space<vmem>>
      %dma_wait3A_739 = arith.constant 256 : i32
      %dma_wait3A_740 = arith.constant 0 : i32
      %dma_wait3A_741 = tpu.memref_slice %dma_wait3A_738[%dma_wait3A_739, %dma_wait3A_740] : memref<1024x16xf32, #tpu.memory_space<vmem>> -> memref<128x16xf32, #tpu.memory_space<vmem>>
      %dma_wait3A_742 = arith.constant 0 : i32
      %dma_wait3A_743 = arith.constant 0 : i32
      %dma_wait3A_744 = tpu.memref_slice %arg11[%dma_wait3A_733, %dma_wait3A_742, %dma_wait3A_743] : memref<2x8x128xi32, #tpu.memory_space<vmem>> -> memref<1x8x128xi32, #tpu.memory_space<vmem>>
      %dma_wait3A_745 = tpu.memref_squeeze %dma_wait3A_744 : memref<1x8x128xi32, #tpu.memory_space<vmem>> -> memref<8x128xi32, #tpu.memory_space<vmem>>
      %dma_wait3A_746 = arith.constant 0 : i32
      %dma_wait3A_747 = tpu.memref_slice %dma_wait3A_745[%dma_wait3A_734, %dma_wait3A_746] : memref<8x128xi32, #tpu.memory_space<vmem>> -> memref<1x128xi32, #tpu.memory_space<vmem>>
      %dma_wait3A_748 = tpu.memref_squeeze %dma_wait3A_747 : memref<1x128xi32, #tpu.memory_space<vmem>> -> memref<128xi32, #tpu.memory_space<vmem>>
      %dma_wait3A_749 = arith.constant 0 : i32
      %dma_wait3A_750 = arith.constant 0 : i32
      %dma_wait3A_751 = tpu.memref_slice %arg13[%dma_wait3A_749, %dma_wait3A_750] : memref<4096x16xf32, #tpu.memory_space<vmem_shared>> -> memref<4096x16xf32, #tpu.memory_space<vmem_shared>>
      tpu.wait_indirect_dma semaphore(%arg16 : memref<!tpu.dma_semaphore, #tpu.memory_space<semaphore_mem>>) src(%dma_wait3A_741 : memref<128x16xf32, #tpu.memory_space<vmem>>) dst(%dma_wait3A_751 : memref<4096x16xf32, #tpu.memory_space<vmem_shared>>)
      %dma_wait3A_752 = arith.constant 0 : i32
      %dma_wait3A_753 = arith.constant 0 : i32
      %dma_wait3A_754 = arith.constant 3 : i32
      %dma_wait3A_755 = arith.constant 0 : i32
      %dma_wait3A_756 = arith.constant 0 : i32
      %dma_wait3A_757 = tpu.memref_slice %arg12[%dma_wait3A_752, %dma_wait3A_755, %dma_wait3A_756] : memref<2x1024x16xf32, #tpu.memory_space<vmem>> -> memref<1x1024x16xf32, #tpu.memory_space<vmem>>
      %dma_wait3A_758 = tpu.memref_squeeze %dma_wait3A_757 : memref<1x1024x16xf32, #tpu.memory_space<vmem>> -> memref<1024x16xf32, #tpu.memory_space<vmem>>
      %dma_wait3A_759 = arith.constant 384 : i32
      %dma_wait3A_760 = arith.constant 0 : i32
      %dma_wait3A_761 = tpu.memref_slice %dma_wait3A_758[%dma_wait3A_759, %dma_wait3A_760] : memref<1024x16xf32, #tpu.memory_space<vmem>> -> memref<128x16xf32, #tpu.memory_space<vmem>>
      %dma_wait3A_762 = arith.constant 0 : i32
      %dma_wait3A_763 = arith.constant 0 : i32
      %dma_wait3A_764 = tpu.memref_slice %arg11[%dma_wait3A_753, %dma_wait3A_762, %dma_wait3A_763] : memref<2x8x128xi32, #tpu.memory_space<vmem>> -> memref<1x8x128xi32, #tpu.memory_space<vmem>>
      %dma_wait3A_765 = tpu.memref_squeeze %dma_wait3A_764 : memref<1x8x128xi32, #tpu.memory_space<vmem>> -> memref<8x128xi32, #tpu.memory_space<vmem>>
      %dma_wait3A_766 = arith.constant 0 : i32
      %dma_wait3A_767 = tpu.memref_slice %dma_wait3A_765[%dma_wait3A_754, %dma_wait3A_766] : memref<8x128xi32, #tpu.memory_space<vmem>> -> memref<1x128xi32, #tpu.memory_space<vmem>>
      %dma_wait3A_768 = tpu.memref_squeeze %dma_wait3A_767 : memref<1x128xi32, #tpu.memory_space<vmem>> -> memref<128xi32, #tpu.memory_space<vmem>>
      %dma_wait3A_769 = arith.constant 0 : i32
      %dma_wait3A_770 = arith.constant 0 : i32
      %dma_wait3A_771 = tpu.memref_slice %arg13[%dma_wait3A_769, %dma_wait3A_770] : memref<4096x16xf32, #tpu.memory_space<vmem_shared>> -> memref<4096x16xf32, #tpu.memory_space<vmem_shared>>
      tpu.wait_indirect_dma semaphore(%arg16 : memref<!tpu.dma_semaphore, #tpu.memory_space<semaphore_mem>>) src(%dma_wait3A_761 : memref<128x16xf32, #tpu.memory_space<vmem>>) dst(%dma_wait3A_771 : memref<4096x16xf32, #tpu.memory_space<vmem_shared>>)
      %dma_wait3A_772 = arith.constant 0 : i32
      %dma_wait3A_773 = arith.constant 0 : i32
      %dma_wait3A_774 = arith.constant 4 : i32
      %dma_wait3A_775 = arith.constant 0 : i32
      %dma_wait3A_776 = arith.constant 0 : i32
      %dma_wait3A_777 = tpu.memref_slice %arg12[%dma_wait3A_772, %dma_wait3A_775, %dma_wait3A_776] : memref<2x1024x16xf32, #tpu.memory_space<vmem>> -> memref<1x1024x16xf32, #tpu.memory_space<vmem>>
      %dma_wait3A_778 = tpu.memref_squeeze %dma_wait3A_777 : memref<1x1024x16xf32, #tpu.memory_space<vmem>> -> memref<1024x16xf32, #tpu.memory_space<vmem>>
      %dma_wait3A_779 = arith.constant 512 : i32
      %dma_wait3A_780 = arith.constant 0 : i32
      %dma_wait3A_781 = tpu.memref_slice %dma_wait3A_778[%dma_wait3A_779, %dma_wait3A_780] : memref<1024x16xf32, #tpu.memory_space<vmem>> -> memref<128x16xf32, #tpu.memory_space<vmem>>
      %dma_wait3A_782 = arith.constant 0 : i32
      %dma_wait3A_783 = arith.constant 0 : i32
      %dma_wait3A_784 = tpu.memref_slice %arg11[%dma_wait3A_773, %dma_wait3A_782, %dma_wait3A_783] : memref<2x8x128xi32, #tpu.memory_space<vmem>> -> memref<1x8x128xi32, #tpu.memory_space<vmem>>
      %dma_wait3A_785 = tpu.memref_squeeze %dma_wait3A_784 : memref<1x8x128xi32, #tpu.memory_space<vmem>> -> memref<8x128xi32, #tpu.memory_space<vmem>>
      %dma_wait3A_786 = arith.constant 0 : i32
      %dma_wait3A_787 = tpu.memref_slice %dma_wait3A_785[%dma_wait3A_774, %dma_wait3A_786] : memref<8x128xi32, #tpu.memory_space<vmem>> -> memref<1x128xi32, #tpu.memory_space<vmem>>
      %dma_wait3A_788 = tpu.memref_squeeze %dma_wait3A_787 : memref<1x128xi32, #tpu.memory_space<vmem>> -> memref<128xi32, #tpu.memory_space<vmem>>
      %dma_wait3A_789 = arith.constant 0 : i32
      %dma_wait3A_790 = arith.constant 0 : i32
      %dma_wait3A_791 = tpu.memref_slice %arg13[%dma_wait3A_789, %dma_wait3A_790] : memref<4096x16xf32, #tpu.memory_space<vmem_shared>> -> memref<4096x16xf32, #tpu.memory_space<vmem_shared>>
      tpu.wait_indirect_dma semaphore(%arg16 : memref<!tpu.dma_semaphore, #tpu.memory_space<semaphore_mem>>) src(%dma_wait3A_781 : memref<128x16xf32, #tpu.memory_space<vmem>>) dst(%dma_wait3A_791 : memref<4096x16xf32, #tpu.memory_space<vmem_shared>>)
      %dma_wait3A_792 = arith.constant 0 : i32
      %dma_wait3A_793 = arith.constant 0 : i32
      %dma_wait3A_794 = arith.constant 5 : i32
      %dma_wait3A_795 = arith.constant 0 : i32
      %dma_wait3A_796 = arith.constant 0 : i32
      %dma_wait3A_797 = tpu.memref_slice %arg12[%dma_wait3A_792, %dma_wait3A_795, %dma_wait3A_796] : memref<2x1024x16xf32, #tpu.memory_space<vmem>> -> memref<1x1024x16xf32, #tpu.memory_space<vmem>>
      %dma_wait3A_798 = tpu.memref_squeeze %dma_wait3A_797 : memref<1x1024x16xf32, #tpu.memory_space<vmem>> -> memref<1024x16xf32, #tpu.memory_space<vmem>>
      %dma_wait3A_799 = arith.constant 640 : i32
      %dma_wait3A_800 = arith.constant 0 : i32
      %dma_wait3A_801 = tpu.memref_slice %dma_wait3A_798[%dma_wait3A_799, %dma_wait3A_800] : memref<1024x16xf32, #tpu.memory_space<vmem>> -> memref<128x16xf32, #tpu.memory_space<vmem>>
      %dma_wait3A_802 = arith.constant 0 : i32
      %dma_wait3A_803 = arith.constant 0 : i32
      %dma_wait3A_804 = tpu.memref_slice %arg11[%dma_wait3A_793, %dma_wait3A_802, %dma_wait3A_803] : memref<2x8x128xi32, #tpu.memory_space<vmem>> -> memref<1x8x128xi32, #tpu.memory_space<vmem>>
      %dma_wait3A_805 = tpu.memref_squeeze %dma_wait3A_804 : memref<1x8x128xi32, #tpu.memory_space<vmem>> -> memref<8x128xi32, #tpu.memory_space<vmem>>
      %dma_wait3A_806 = arith.constant 0 : i32
      %dma_wait3A_807 = tpu.memref_slice %dma_wait3A_805[%dma_wait3A_794, %dma_wait3A_806] : memref<8x128xi32, #tpu.memory_space<vmem>> -> memref<1x128xi32, #tpu.memory_space<vmem>>
      %dma_wait3A_808 = tpu.memref_squeeze %dma_wait3A_807 : memref<1x128xi32, #tpu.memory_space<vmem>> -> memref<128xi32, #tpu.memory_space<vmem>>
      %dma_wait3A_809 = arith.constant 0 : i32
      %dma_wait3A_810 = arith.constant 0 : i32
      %dma_wait3A_811 = tpu.memref_slice %arg13[%dma_wait3A_809, %dma_wait3A_810] : memref<4096x16xf32, #tpu.memory_space<vmem_shared>> -> memref<4096x16xf32, #tpu.memory_space<vmem_shared>>
      tpu.wait_indirect_dma semaphore(%arg16 : memref<!tpu.dma_semaphore, #tpu.memory_space<semaphore_mem>>) src(%dma_wait3A_801 : memref<128x16xf32, #tpu.memory_space<vmem>>) dst(%dma_wait3A_811 : memref<4096x16xf32, #tpu.memory_space<vmem_shared>>)
      %dma_wait3A_812 = arith.constant 0 : i32
      %dma_wait3A_813 = arith.constant 0 : i32
      %dma_wait3A_814 = arith.constant 6 : i32
      %dma_wait3A_815 = arith.constant 0 : i32
      %dma_wait3A_816 = arith.constant 0 : i32
      %dma_wait3A_817 = tpu.memref_slice %arg12[%dma_wait3A_812, %dma_wait3A_815, %dma_wait3A_816] : memref<2x1024x16xf32, #tpu.memory_space<vmem>> -> memref<1x1024x16xf32, #tpu.memory_space<vmem>>
      %dma_wait3A_818 = tpu.memref_squeeze %dma_wait3A_817 : memref<1x1024x16xf32, #tpu.memory_space<vmem>> -> memref<1024x16xf32, #tpu.memory_space<vmem>>
      %dma_wait3A_819 = arith.constant 768 : i32
      %dma_wait3A_820 = arith.constant 0 : i32
      %dma_wait3A_821 = tpu.memref_slice %dma_wait3A_818[%dma_wait3A_819, %dma_wait3A_820] : memref<1024x16xf32, #tpu.memory_space<vmem>> -> memref<128x16xf32, #tpu.memory_space<vmem>>
      %dma_wait3A_822 = arith.constant 0 : i32
      %dma_wait3A_823 = arith.constant 0 : i32
      %dma_wait3A_824 = tpu.memref_slice %arg11[%dma_wait3A_813, %dma_wait3A_822, %dma_wait3A_823] : memref<2x8x128xi32, #tpu.memory_space<vmem>> -> memref<1x8x128xi32, #tpu.memory_space<vmem>>
      %dma_wait3A_825 = tpu.memref_squeeze %dma_wait3A_824 : memref<1x8x128xi32, #tpu.memory_space<vmem>> -> memref<8x128xi32, #tpu.memory_space<vmem>>
      %dma_wait3A_826 = arith.constant 0 : i32
      %dma_wait3A_827 = tpu.memref_slice %dma_wait3A_825[%dma_wait3A_814, %dma_wait3A_826] : memref<8x128xi32, #tpu.memory_space<vmem>> -> memref<1x128xi32, #tpu.memory_space<vmem>>
      %dma_wait3A_828 = tpu.memref_squeeze %dma_wait3A_827 : memref<1x128xi32, #tpu.memory_space<vmem>> -> memref<128xi32, #tpu.memory_space<vmem>>
      %dma_wait3A_829 = arith.constant 0 : i32
      %dma_wait3A_830 = arith.constant 0 : i32
      %dma_wait3A_831 = tpu.memref_slice %arg13[%dma_wait3A_829, %dma_wait3A_830] : memref<4096x16xf32, #tpu.memory_space<vmem_shared>> -> memref<4096x16xf32, #tpu.memory_space<vmem_shared>>
      tpu.wait_indirect_dma semaphore(%arg16 : memref<!tpu.dma_semaphore, #tpu.memory_space<semaphore_mem>>) src(%dma_wait3A_821 : memref<128x16xf32, #tpu.memory_space<vmem>>) dst(%dma_wait3A_831 : memref<4096x16xf32, #tpu.memory_space<vmem_shared>>)
      %dma_wait3A_832 = arith.constant 0 : i32
      %dma_wait3A_833 = arith.constant 0 : i32
      %dma_wait3A_834 = arith.constant 7 : i32
      %dma_wait3A_835 = arith.constant 0 : i32
      %dma_wait3A_836 = arith.constant 0 : i32
      %dma_wait3A_837 = tpu.memref_slice %arg12[%dma_wait3A_832, %dma_wait3A_835, %dma_wait3A_836] : memref<2x1024x16xf32, #tpu.memory_space<vmem>> -> memref<1x1024x16xf32, #tpu.memory_space<vmem>>
      %dma_wait3A_838 = tpu.memref_squeeze %dma_wait3A_837 : memref<1x1024x16xf32, #tpu.memory_space<vmem>> -> memref<1024x16xf32, #tpu.memory_space<vmem>>
      %dma_wait3A_839 = arith.constant 896 : i32
      %dma_wait3A_840 = arith.constant 0 : i32
      %dma_wait3A_841 = tpu.memref_slice %dma_wait3A_838[%dma_wait3A_839, %dma_wait3A_840] : memref<1024x16xf32, #tpu.memory_space<vmem>> -> memref<128x16xf32, #tpu.memory_space<vmem>>
      %dma_wait3A_842 = arith.constant 0 : i32
      %dma_wait3A_843 = arith.constant 0 : i32
      %dma_wait3A_844 = tpu.memref_slice %arg11[%dma_wait3A_833, %dma_wait3A_842, %dma_wait3A_843] : memref<2x8x128xi32, #tpu.memory_space<vmem>> -> memref<1x8x128xi32, #tpu.memory_space<vmem>>
      %dma_wait3A_845 = tpu.memref_squeeze %dma_wait3A_844 : memref<1x8x128xi32, #tpu.memory_space<vmem>> -> memref<8x128xi32, #tpu.memory_space<vmem>>
      %dma_wait3A_846 = arith.constant 0 : i32
      %dma_wait3A_847 = tpu.memref_slice %dma_wait3A_845[%dma_wait3A_834, %dma_wait3A_846] : memref<8x128xi32, #tpu.memory_space<vmem>> -> memref<1x128xi32, #tpu.memory_space<vmem>>
      %dma_wait3A_848 = tpu.memref_squeeze %dma_wait3A_847 : memref<1x128xi32, #tpu.memory_space<vmem>> -> memref<128xi32, #tpu.memory_space<vmem>>
      %dma_wait3A_849 = arith.constant 0 : i32
      %dma_wait3A_850 = arith.constant 0 : i32
      %dma_wait3A_851 = tpu.memref_slice %arg13[%dma_wait3A_849, %dma_wait3A_850] : memref<4096x16xf32, #tpu.memory_space<vmem_shared>> -> memref<4096x16xf32, #tpu.memory_space<vmem_shared>>
      tpu.wait_indirect_dma semaphore(%arg16 : memref<!tpu.dma_semaphore, #tpu.memory_space<semaphore_mem>>) src(%dma_wait3A_841 : memref<128x16xf32, #tpu.memory_space<vmem>>) dst(%dma_wait3A_851 : memref<4096x16xf32, #tpu.memory_space<vmem_shared>>)
      %add3A_852 = arith.constant 2 : i32
      %add3A_853 = arith.addi %mul3A_228, %add3A_852 : i32
      %lt3A = arith.constant 52 : i32
      %lt3A_854 = arith.cmpi slt, %add3A_853, %lt3A : i32
      %convert_element_type3A_855 = arith.extui %lt3A_854 : i1 to i32
      %cond3A_856 = arith.constant 0 : i32
      %cond3A_857 = arith.cmpi ne, %convert_element_type3A_855, %cond3A_856 : i32
      scf.if %cond3A_857 {
        %add3A_858 = arith.constant 2 : i32
        %add3A_859 = arith.addi %mul3A_228, %add3A_858 : i32
        %mul3A_860 = arith.constant 1024 : i32
        %mul3A_861 = arith.muli %add3A_859, %mul3A_860 : i32
        %add3A_862 = arith.addi %mul3A_7, %mul3A_861 : i32
        %jit3A_863 = arith.constant 128 : i32
        %div3A_864 = arith.divsi %add3A_862, %jit3A_863 : i32
        %sign3A_865 = arith.constant 0 : i32
        %sign3A_866 = arith.cmpi sgt, %add3A_862, %sign3A_865 : i32
        %sign3A_867 = arith.extui %sign3A_866 : i1 to i32
        %sign3A_868 = arith.constant 0 : i32
        %sign3A_869 = arith.cmpi slt, %add3A_862, %sign3A_868 : i32
        %sign3A_870 = arith.extui %sign3A_869 : i1 to i32
        %sign3A_871 = arith.subi %sign3A_867, %sign3A_870 : i32
        %sign3A_872 = arith.constant 0 : i32
        %sign3A_873 = arith.cmpi sgt, %jit3A_863, %sign3A_872 : i32
        %sign3A_874 = arith.extui %sign3A_873 : i1 to i32
        %sign3A_875 = arith.constant 0 : i32
        %sign3A_876 = arith.cmpi slt, %jit3A_863, %sign3A_875 : i32
        %sign3A_877 = arith.extui %sign3A_876 : i1 to i32
        %sign3A_878 = arith.subi %sign3A_874, %sign3A_877 : i32
        %ne3A_879 = arith.cmpi ne, %sign3A_871, %sign3A_878 : i32
        %rem3A_880 = arith.remsi %add3A_862, %jit3A_863 : i32
        %ne3A_881 = arith.constant 0 : i32
        %ne3A_882 = arith.cmpi ne, %rem3A_880, %ne3A_881 : i32
        %and3A_883 = arith.andi %ne3A_879, %ne3A_882 : i1
        %sub3A_884 = arith.constant 1 : i32
        %sub3A_885 = arith.subi %div3A_864, %sub3A_884 : i32
        %select_n3A_886 = arith.select %and3A_883, %sub3A_885, %div3A_864 : i32
        %multiple_of3A_887 = tpu.assume_multiple %select_n3A_886, 8 : i32
        %dma_start3A_888 = arith.constant 0 : i32
        %dma_start3A_889 = arith.constant 0 : i32
        %dma_start3A_890 = tpu.memref_slice %arg9[%dma_start3A_888, %dma_start3A_889] : memref<2x1024xi32, #tpu.memory_space<vmem>> -> memref<1x1024xi32, #tpu.memory_space<vmem>>
        %dma_start3A_891 = tpu.memref_squeeze %dma_start3A_890 : memref<1x1024xi32, #tpu.memory_space<vmem>> -> memref<1024xi32, #tpu.memory_space<vmem>>
        %dma_start3A_892 = tpu.memref_slice %arg3[%add3A_862] : memref<1703936xi32, #tpu.memory_space<hbm>> -> memref<1024xi32, #tpu.memory_space<hbm>>
        %dma_start3A_893 = arith.constant 0 : i32
        %dma_start3A_894 = tpu.memref_slice %arg9[%dma_start3A_888, %dma_start3A_893] : memref<2x1024xi32, #tpu.memory_space<vmem>> -> memref<1x1024xi32, #tpu.memory_space<vmem>>
        %dma_start3A_895 = tpu.memref_squeeze %dma_start3A_894 : memref<1x1024xi32, #tpu.memory_space<vmem>> -> memref<1024xi32, #tpu.memory_space<vmem>>
        %dma_start3A_896 = tpu.memref_slice %arg3[%add3A_862] : memref<1703936xi32, #tpu.memory_space<hbm>> -> memref<1024xi32, #tpu.memory_space<hbm>>
        tpu.enqueue_dma source(%dma_start3A_896 : memref<1024xi32, #tpu.memory_space<hbm>>) target(%dma_start3A_895 : memref<1024xi32, #tpu.memory_space<vmem>>) target_semaphore(%arg14 : memref<!tpu.dma_semaphore, #tpu.memory_space<semaphore_mem>>)
        %dma_start3A_897 = arith.constant 0 : i32
        %dma_start3A_898 = arith.constant 0 : i32
        %dma_start3A_899 = tpu.memref_slice %arg10[%dma_start3A_897, %dma_start3A_898] : memref<2x1024xf32, #tpu.memory_space<vmem>> -> memref<1x1024xf32, #tpu.memory_space<vmem>>
        %dma_start3A_900 = tpu.memref_squeeze %dma_start3A_899 : memref<1x1024xf32, #tpu.memory_space<vmem>> -> memref<1024xf32, #tpu.memory_space<vmem>>
        %dma_start3A_901 = tpu.memref_slice %arg4[%add3A_862] : memref<1703936xf32, #tpu.memory_space<hbm>> -> memref<1024xf32, #tpu.memory_space<hbm>>
        %dma_start3A_902 = arith.constant 0 : i32
        %dma_start3A_903 = tpu.memref_slice %arg10[%dma_start3A_897, %dma_start3A_902] : memref<2x1024xf32, #tpu.memory_space<vmem>> -> memref<1x1024xf32, #tpu.memory_space<vmem>>
        %dma_start3A_904 = tpu.memref_squeeze %dma_start3A_903 : memref<1x1024xf32, #tpu.memory_space<vmem>> -> memref<1024xf32, #tpu.memory_space<vmem>>
        %dma_start3A_905 = tpu.memref_slice %arg4[%add3A_862] : memref<1703936xf32, #tpu.memory_space<hbm>> -> memref<1024xf32, #tpu.memory_space<hbm>>
        tpu.enqueue_dma source(%dma_start3A_905 : memref<1024xf32, #tpu.memory_space<hbm>>) target(%dma_start3A_904 : memref<1024xf32, #tpu.memory_space<vmem>>) target_semaphore(%arg14 : memref<!tpu.dma_semaphore, #tpu.memory_space<semaphore_mem>>)
        %dma_start3A_906 = arith.constant 0 : i32
        %dma_start3A_907 = arith.constant 0 : i32
        %dma_start3A_908 = arith.constant 0 : i32
        %dma_start3A_909 = tpu.memref_slice %arg11[%dma_start3A_906, %dma_start3A_907, %dma_start3A_908] : memref<2x8x128xi32, #tpu.memory_space<vmem>> -> memref<1x8x128xi32, #tpu.memory_space<vmem>>
        %dma_start3A_910 = tpu.memref_squeeze %dma_start3A_909 : memref<1x8x128xi32, #tpu.memory_space<vmem>> -> memref<8x128xi32, #tpu.memory_space<vmem>>
        %dma_start3A_911 = arith.constant 0 : i32
        %dma_start3A_912 = tpu.memref_slice %arg5[%multiple_of3A_887, %dma_start3A_911] : memref<13312x128xi32, #tpu.memory_space<hbm>> -> memref<8x128xi32, #tpu.memory_space<hbm>>
        %dma_start3A_913 = arith.constant 0 : i32
        %dma_start3A_914 = arith.constant 0 : i32
        %dma_start3A_915 = tpu.memref_slice %arg11[%dma_start3A_906, %dma_start3A_913, %dma_start3A_914] : memref<2x8x128xi32, #tpu.memory_space<vmem>> -> memref<1x8x128xi32, #tpu.memory_space<vmem>>
        %dma_start3A_916 = tpu.memref_squeeze %dma_start3A_915 : memref<1x8x128xi32, #tpu.memory_space<vmem>> -> memref<8x128xi32, #tpu.memory_space<vmem>>
        %dma_start3A_917 = arith.constant 0 : i32
        %dma_start3A_918 = tpu.memref_slice %arg5[%multiple_of3A_887, %dma_start3A_917] : memref<13312x128xi32, #tpu.memory_space<hbm>> -> memref<8x128xi32, #tpu.memory_space<hbm>>
        tpu.enqueue_dma source(%dma_start3A_918 : memref<8x128xi32, #tpu.memory_space<hbm>>) target(%dma_start3A_916 : memref<8x128xi32, #tpu.memory_space<vmem>>) target_semaphore(%arg14 : memref<!tpu.dma_semaphore, #tpu.memory_space<semaphore_mem>>)
      } else {
      }
    }
    %scan3A_59 = arith.constant 26 : i32
    %dma_wait3A = arith.constant 1 : i32
    %dma_wait3A_60 = arith.constant 1 : i32
    %dma_wait3A_61 = arith.constant 0 : i32
    %dma_wait3A_62 = arith.constant 0 : i32
    %dma_wait3A_63 = arith.constant 0 : i32
    %dma_wait3A_64 = tpu.memref_slice %arg12[%dma_wait3A, %dma_wait3A_62, %dma_wait3A_63] : memref<2x1024x16xf32, #tpu.memory_space<vmem>> -> memref<1x1024x16xf32, #tpu.memory_space<vmem>>
    %dma_wait3A_65 = tpu.memref_squeeze %dma_wait3A_64 : memref<1x1024x16xf32, #tpu.memory_space<vmem>> -> memref<1024x16xf32, #tpu.memory_space<vmem>>
    %dma_wait3A_66 = arith.constant 0 : i32
    %dma_wait3A_67 = arith.constant 0 : i32
    %dma_wait3A_68 = tpu.memref_slice %dma_wait3A_65[%dma_wait3A_66, %dma_wait3A_67] : memref<1024x16xf32, #tpu.memory_space<vmem>> -> memref<128x16xf32, #tpu.memory_space<vmem>>
    %dma_wait3A_69 = arith.constant 0 : i32
    %dma_wait3A_70 = arith.constant 0 : i32
    %dma_wait3A_71 = tpu.memref_slice %arg11[%dma_wait3A_60, %dma_wait3A_69, %dma_wait3A_70] : memref<2x8x128xi32, #tpu.memory_space<vmem>> -> memref<1x8x128xi32, #tpu.memory_space<vmem>>
    %dma_wait3A_72 = tpu.memref_squeeze %dma_wait3A_71 : memref<1x8x128xi32, #tpu.memory_space<vmem>> -> memref<8x128xi32, #tpu.memory_space<vmem>>
    %dma_wait3A_73 = arith.constant 0 : i32
    %dma_wait3A_74 = tpu.memref_slice %dma_wait3A_72[%dma_wait3A_61, %dma_wait3A_73] : memref<8x128xi32, #tpu.memory_space<vmem>> -> memref<1x128xi32, #tpu.memory_space<vmem>>
    %dma_wait3A_75 = tpu.memref_squeeze %dma_wait3A_74 : memref<1x128xi32, #tpu.memory_space<vmem>> -> memref<128xi32, #tpu.memory_space<vmem>>
    %dma_wait3A_76 = arith.constant 0 : i32
    %dma_wait3A_77 = arith.constant 0 : i32
    %dma_wait3A_78 = tpu.memref_slice %arg13[%dma_wait3A_76, %dma_wait3A_77] : memref<4096x16xf32, #tpu.memory_space<vmem_shared>> -> memref<4096x16xf32, #tpu.memory_space<vmem_shared>>
    tpu.wait_indirect_dma semaphore(%arg17 : memref<!tpu.dma_semaphore, #tpu.memory_space<semaphore_mem>>) src(%dma_wait3A_68 : memref<128x16xf32, #tpu.memory_space<vmem>>) dst(%dma_wait3A_78 : memref<4096x16xf32, #tpu.memory_space<vmem_shared>>)
    %dma_wait3A_79 = arith.constant 1 : i32
    %dma_wait3A_80 = arith.constant 1 : i32
    %dma_wait3A_81 = arith.constant 1 : i32
    %dma_wait3A_82 = arith.constant 0 : i32
    %dma_wait3A_83 = arith.constant 0 : i32
    %dma_wait3A_84 = tpu.memref_slice %arg12[%dma_wait3A_79, %dma_wait3A_82, %dma_wait3A_83] : memref<2x1024x16xf32, #tpu.memory_space<vmem>> -> memref<1x1024x16xf32, #tpu.memory_space<vmem>>
    %dma_wait3A_85 = tpu.memref_squeeze %dma_wait3A_84 : memref<1x1024x16xf32, #tpu.memory_space<vmem>> -> memref<1024x16xf32, #tpu.memory_space<vmem>>
    %dma_wait3A_86 = arith.constant 128 : i32
    %dma_wait3A_87 = arith.constant 0 : i32
    %dma_wait3A_88 = tpu.memref_slice %dma_wait3A_85[%dma_wait3A_86, %dma_wait3A_87] : memref<1024x16xf32, #tpu.memory_space<vmem>> -> memref<128x16xf32, #tpu.memory_space<vmem>>
    %dma_wait3A_89 = arith.constant 0 : i32
    %dma_wait3A_90 = arith.constant 0 : i32
    %dma_wait3A_91 = tpu.memref_slice %arg11[%dma_wait3A_80, %dma_wait3A_89, %dma_wait3A_90] : memref<2x8x128xi32, #tpu.memory_space<vmem>> -> memref<1x8x128xi32, #tpu.memory_space<vmem>>
    %dma_wait3A_92 = tpu.memref_squeeze %dma_wait3A_91 : memref<1x8x128xi32, #tpu.memory_space<vmem>> -> memref<8x128xi32, #tpu.memory_space<vmem>>
    %dma_wait3A_93 = arith.constant 0 : i32
    %dma_wait3A_94 = tpu.memref_slice %dma_wait3A_92[%dma_wait3A_81, %dma_wait3A_93] : memref<8x128xi32, #tpu.memory_space<vmem>> -> memref<1x128xi32, #tpu.memory_space<vmem>>
    %dma_wait3A_95 = tpu.memref_squeeze %dma_wait3A_94 : memref<1x128xi32, #tpu.memory_space<vmem>> -> memref<128xi32, #tpu.memory_space<vmem>>
    %dma_wait3A_96 = arith.constant 0 : i32
    %dma_wait3A_97 = arith.constant 0 : i32
    %dma_wait3A_98 = tpu.memref_slice %arg13[%dma_wait3A_96, %dma_wait3A_97] : memref<4096x16xf32, #tpu.memory_space<vmem_shared>> -> memref<4096x16xf32, #tpu.memory_space<vmem_shared>>
    tpu.wait_indirect_dma semaphore(%arg17 : memref<!tpu.dma_semaphore, #tpu.memory_space<semaphore_mem>>) src(%dma_wait3A_88 : memref<128x16xf32, #tpu.memory_space<vmem>>) dst(%dma_wait3A_98 : memref<4096x16xf32, #tpu.memory_space<vmem_shared>>)
    %dma_wait3A_99 = arith.constant 1 : i32
    %dma_wait3A_100 = arith.constant 1 : i32
    %dma_wait3A_101 = arith.constant 2 : i32
    %dma_wait3A_102 = arith.constant 0 : i32
    %dma_wait3A_103 = arith.constant 0 : i32
    %dma_wait3A_104 = tpu.memref_slice %arg12[%dma_wait3A_99, %dma_wait3A_102, %dma_wait3A_103] : memref<2x1024x16xf32, #tpu.memory_space<vmem>> -> memref<1x1024x16xf32, #tpu.memory_space<vmem>>
    %dma_wait3A_105 = tpu.memref_squeeze %dma_wait3A_104 : memref<1x1024x16xf32, #tpu.memory_space<vmem>> -> memref<1024x16xf32, #tpu.memory_space<vmem>>
    %dma_wait3A_106 = arith.constant 256 : i32
    %dma_wait3A_107 = arith.constant 0 : i32
    %dma_wait3A_108 = tpu.memref_slice %dma_wait3A_105[%dma_wait3A_106, %dma_wait3A_107] : memref<1024x16xf32, #tpu.memory_space<vmem>> -> memref<128x16xf32, #tpu.memory_space<vmem>>
    %dma_wait3A_109 = arith.constant 0 : i32
    %dma_wait3A_110 = arith.constant 0 : i32
    %dma_wait3A_111 = tpu.memref_slice %arg11[%dma_wait3A_100, %dma_wait3A_109, %dma_wait3A_110] : memref<2x8x128xi32, #tpu.memory_space<vmem>> -> memref<1x8x128xi32, #tpu.memory_space<vmem>>
    %dma_wait3A_112 = tpu.memref_squeeze %dma_wait3A_111 : memref<1x8x128xi32, #tpu.memory_space<vmem>> -> memref<8x128xi32, #tpu.memory_space<vmem>>
    %dma_wait3A_113 = arith.constant 0 : i32
    %dma_wait3A_114 = tpu.memref_slice %dma_wait3A_112[%dma_wait3A_101, %dma_wait3A_113] : memref<8x128xi32, #tpu.memory_space<vmem>> -> memref<1x128xi32, #tpu.memory_space<vmem>>
    %dma_wait3A_115 = tpu.memref_squeeze %dma_wait3A_114 : memref<1x128xi32, #tpu.memory_space<vmem>> -> memref<128xi32, #tpu.memory_space<vmem>>
    %dma_wait3A_116 = arith.constant 0 : i32
    %dma_wait3A_117 = arith.constant 0 : i32
    %dma_wait3A_118 = tpu.memref_slice %arg13[%dma_wait3A_116, %dma_wait3A_117] : memref<4096x16xf32, #tpu.memory_space<vmem_shared>> -> memref<4096x16xf32, #tpu.memory_space<vmem_shared>>
    tpu.wait_indirect_dma semaphore(%arg17 : memref<!tpu.dma_semaphore, #tpu.memory_space<semaphore_mem>>) src(%dma_wait3A_108 : memref<128x16xf32, #tpu.memory_space<vmem>>) dst(%dma_wait3A_118 : memref<4096x16xf32, #tpu.memory_space<vmem_shared>>)
    %dma_wait3A_119 = arith.constant 1 : i32
    %dma_wait3A_120 = arith.constant 1 : i32
    %dma_wait3A_121 = arith.constant 3 : i32
    %dma_wait3A_122 = arith.constant 0 : i32
    %dma_wait3A_123 = arith.constant 0 : i32
    %dma_wait3A_124 = tpu.memref_slice %arg12[%dma_wait3A_119, %dma_wait3A_122, %dma_wait3A_123] : memref<2x1024x16xf32, #tpu.memory_space<vmem>> -> memref<1x1024x16xf32, #tpu.memory_space<vmem>>
    %dma_wait3A_125 = tpu.memref_squeeze %dma_wait3A_124 : memref<1x1024x16xf32, #tpu.memory_space<vmem>> -> memref<1024x16xf32, #tpu.memory_space<vmem>>
    %dma_wait3A_126 = arith.constant 384 : i32
    %dma_wait3A_127 = arith.constant 0 : i32
    %dma_wait3A_128 = tpu.memref_slice %dma_wait3A_125[%dma_wait3A_126, %dma_wait3A_127] : memref<1024x16xf32, #tpu.memory_space<vmem>> -> memref<128x16xf32, #tpu.memory_space<vmem>>
    %dma_wait3A_129 = arith.constant 0 : i32
    %dma_wait3A_130 = arith.constant 0 : i32
    %dma_wait3A_131 = tpu.memref_slice %arg11[%dma_wait3A_120, %dma_wait3A_129, %dma_wait3A_130] : memref<2x8x128xi32, #tpu.memory_space<vmem>> -> memref<1x8x128xi32, #tpu.memory_space<vmem>>
    %dma_wait3A_132 = tpu.memref_squeeze %dma_wait3A_131 : memref<1x8x128xi32, #tpu.memory_space<vmem>> -> memref<8x128xi32, #tpu.memory_space<vmem>>
    %dma_wait3A_133 = arith.constant 0 : i32
    %dma_wait3A_134 = tpu.memref_slice %dma_wait3A_132[%dma_wait3A_121, %dma_wait3A_133] : memref<8x128xi32, #tpu.memory_space<vmem>> -> memref<1x128xi32, #tpu.memory_space<vmem>>
    %dma_wait3A_135 = tpu.memref_squeeze %dma_wait3A_134 : memref<1x128xi32, #tpu.memory_space<vmem>> -> memref<128xi32, #tpu.memory_space<vmem>>
    %dma_wait3A_136 = arith.constant 0 : i32
    %dma_wait3A_137 = arith.constant 0 : i32
    %dma_wait3A_138 = tpu.memref_slice %arg13[%dma_wait3A_136, %dma_wait3A_137] : memref<4096x16xf32, #tpu.memory_space<vmem_shared>> -> memref<4096x16xf32, #tpu.memory_space<vmem_shared>>
    tpu.wait_indirect_dma semaphore(%arg17 : memref<!tpu.dma_semaphore, #tpu.memory_space<semaphore_mem>>) src(%dma_wait3A_128 : memref<128x16xf32, #tpu.memory_space<vmem>>) dst(%dma_wait3A_138 : memref<4096x16xf32, #tpu.memory_space<vmem_shared>>)
    %dma_wait3A_139 = arith.constant 1 : i32
    %dma_wait3A_140 = arith.constant 1 : i32
    %dma_wait3A_141 = arith.constant 4 : i32
    %dma_wait3A_142 = arith.constant 0 : i32
    %dma_wait3A_143 = arith.constant 0 : i32
    %dma_wait3A_144 = tpu.memref_slice %arg12[%dma_wait3A_139, %dma_wait3A_142, %dma_wait3A_143] : memref<2x1024x16xf32, #tpu.memory_space<vmem>> -> memref<1x1024x16xf32, #tpu.memory_space<vmem>>
    %dma_wait3A_145 = tpu.memref_squeeze %dma_wait3A_144 : memref<1x1024x16xf32, #tpu.memory_space<vmem>> -> memref<1024x16xf32, #tpu.memory_space<vmem>>
    %dma_wait3A_146 = arith.constant 512 : i32
    %dma_wait3A_147 = arith.constant 0 : i32
    %dma_wait3A_148 = tpu.memref_slice %dma_wait3A_145[%dma_wait3A_146, %dma_wait3A_147] : memref<1024x16xf32, #tpu.memory_space<vmem>> -> memref<128x16xf32, #tpu.memory_space<vmem>>
    %dma_wait3A_149 = arith.constant 0 : i32
    %dma_wait3A_150 = arith.constant 0 : i32
    %dma_wait3A_151 = tpu.memref_slice %arg11[%dma_wait3A_140, %dma_wait3A_149, %dma_wait3A_150] : memref<2x8x128xi32, #tpu.memory_space<vmem>> -> memref<1x8x128xi32, #tpu.memory_space<vmem>>
    %dma_wait3A_152 = tpu.memref_squeeze %dma_wait3A_151 : memref<1x8x128xi32, #tpu.memory_space<vmem>> -> memref<8x128xi32, #tpu.memory_space<vmem>>
    %dma_wait3A_153 = arith.constant 0 : i32
    %dma_wait3A_154 = tpu.memref_slice %dma_wait3A_152[%dma_wait3A_141, %dma_wait3A_153] : memref<8x128xi32, #tpu.memory_space<vmem>> -> memref<1x128xi32, #tpu.memory_space<vmem>>
    %dma_wait3A_155 = tpu.memref_squeeze %dma_wait3A_154 : memref<1x128xi32, #tpu.memory_space<vmem>> -> memref<128xi32, #tpu.memory_space<vmem>>
    %dma_wait3A_156 = arith.constant 0 : i32
    %dma_wait3A_157 = arith.constant 0 : i32
    %dma_wait3A_158 = tpu.memref_slice %arg13[%dma_wait3A_156, %dma_wait3A_157] : memref<4096x16xf32, #tpu.memory_space<vmem_shared>> -> memref<4096x16xf32, #tpu.memory_space<vmem_shared>>
    tpu.wait_indirect_dma semaphore(%arg17 : memref<!tpu.dma_semaphore, #tpu.memory_space<semaphore_mem>>) src(%dma_wait3A_148 : memref<128x16xf32, #tpu.memory_space<vmem>>) dst(%dma_wait3A_158 : memref<4096x16xf32, #tpu.memory_space<vmem_shared>>)
    %dma_wait3A_159 = arith.constant 1 : i32
    %dma_wait3A_160 = arith.constant 1 : i32
    %dma_wait3A_161 = arith.constant 5 : i32
    %dma_wait3A_162 = arith.constant 0 : i32
    %dma_wait3A_163 = arith.constant 0 : i32
    %dma_wait3A_164 = tpu.memref_slice %arg12[%dma_wait3A_159, %dma_wait3A_162, %dma_wait3A_163] : memref<2x1024x16xf32, #tpu.memory_space<vmem>> -> memref<1x1024x16xf32, #tpu.memory_space<vmem>>
    %dma_wait3A_165 = tpu.memref_squeeze %dma_wait3A_164 : memref<1x1024x16xf32, #tpu.memory_space<vmem>> -> memref<1024x16xf32, #tpu.memory_space<vmem>>
    %dma_wait3A_166 = arith.constant 640 : i32
    %dma_wait3A_167 = arith.constant 0 : i32
    %dma_wait3A_168 = tpu.memref_slice %dma_wait3A_165[%dma_wait3A_166, %dma_wait3A_167] : memref<1024x16xf32, #tpu.memory_space<vmem>> -> memref<128x16xf32, #tpu.memory_space<vmem>>
    %dma_wait3A_169 = arith.constant 0 : i32
    %dma_wait3A_170 = arith.constant 0 : i32
    %dma_wait3A_171 = tpu.memref_slice %arg11[%dma_wait3A_160, %dma_wait3A_169, %dma_wait3A_170] : memref<2x8x128xi32, #tpu.memory_space<vmem>> -> memref<1x8x128xi32, #tpu.memory_space<vmem>>
    %dma_wait3A_172 = tpu.memref_squeeze %dma_wait3A_171 : memref<1x8x128xi32, #tpu.memory_space<vmem>> -> memref<8x128xi32, #tpu.memory_space<vmem>>
    %dma_wait3A_173 = arith.constant 0 : i32
    %dma_wait3A_174 = tpu.memref_slice %dma_wait3A_172[%dma_wait3A_161, %dma_wait3A_173] : memref<8x128xi32, #tpu.memory_space<vmem>> -> memref<1x128xi32, #tpu.memory_space<vmem>>
    %dma_wait3A_175 = tpu.memref_squeeze %dma_wait3A_174 : memref<1x128xi32, #tpu.memory_space<vmem>> -> memref<128xi32, #tpu.memory_space<vmem>>
    %dma_wait3A_176 = arith.constant 0 : i32
    %dma_wait3A_177 = arith.constant 0 : i32
    %dma_wait3A_178 = tpu.memref_slice %arg13[%dma_wait3A_176, %dma_wait3A_177] : memref<4096x16xf32, #tpu.memory_space<vmem_shared>> -> memref<4096x16xf32, #tpu.memory_space<vmem_shared>>
    tpu.wait_indirect_dma semaphore(%arg17 : memref<!tpu.dma_semaphore, #tpu.memory_space<semaphore_mem>>) src(%dma_wait3A_168 : memref<128x16xf32, #tpu.memory_space<vmem>>) dst(%dma_wait3A_178 : memref<4096x16xf32, #tpu.memory_space<vmem_shared>>)
    %dma_wait3A_179 = arith.constant 1 : i32
    %dma_wait3A_180 = arith.constant 1 : i32
    %dma_wait3A_181 = arith.constant 6 : i32
    %dma_wait3A_182 = arith.constant 0 : i32
    %dma_wait3A_183 = arith.constant 0 : i32
    %dma_wait3A_184 = tpu.memref_slice %arg12[%dma_wait3A_179, %dma_wait3A_182, %dma_wait3A_183] : memref<2x1024x16xf32, #tpu.memory_space<vmem>> -> memref<1x1024x16xf32, #tpu.memory_space<vmem>>
    %dma_wait3A_185 = tpu.memref_squeeze %dma_wait3A_184 : memref<1x1024x16xf32, #tpu.memory_space<vmem>> -> memref<1024x16xf32, #tpu.memory_space<vmem>>
    %dma_wait3A_186 = arith.constant 768 : i32
    %dma_wait3A_187 = arith.constant 0 : i32
    %dma_wait3A_188 = tpu.memref_slice %dma_wait3A_185[%dma_wait3A_186, %dma_wait3A_187] : memref<1024x16xf32, #tpu.memory_space<vmem>> -> memref<128x16xf32, #tpu.memory_space<vmem>>
    %dma_wait3A_189 = arith.constant 0 : i32
    %dma_wait3A_190 = arith.constant 0 : i32
    %dma_wait3A_191 = tpu.memref_slice %arg11[%dma_wait3A_180, %dma_wait3A_189, %dma_wait3A_190] : memref<2x8x128xi32, #tpu.memory_space<vmem>> -> memref<1x8x128xi32, #tpu.memory_space<vmem>>
    %dma_wait3A_192 = tpu.memref_squeeze %dma_wait3A_191 : memref<1x8x128xi32, #tpu.memory_space<vmem>> -> memref<8x128xi32, #tpu.memory_space<vmem>>
    %dma_wait3A_193 = arith.constant 0 : i32
    %dma_wait3A_194 = tpu.memref_slice %dma_wait3A_192[%dma_wait3A_181, %dma_wait3A_193] : memref<8x128xi32, #tpu.memory_space<vmem>> -> memref<1x128xi32, #tpu.memory_space<vmem>>
    %dma_wait3A_195 = tpu.memref_squeeze %dma_wait3A_194 : memref<1x128xi32, #tpu.memory_space<vmem>> -> memref<128xi32, #tpu.memory_space<vmem>>
    %dma_wait3A_196 = arith.constant 0 : i32
    %dma_wait3A_197 = arith.constant 0 : i32
    %dma_wait3A_198 = tpu.memref_slice %arg13[%dma_wait3A_196, %dma_wait3A_197] : memref<4096x16xf32, #tpu.memory_space<vmem_shared>> -> memref<4096x16xf32, #tpu.memory_space<vmem_shared>>
    tpu.wait_indirect_dma semaphore(%arg17 : memref<!tpu.dma_semaphore, #tpu.memory_space<semaphore_mem>>) src(%dma_wait3A_188 : memref<128x16xf32, #tpu.memory_space<vmem>>) dst(%dma_wait3A_198 : memref<4096x16xf32, #tpu.memory_space<vmem_shared>>)
    %dma_wait3A_199 = arith.constant 1 : i32
    %dma_wait3A_200 = arith.constant 1 : i32
    %dma_wait3A_201 = arith.constant 7 : i32
    %dma_wait3A_202 = arith.constant 0 : i32
    %dma_wait3A_203 = arith.constant 0 : i32
    %dma_wait3A_204 = tpu.memref_slice %arg12[%dma_wait3A_199, %dma_wait3A_202, %dma_wait3A_203] : memref<2x1024x16xf32, #tpu.memory_space<vmem>> -> memref<1x1024x16xf32, #tpu.memory_space<vmem>>
    %dma_wait3A_205 = tpu.memref_squeeze %dma_wait3A_204 : memref<1x1024x16xf32, #tpu.memory_space<vmem>> -> memref<1024x16xf32, #tpu.memory_space<vmem>>
    %dma_wait3A_206 = arith.constant 896 : i32
    %dma_wait3A_207 = arith.constant 0 : i32
    %dma_wait3A_208 = tpu.memref_slice %dma_wait3A_205[%dma_wait3A_206, %dma_wait3A_207] : memref<1024x16xf32, #tpu.memory_space<vmem>> -> memref<128x16xf32, #tpu.memory_space<vmem>>
    %dma_wait3A_209 = arith.constant 0 : i32
    %dma_wait3A_210 = arith.constant 0 : i32
    %dma_wait3A_211 = tpu.memref_slice %arg11[%dma_wait3A_200, %dma_wait3A_209, %dma_wait3A_210] : memref<2x8x128xi32, #tpu.memory_space<vmem>> -> memref<1x8x128xi32, #tpu.memory_space<vmem>>
    %dma_wait3A_212 = tpu.memref_squeeze %dma_wait3A_211 : memref<1x8x128xi32, #tpu.memory_space<vmem>> -> memref<8x128xi32, #tpu.memory_space<vmem>>
    %dma_wait3A_213 = arith.constant 0 : i32
    %dma_wait3A_214 = tpu.memref_slice %dma_wait3A_212[%dma_wait3A_201, %dma_wait3A_213] : memref<8x128xi32, #tpu.memory_space<vmem>> -> memref<1x128xi32, #tpu.memory_space<vmem>>
    %dma_wait3A_215 = tpu.memref_squeeze %dma_wait3A_214 : memref<1x128xi32, #tpu.memory_space<vmem>> -> memref<128xi32, #tpu.memory_space<vmem>>
    %dma_wait3A_216 = arith.constant 0 : i32
    %dma_wait3A_217 = arith.constant 0 : i32
    %dma_wait3A_218 = tpu.memref_slice %arg13[%dma_wait3A_216, %dma_wait3A_217] : memref<4096x16xf32, #tpu.memory_space<vmem_shared>> -> memref<4096x16xf32, #tpu.memory_space<vmem_shared>>
    tpu.wait_indirect_dma semaphore(%arg17 : memref<!tpu.dma_semaphore, #tpu.memory_space<semaphore_mem>>) src(%dma_wait3A_208 : memref<128x16xf32, #tpu.memory_space<vmem>>) dst(%dma_wait3A_218 : memref<4096x16xf32, #tpu.memory_space<vmem_shared>>)
    %barrier3A_219 = arith.constant 0 : index
    tpu.barrier barrier_id(%barrier3A_219)
    %mul3A_220 = arith.constant 256 : i32
    %mul3A_221 = arith.muli %arg1, %mul3A_220 : i32
    "tpu.region"() ({
      %run_scoped3A = tpu.sem_alloc : memref<!tpu.dma_semaphore, #tpu.memory_space<semaphore_mem>>
      %dma_start3A_222 = arith.constant 0 : i32
      %dma_start3A_223 = tpu.memref_slice %arg7[%arg0, %mul3A_221, %dma_start3A_222] : memref<2x4096x16xf32, #tpu.memory_space<hbm>> -> memref<1x256x16xf32, #tpu.memory_space<hbm>>
      %dma_start3A_224 = tpu.memref_squeeze %dma_start3A_223 : memref<1x256x16xf32, #tpu.memory_space<hbm>> -> memref<256x16xf32, #tpu.memory_space<hbm>>
      %dma_start3A_225 = arith.constant 0 : i32
      %dma_start3A_226 = tpu.memref_slice %arg13[%mul3A_221, %dma_start3A_225] : memref<4096x16xf32, #tpu.memory_space<vmem_shared>> -> memref<256x16xf32, #tpu.memory_space<vmem_shared>>
      tpu.enqueue_dma source(%dma_start3A_226 : memref<256x16xf32, #tpu.memory_space<vmem_shared>>) target(%dma_start3A_224 : memref<256x16xf32, #tpu.memory_space<hbm>>) target_semaphore(%run_scoped3A : memref<!tpu.dma_semaphore, #tpu.memory_space<semaphore_mem>>)
      %dma_wait3A_227 = arith.constant 0 : i32
      %dma_wait3A_228 = tpu.memref_slice %arg7[%arg0, %mul3A_221, %dma_wait3A_227] : memref<2x4096x16xf32, #tpu.memory_space<hbm>> -> memref<1x256x16xf32, #tpu.memory_space<hbm>>
      %dma_wait3A_229 = tpu.memref_squeeze %dma_wait3A_228 : memref<1x256x16xf32, #tpu.memory_space<hbm>> -> memref<256x16xf32, #tpu.memory_space<hbm>>
      %dma_wait3A_230 = arith.constant 0 : i32
      %dma_wait3A_231 = tpu.memref_slice %arg13[%mul3A_221, %dma_wait3A_230] : memref<4096x16xf32, #tpu.memory_space<vmem_shared>> -> memref<256x16xf32, #tpu.memory_space<vmem_shared>>
      tpu.wait_dma2 semaphore(%run_scoped3A : memref<!tpu.dma_semaphore, #tpu.memory_space<semaphore_mem>>) src(%dma_wait3A_231 : memref<256x16xf32, #tpu.memory_space<vmem_shared>>) dst(%dma_wait3A_229 : memref<256x16xf32, #tpu.memory_space<hbm>>)
      tpu.yield
    }) : () -> ()
    return
  }
}

module attributes {stable_mosaic.version = 14 : i64} {
  func.func @_combine_kernel(%arg0: memref<2x4096x16xf32, #tpu.memory_space<vmem>>, %arg1: memref<1x4096xf32, #tpu.memory_space<vmem>>, %arg2: memref<16x4096xf32, #tpu.memory_space<vmem>>) attributes {dimension_semantics = [], scalar_prefetch = 0 : i64, scratch_operands = 0 : i64, tpu.core_type = #tpu.core_type<tc>} {
    %get3A = arith.constant 0 : index
    %get3A_0 = arith.constant 0 : index
    %get3A_1 = arith.constant 0 : index
    %get3A_2 = vector.load %arg0[%get3A, %get3A_0, %get3A_1] : memref<2x4096x16xf32, #tpu.memory_space<vmem>>, vector<1x4096x16xf32>
    %get3A_3 = vector.shape_cast %get3A_2 : vector<1x4096x16xf32> to vector<4096x16xf32>
    %get3A_4 = arith.constant 1 : index
    %get3A_5 = arith.constant 0 : index
    %get3A_6 = arith.constant 0 : index
    %get3A_7 = vector.load %arg0[%get3A_4, %get3A_5, %get3A_6] : memref<2x4096x16xf32, #tpu.memory_space<vmem>>, vector<1x4096x16xf32>
    %get3A_8 = vector.shape_cast %get3A_7 : vector<1x4096x16xf32> to vector<4096x16xf32>
    %add3A = arith.addf %get3A_3, %get3A_8 : vector<4096x16xf32>
    %transpose3A = tpu.transpose %add3A, [1, 0] : vector<4096x16xf32> -> vector<16x4096xf32>
    %get3A_9 = arith.constant 0 : index
    %get3A_10 = arith.constant 0 : index
    %get3A_11 = vector.load %arg1[%get3A_9, %get3A_10] : memref<1x4096xf32, #tpu.memory_space<vmem>>, vector<1x4096xf32>
    %add3A_12 = vector.broadcast %get3A_11 : vector<1x4096xf32> to vector<16x4096xf32>
    %add3A_13 = arith.addf %transpose3A, %add3A_12 : vector<16x4096xf32>
    %swap3A = arith.constant 0 : index
    %swap3A_14 = arith.constant 0 : index
    %swap3A_15 = vector.load %arg2[%swap3A, %swap3A_14] : memref<16x4096xf32, #tpu.memory_space<vmem>>, vector<16x4096xf32>
    tpu.vector_store %arg2[%swap3A, %swap3A_14], %add3A_13 {strides = array<i32>} : memref<16x4096xf32, #tpu.memory_space<vmem>>, vector<16x4096xf32>,
    return
  }
}

</mosaic_0001>

<sc_bundles>
// kernel: kernel.4.cloned.1.call-start
scs
__scs_entry_jumppad:
0x0: {  	(pc) =	sbr.rel $0x88, $3  }
0x1: {  	(tag) =	ssettag $0x0;
	lr =	simm.s32 $0x1  }
0x2: {  	[smem:$0x3F9C] =	sst lr;
	_ =	strace $0xD0000000  }
0x3: {  	_ = 	snop  }
0x4: {  	_ = 	snop  }
0x5: {  	_ = 	snop  }
0x6: {  	_ = 	snop  }
0x7: {  	_ = 	snop  }
__scs_overlays_trampoline_lowered:
0x8: {  	[smem:$0x3FAB] =	sst s0  }
0x9: {  	[smem:$0x3FAC] =	sst s1  }
0xa: {  	[smem:$0x3FAD] =	sst s2  }
0xb: {  	[smem:$0x3FAE] =	sst s3  }
0xc: {  	[smem:$0x3FAF] =	sst s4  }
0xd: {  	[smem:$0x3FB0] =	sst s5  }
0xe: {  	[smem:$0x3FB1] =	sst s6  }
0xf: {  	[smem:$0x3FB2] =	sst s7  }
0x10: {  	[smem:$0x3FB3] =	sst s8  }
0x11: {  	[smem:$0x3FB4] =	sst s9;
	s0 =	simm.s32 @!p0 $0x0  }
0x12: {  	s1 =	sld [smem:$0x3F9A];
	s0 =	simm.s32 @p0 $0x1  }
0x13: {  	[smem:$0x3FB5] =	sst s0;
	s0 =	simm.s32 @!p1 $0x0  }
0x14: {  	s2 =	sld [smem:$0x3F99];
	s0 =	simm.s32 @p1 $0x1  }
0x15: {  	[smem:$0x3FB6] =	sst s0;
	s0 =	simm.s32 @!p2 $0x0  }
0x16: {  	s3 =	sld [smem:$0x3FDB];
	s0 =	simm.s32 @p2 $0x1  }
0x17: {  	s4 =	simm.s32 $0x1BF5;
	[smem:$0x3FB8] =	sst s0  }
0x18: {  	s0 =	sld [smem:$0x3F9B];
	_ =	swait.ge [sflag:s4], $0x0  }
0x19: {  	s7 =	sld [smem:$0x3F9C]  }
0x1a: {  	s8 =	sadd.s32 $0xFFFFE003, lr  }
0x1b: {  	s9 =	sadd.s32 $0xFFFFFEF7, lr;
	s5 =	simm.s32 $0xFFFFFFFF;
	p2 =	slt.u32 s8, $0xFFFFF086  }
0x1c: {  	p1 =	slt.u32 s9, $0xF7A;
	s5 =	simm.s32 @!p2 $0x0  }
0x1d: {  	s5 =	simm.s32 @p1 $0x1;
	p0 =	seq.s32 s7, s2  }
0x1e: {  	s7 =	smul.u32 @!p0 $0xF7A, s2;
	p2 =	seq.s32 @!p0 s5, $0x0  }
0x1f: {  	s9 =	smul.u32 $0xF7A, s1;
	s8 =	simm.s32 @!p0 $0x1BF5;
	p2 =	por !p2, p0  }
0x20: {  	[sflag:s8] =	ssyncset.s32 @!p0 $0xFFFFF086;
	s6 =	sadd.s32 @!p0 s3, s7;
	s7 =	simm.s32 @!p0 $0x108  }
0x21: {  	s3 =	sadd.s32 s3, s9;
	s6 =	sadd.s32 @!p0 $0x88, s6;
	s7 =	simm.s32 @p2 $0x1082  }
0x22: {  	[simem:s7], [sflag:s8] =	dma.local @!p0 [hbm:s6], $0xF7A  }
0x23: {  	s9 =	sor.u32 $0xD0000000, s2;
	s6 =	simm.s32 $0x108;
	_ =	swait.ge @!p0 [sflag:s8], $0x0  }
0x24: {  	s3 =	sadd.s32 $0x88, s3;
	s6 =	simm.s32 @!p1 $0x1082;
	[sflag:s4] =	ssyncset.s32 $0xFFFFF086  }
0x25: {  	[simem:s6], [sflag:s4] =	dma.local [hbm:s3], $0xF7A  }
0x26: {  	[smem:$0x3F9C] =	sst s1;
	(tag) =	ssettag s2;
	_ =	strace s9  }
0x27: {  	s1 =	sld [smem:$0x3FAC]  }
0x28: {  	s2 =	sld [smem:$0x3FAD]  }
0x29: {  	s4 =	sld [smem:$0x3FAF]  }
0x2a: {  	p0 =	seq.s32 s5, $0x0;
	s5 =	sld [smem:$0x3FB0]  }
0x2b: {  	s6 =	sld [smem:$0x3FB1]  }
0x2c: {  	s7 =	sld [smem:$0x3FB2]  }
0x2d: {  	s3 =	simm.s32 $0x108;
	s8 =	sld [smem:$0x3FB3]  }
0x2e: {  	s3 =	simm.s32 @!p0 $0x1082;
	s9 =	sld [smem:$0x3FB4]  }
0x2f: {  	lr =	sadd.s32 s0, s3;
	s0 =	sld [smem:$0x3FAB]  }
0x30: {  	s3 =	sld [smem:$0x3FAE]  }
0x31: {  	[smem:$0x3FB7] =	sst s10  }
0x32: {  	s10 =	sld [smem:$0x3FB5];
	_ =	sdelay $0x3  }
0x33: {  	p0 =	seq.s32 s10, $0x1;
	s10 =	sld [smem:$0x3FB7];
	_ =	sdelay $0x3  }
0x34: {  	[smem:$0x3FB7] =	sst s10  }
0x35: {  	s10 =	sld [smem:$0x3FB6];
	_ =	sdelay $0x3  }
0x36: {  	p1 =	seq.s32 s10, $0x1;
	s10 =	sld [smem:$0x3FB7];
	_ =	sdelay $0x3  }
0x37: {  	[smem:$0x3FB7] =	sst s10  }
0x38: {  	s10 =	sld [smem:$0x3FB8]  }
0x39: {  	_ = 	snop;
	(pc) =	sbr.ind lr, $3  }
0x3a: {  	_ = 	snop  }
0x3b: {  	_ = 	snop  }
0x3c: {  	p2 =	seq.s32 s10, $0x1;
	s10 =	sld [smem:$0x3FB7]  }
0x3d: {  	_ =	shalt  }
0x3e: {  	_ =	shalt  }
0x3f: {  	_ =	shalt  }
0x40: {  	_ =	shalt  }
0x41: {  	_ =	shalt  }
0x42: {  	_ =	shalt  }
0x43: {  	_ =	shalt  }
0x44: {  	_ =	shalt  }
0x45: {  	_ =	shalt  }
0x46: {  	_ =	shalt  }
0x47: {  	_ =	shalt  }
0x48: {  	_ =	shalt  }
0x49: {  	_ =	shalt  }
0x4a: {  	_ =	shalt  }
0x4b: {  	_ =	shalt  }
0x4c: {  	_ =	shalt  }
0x4d: {  	_ =	shalt  }
0x4e: {  	_ =	shalt  }
0x4f: {  	_ =	shalt  }
0x50: {  	_ =	shalt  }
0x51: {  	_ =	shalt  }
0x52: {  	_ =	shalt  }
0x53: {  	_ =	shalt  }
0x54: {  	_ =	shalt  }
0x55: {  	_ =	shalt  }
0x56: {  	_ =	shalt  }
0x57: {  	_ =	shalt  }
0x58: {  	_ =	shalt  }
0x59: {  	_ =	shalt  }
0x5a: {  	_ =	shalt  }
0x5b: {  	_ =	shalt  }
0x5c: {  	_ =	shalt  }
0x5d: {  	_ =	shalt  }
0x5e: {  	_ =	shalt  }
0x5f: {  	_ =	shalt  }
0x60: {  	_ =	shalt  }
0x61: {  	_ =	shalt  }
0x62: {  	_ =	shalt  }
0x63: {  	_ =	shalt  }
0x64: {  	_ =	shalt  }
0x65: {  	_ =	shalt  }
0x66: {  	_ =	shalt  }
0x67: {  	_ =	shalt  }
0x68: {  	_ =	shalt  }
0x69: {  	_ =	shalt  }
0x6a: {  	_ =	shalt  }
0x6b: {  	_ =	shalt  }
0x6c: {  	_ =	shalt  }
0x6d: {  	_ =	shalt  }
0x6e: {  	_ =	shalt  }
0x6f: {  	_ =	shalt  }
0x70: {  	_ =	shalt  }
0x71: {  	_ =	shalt  }
0x72: {  	_ =	shalt  }
0x73: {  	_ =	shalt  }
0x74: {  	_ =	shalt  }
0x75: {  	_ =	shalt  }
0x76: {  	_ =	shalt  }
0x77: {  	_ =	shalt  }
0x78: {  	_ =	shalt  }
0x79: {  	_ =	shalt  }
0x7a: {  	_ =	shalt  }
0x7b: {  	_ =	shalt  }
0x7c: {  	_ =	shalt  }
0x7d: {  	_ =	shalt  }
0x7e: {  	_ =	shalt  }
0x7f: {  	_ =	shalt  }
0x80: {  	_ =	shalt  }
0x81: {  	_ =	shalt  }
0x82: {  	_ =	shalt  }
0x83: {  	_ =	shalt  }
0x84: {  	_ =	shalt  }
0x85: {  	_ =	shalt  }
0x86: {  	_ =	shalt  }
0x87: {  	_ =	shalt  }
.Lfunc_end0:
.L_simem_size_0:
called_computation_lowered:
.L_overlay_start_0:
0x88: {  	s2 =	sld [smem:$0x3FD9]  }
0x89: {  	s3 =	sld [smem:$0x3FFE];
	_ =	sdelay $0x1  }
0x8a: {  	s1 =	srdreg.scid  }
0x8b: {  	s0 =	sand.u32 $0x1, s1  }
0x8c: {  	s17 =	sshll.u32 s0, $0xA;
	s2 =	sadd.s32 s3, s2  }
0x8d: {  	s2 =	sadd.s32 s2, s17  }
0x8e: {  	[smem:$0x3FC3] =	sst s2  }
0x8f: {  	_ = 	snop  }
0x90: {  	s2 =	sld [smem:$0x3FD0];
	(tm) =	ssettm $0x1  }
0x91: {  	s18 =	sld [smem:$0x3FFB];
	_ =	sdelay $0x3  }
0x92: {  	_ =	strace s18  }
0x93: {  	s3 =	sld [smem:$0x3FFC];
	_ =	sdelay $0x3  }
0x94: {  	_ =	strace s3  }
0x95: {  	s3 =	sld [smem:$0x3FFD];
	_ =	sdelay $0x3  }
0x96: {  	_ =	strace s3  }
0x97: {  	_ =	strace $0x8FFFFFFF  }
0x98: {  	s19 =	sld [smem:$0x3FDB];
	_ =	sdelay $0x1  }
0x99: {  	s4 =	simm.s32 $_scs_section_size  }
0x9a: {  	s5 =	simm.s32 $_size__tile_overlayer_lowered;
	s6 =	simm.s32 $_tile_overlayer_lowered  }
0x9b: {  	s22 =	simm.s32 $0x1BFF;
	s21 =	sshll.u32 s6, $0x1;
	s3 =	sadd.s32 s4, s19  }
0x9c: {  	s7 =	simm.s32 $0x0;
	s20 =	sshll.u32 s5, $0x1;
	s5 =	sadd.s32 s21, s3  }
0x9d: {  	[timem:s7], [sflag:s22] =	dma.local [hbm:s5], s20  }
0x9e: {  	_ =	swait.ge [sflag:s22], s20  }
0x9f: {  	s4 =	ssub.s32 $0x0, s20;
	[sflag:s22] =	ssyncset.done $0x0  }
0xa0: {  	[sflag:s22] =	ssyncadd.s32 s4;
	_ =	sdelay $0x1  }
0xa1: {  	s23 =	simm.s32 $0x1B8B  }
0xa2: {  	_ =	swait.ge [sflag:s23], $0x1  }
0xa3: {  	[sflag:s23] =	ssyncset.done $0x0  }
0xa4: {  	s25 =	simm.s32 $0x1B8E;
	s24 =	sld [smem:$0x3FFE];
	[sflag:s23] =	ssyncadd.s32 $0xFFFFFFFF  }
0xa5: {  	s26 =	simm.s32 $execute0_lowered;
	[smem:$0x3FD2] =	sst s25  }
0xa6: {  	s5 =	sshll.u32 s26, $0x1;
	_ =	strace $0x80000046;
	[dreg:$0x1] =	wrdreg $0xFFFFFFFF  }
0xa7: {  	s28 =	simm.s32 $_size_execute0_lowered;
	s3 =	sadd.s32 s3, s5;
	[dreg:$0x0] =	wrdreg $0x0  }
0xa8: {  	s5 =	sshll.u32 s28, $0x1;
	[dreg:$0x2] =	wrdreg s3  }
0xa9: {  	[dreg:$0x3] =	wrdreg s5  }
0xaa: {  	[dreg:$0x4] =	wrdreg $0xC0  }
0xab: {  	_ =	task [dreg:s7], $0x5FFFF  }
0xac: {  	[dreg:$0x1] =	wrdreg $0xFFFFFFFF  }
0xad: {  	[dreg:$0x0] =	wrdreg $0x60  }
0xae: {  	[dreg:$0x2] =	wrdreg s2  }
0xaf: {  	[dreg:$0x3] =	wrdreg s24  }
0xb0: {  	[dreg:$0x4] =	wrdreg $0x198000  }
0xb1: {  	[dreg:$0x5] =	wrdreg $0x9  }
0xb2: {  	_ =	task.clear_ibuf [dreg:s7], $0x6FFFF;
	_ =	strace $0x90000046  }
0xb3: {  	s29 =	simm.s32 $0x9;
	_ =	strace $0x80000048  }
0xb4: {  	_ =	swait.ge [sflag:s29], $0x1  }
0xb5: {  	[sflag:s29] =	ssyncadd.s32 $0xFFFFFFFF  }
0xb6: {  	_ =	strace $0x90000048  }
0xb7: {  	_ =	sfence  }
0xb8: {  	s30 =	sld [smem:$0x0];
	_ =	sdelay $0x2  }
0xb9: {  	s31 =	sshll.u32 s1, $0xD;
	s1 =	sshrl.u32 s1, $0x2  }
0xba: {  	s3 =	sand.u32 $0x4000, s31;
	s1 =	sadd.s32 s1, s30  }
0xbb: {  	s0 =	sor.u32 s3, s0;
	s1 =	sshll.u32 s1, $0x11  }
0xbc: {  	s0 =	sor.u32 s1, s0  }
0xbd: {  	s0 =	sadd.s32 $0x8F2B, s0  }
0xbe: {  	[sflag:s0] =	ssyncadd.remote.s32 $0x1  }
0xbf: {  	_ =	sfence.sel $0xFFFF  }
0xc0: {  	[dreg:$0x0] =	wrdreg $0xFFFFFFFF;
	(pc) =	sbr.abs _section_cstart, $3  }
0xc1: {  	[dreg:$0x1] =	wrdreg $0xFFFFFFFF  }
0xc2: {  	_ =	task.clear_ibuf [dreg:s7], $0x2FFFF;
	_ =	strace $0x9FFFFFFF  }
0xc3: {  	(tm) =	ssettm $0x7FFFFFFF  }
tec
execute0_lowered:
.L_overlay_start_1:
0x0: {  	(tag) =	ssettag $0x1  }
0x1: {  	s0 =	rddreg [dreg:$0x1]  }
0x2: {  	s2 =	rddreg [dreg:$0x2]  }
0x3: {  	s3 =	simm.s32 $0x0;
	s1 =	srdreg.scid;
	s10 =	stileid.u32  }
0x4: {  	s14 =	simm.s32 $0x5;
	s21 =	simm.s32 $0x11000;
	s15 =	simm.s32 $0x11400  }
0x5: {  	s17 =	simm.s32 $0x2;
	s18 =	simm.s32 $0x15800;
	s29 =	simm.s32 $0x11600  }
0x6: {  	s30 =	simm.s32 $0x17800;
	s31 =	simm.s32 $0x11680;
	s20 =	simm.s32 $0x0  }
0x7: {  	[smem:$0x7FF] =	sst s3;
	s5 =	sadd.s32 $0x35000, s0;
	s6 =	sadd.s32 $0x69000, s0  }
0x8: {  	s1 =	sand.u32 $0x1, s1;
	s4 =	sshll.u32 s10, $0xC;
	s7 =	sadd.s32 $0x1000, s0  }
0x9: {  	s11 =	sadd.s32 $0x9D000, s0;
	s28 =	sshll.u32 s10, $0x6;
	_ =	strace $0x80000047  }
0xa: {  	s8 =	sshll.u32 s1, $0x10;
	s9 =	sshll.u32 s1, $0x4;
	s1 =	ssub.s32 $0x2, s1  }
0xb: {  	[dreg:$0x4] =	wrdreg s11;
	s16 =	sor.u32 $0x1C05, s28;
	s8 =	sor.u32 s4, s8  }
0xc: {  	s9 =	sor.u32 s10, s9;
	s22 =	sshrl.u32 s1, $0x1;
	s4 =	sadd.s32 s4, s2  }
0xd: {  	s10 =	simm.s32 $0x3;
	[dreg:$0xa] =	wrdreg s16;
	s8 =	sshrl.u32 s8, $0x3  }
0xe: {  	s9 =	smul.u32 $0xD000, s9;
	s1 =	ssub.s32 s1, s22;
	s19 =	sshrl.u32 s4, $0x3  }
0xf: {  	s22 =	simm.s32 $0x1;
	s4 =	simm.s32 $0x11700;
	s0 =	sadd.s32 s8, s0  }
0x10: {  	s26 =	smax.u32 s1, $0x1;
	s1 =	simm.s32 $0x18800;
	[dreg:$0xb] =	wrdreg s19  }
0x11: {  	s23 =	sshrl.u32 s9, $0x3;
	s12 =	sor.u32 $0x400, s9;
	s13 =	sor.u32 $0x800, s9  }
.Ltmp0:
0x12: {  	s0 =	sadd.s32 $0x9D200, s0;
	[dreg:$0x9] =	wrdreg s26;
	(pc) =	sbr.rel .LBB2_1-.Ltmp0, $4  }
0x13: {  	s9 =	simm.s32 $0x19000;
	s24 =	sadd.s32 s5, s23;
	[dreg:$0x8] =	wrdreg s0  }
0x14: {  	s25 =	sadd.s32 s6, s23;
	s8 =	sadd.s32 s7, s23;
	[dreg:$0x5] =	wrdreg s24  }
0x15: {  	v0 =	vlaneseq.u32;
	s23 =	simm.s32 $0x11800;
	s0 =	simm.s32 $0x18000;
	[dreg:$0x6] =	wrdreg s25  }
0x16: {  	v0 =	vmul.u32 $0x10, v0;
	[dreg:$0x7] =	wrdreg s8;
	s24 =	simm.s32 $0x80;
	s8 =	simm.s32 $0x11780  }
.LBB2_10:
0x17: {  	s11 =	simm.s32 $0x4  }
0x18: {  	_ =	swait.ge [sflag:s11], $0x800  }
0x19: {  	[sflag:s11] =	ssyncset.done $0x0  }
0x1a: {  	[sflag:s11] =	ssyncadd.s32 $0xFFFFF800  }
0x1b: {  	_ =	swait.ge [sflag:s11], $0x800  }
0x1c: {  	[sflag:s11] =	ssyncset.done $0x0  }
0x1d: {  	[sflag:s11] =	ssyncadd.s32 $0xFFFFF800  }
0x1e: {  	_ =	swait.ge [sflag:s11], $0x800  }
0x1f: {  	[sflag:s11] =	ssyncset.done $0x0  }
0x20: {  	[sflag:s11] =	ssyncadd.s32 $0xFFFFF800  }
0x21: {  	_ =	swait.ge [sflag:s11], $0x800  }
0x22: {  	[sflag:s11] =	ssyncset.done $0x0  }
0x23: {  	[sflag:s11] =	ssyncadd.s32 $0xFFFFF800  }
0x24: {  	_ =	swait.ge [sflag:s11], $0x800  }
0x25: {  	[sflag:s11] =	ssyncset.done $0x0  }
0x26: {  	[sflag:s11] =	ssyncadd.s32 $0xFFFFF800  }
0x27: {  	_ =	swait.ge [sflag:s11], $0x800  }
0x28: {  	[sflag:s11] =	ssyncset.done $0x0  }
0x29: {  	[sflag:s11] =	ssyncadd.s32 $0xFFFFF800  }
0x2a: {  	_ =	swait.ge [sflag:s11], $0x800  }
0x2b: {  	[sflag:s11] =	ssyncset.done $0x0  }
0x2c: {  	[sflag:s11] =	ssyncadd.s32 $0xFFFFF800  }
0x2d: {  	_ =	swait.ge [sflag:s11], $0x800  }
0x2e: {  	[sflag:s11] =	ssyncset.done $0x0  }
0x2f: {  	[sflag:s11] =	ssyncadd.s32 $0xFFFFF800  }
0x30: {  	[bflag:$0x0] =	sbarrier.arrive $0xFFFF  }
0x31: {  	s26 =	rddreg [dreg:$0x8]  }
0x32: {  	s16 =	rddreg [dreg:$0xa]  }
0x33: {  	s14 =	simm.s32 $0x5;
	s19 =	rddreg [dreg:$0xb]  }
0x34: {  	[hbm:s26], [sflag:s16] =	dma.local [spmem:s19], $0x200  }
0x35: {  	_ =	swait.ge [sflag:s14], $0x200  }
0x36: {  	s20 =	rddreg [dreg:$0xc]  }
0x37: {  	s28 =	rddreg [dreg:$0x9];
	s20 =	sadd.s32 $0x1, s20  }
0x38: {  	p0 =	sne.s32 s20, s28  }
.Ltmp1:
0x39: {  	_ = 	snop;
	(pc) =	sbr.rel @!p0 .LBB2_11-.Ltmp1, $3  }
0x3a: {  	_ =	sdelay $0x1  }
0x3b: {  	[sflag:s14] =	ssyncset.done $0x0  }
0x3c: {  	[sflag:s14] =	ssyncadd.s32 $0xFFFFFE00  }
.LBB2_1:
0x3d: {  	[dreg:$0xc] =	wrdreg s20  }
0x3e: {  	s11 =	rddreg [dreg:$0x0]  }
0x3f: {  	[tilespmem:s3], [sflag:$0x5] =	stream.linear.gather [hbm4b:s11+s3], $0x10000, $0x38;
	[tilespmem:$0x1A800] =	vst v63  }
0x40: {  	_ =	swait.ge [sflag:s14], $0x10000  }
0x41: {  	[sflag:s14] =	ssyncset.done $0x0  }
0x42: {  	s28 =	rddreg [dreg:$0x4];
	[sflag:s14] =	ssyncadd.s32 $0xFFFF0000  }
0x43: {  	[spmem:s19], [sflag:s16] =	dma.local [hbm:s28], $0x200  }
0x44: {  	_ =	swait.ge [sflag:s14], $0x200  }
0x45: {  	[sflag:s14] =	ssyncset.done $0x0  }
0x46: {  	s11 =	simm.s32 $0x0;
	[sflag:s14] =	ssyncadd.s32 $0xFFFFFE00  }
0x47: {  	v1 =	vld [tilespmem:s11+$0x0]  }
0x48: {  	s14 =	simm.s32 $0x40  }
.LBB2_2:
0x49: {  	p0 =	sne.s32 s14, $0x3FFC0  }
.Ltmp2:
0x4a: {  	_ = 	snop;
	(pc) =	sbr.rel @p0 .LBB2_2-.Ltmp2, $4  }
0x4b: {  	_ = 	snop  }
0x4c: {  	s16 =	sshra.s32 s14, $0x2;
	s14 =	sadd.s32 $0x40, s14;
	vm0 =	vgt.f32 v1, $9.999999770e-03  }
0x4d: {  	v2 =	vnsel vm0, $0x0, v1;
	v1 =	vld [tilespmem:s16+$0x0]  }
0x4e: {  	[tilespmem:s11+$0x0] =	vst v2;
	s11 =	smov.u32 s16  }
0x4f: {  	_ =	sdelay $0x2  }
0x50: {  	vm0 =	vgt.f32 v1, $9.999999770e-03  }
0x51: {  	v1 =	vnsel vm0, $0x0, v1  }
0x52: {  	[tilespmem:s11+$0x0] =	vst v1  }
0x53: {  	[bflag:$0x0] =	sbarrier.arrive $0xFFFF  }
0x54: {  	s16 =	simm.s32 $0x10000;
	s11 =	simm.s32 $0x0;
	s14 =	rddreg [dreg:$0x5]  }
0x55: {  	[tilespmem:s16], [sflag:$0x1] =	stream.linear.gather [hbm4b:s14+s11], $0x400, $0x38;
	[tilespmem:$0x1A800] =	vst v63  }
0x56: {  	s26 =	simm.s32 $0x10800;
	s25 =	rddreg [dreg:$0x6]  }
0x57: {  	[tilespmem:s26], [sflag:$0x1] =	stream.linear.gather [hbm4b:s25+s11], $0x400, $0x38;
	[tilespmem:$0x1A800] =	vst v63  }
0x58: {  	s28 =	rddreg [dreg:$0x7];
	s14 =	simm.s32 $0x0  }
0x59: {  	[tilespmem:s21], [sflag:$0x1] =	stream.linear.gather [hbm4b:s28+s11], $0x400, $0x38;
	[tilespmem:$0x1A800] =	vst v63  }
.LBB2_4:
0x5a: {  	_ =	swait.ge [sflag:s22], $0x400  }
0x5b: {  	[sflag:s22] =	ssyncset.done $0x0  }
0x5c: {  	[sflag:s22] =	ssyncadd.s32 $0xFFFFFC00  }
0x5d: {  	_ =	swait.ge [sflag:s22], $0x400  }
0x5e: {  	[sflag:s22] =	ssyncset.done $0x0  }
0x5f: {  	[sflag:s22] =	ssyncadd.s32 $0xFFFFFC00  }
0x60: {  	_ =	swait.ge [sflag:s22], $0x400  }
0x61: {  	[sflag:s22] =	ssyncset.done $0x0  }
0x62: {  	s16 =	simm.s32 $0x10000;
	[sflag:s22] =	ssyncadd.s32 $0xFFFFFC00  }
0x63: {  	v2 =	vld [tilespmem:s16+$0x0];
	_ =	sdelay $0x4  }
0x64: {  	v3 =	vadd.s32 $0x1000, v2  }
0x65: {  	v4 =	vadd.s32 $0x2000, v2  }
0x66: {  	s28 =	simm.s32 $0x10800;
	v5 =	vadd.s32 $0x3000, v2  }
0x67: {  	v1 =	vld [tilespmem:s28+$0x0];
	v6 =	vadd.s32 $0x4000, v2  }
0x68: {  	v8 =	vadd.s32 $0x5000, v2;
	v7 =	vld.idx.msk [tilespmem:v2+s3+$0x0], $0xffff  }
0x69: {  	v9 =	vadd.s32 $0xE000, v2;
	v3 =	vld.idx.msk [tilespmem:v3+s3+$0x0], $0xffff  }
0x6a: {  	v10 =	vld.idx.msk [tilespmem:v4+s3+$0x0], $0xffff  }
0x6b: {  	v13 =	vadd.s32 $0xD000, v2;
	v5 =	vld.idx.msk [tilespmem:v5+s3+$0x0], $0xffff  }
0x6c: {  	v18 =	vadd.s32 $0x9000, v2;
	v12 =	vld.idx.msk [tilespmem:v6+s3+$0x0], $0xffff  }
0x6d: {  	v4 =	vadd.s32 $0x6000, v2;
	v15 =	vld.idx.msk [tilespmem:v8+s3+$0x0], $0xffff  }
0x6e: {  	s16 =	simm.s32 $0x10010;
	v11 =	vadd.s32 $0xF000, v2;
	v9 =	vld.idx.msk [tilespmem:v9+s3+$0x0], $0xffff  }
0x6f: {  	v16 =	vadd.s32 $0xB000, v2;
	v6 =	vld [tilespmem:s16+$0x0]  }
0x70: {  	v17 =	vadd.s32 $0xA000, v2;
	v23 =	vld.idx.msk [tilespmem:v13+s3+$0x0], $0xffff  }
0x71: {  	v20 =	vadd.s32 $0x7000, v2;
	v8 =	vadd.s32 $0xC000, v2;
	v26 =	vld.idx.msk [tilespmem:v18+s3+$0x0], $0xffff  }
0x72: {  	v24 =	vld.idx.msk [tilespmem:v4+s3+$0x0], $0xffff;
	v22 =	vmul.f32 v3, v1;
	v3 =	vadd.s32 $0x8000, v2;
	v33 =	vmul.f32 v10, v1  }
0x73: {  	v4 =	vld.idx.msk [tilespmem:v11+s3+$0x0], $0xffff;
	v11 =	vmul.f32 v5, v1;
	v2 =	vmov s11;
	v14 =	vmul.f32 v12, v1  }
0x74: {  	v13 =	vmul.f32 v15, v1;
	v15 =	vld.idx.msk [tilespmem:v16+s3+$0x0], $0xffff;
	v29 =	vadd.s32 $0x3000, v6;
	v16 =	vmul.f32 v7, v1  }
0x75: {  	v17 =	vld.idx.msk [tilespmem:v17+s3+$0x0], $0xffff;
	v21 =	vadd.s32 $0x1000, v6;
	v32 =	vadd.s32 $0x2000, v6;
	v5 =	vshll.u32 v2, $0x4  }
0x76: {  	v39 =	vld.idx.msk [tilespmem:v20+s3+$0x0], $0xffff;
	v35 =	vadd.s32 $0x4000, v6;
	v27 =	vadd.s32 $0x5000, v6;
	v5 =	vor.u32 v0, v5  }
0x77: {  	s19 =	simm.s32 $0x10810;
	v8 =	vld.idx.msk [tilespmem:v8+s3+$0x0], $0xffff;
	v19 =	vadd.s32 $0x6000, v6;
	v7 =	vadd.s32 $0x9000, v6;
	v30 =	vor.u32 $0x1, v5  }
0x78: {  	v12 =	vadd.s32 $0xA000, v6;
	v10 =	vld [tilespmem:s19+$0x0];
	v18 =	vadd.s32 $0xC000, v6;
	v25 =	vadd.s32 $0xD000, v6  }
0x79: {  	v31 =	vadd.s32 $0xE000, v6;
	v26 =	vmul.f32 v26, v1;
	v38 =	vor.u32 $0x2, v5;
	v37 =	vld.idx.msk [tilespmem:v3+s3+$0x0], $0xffff  }
0x7a: {  	v2 =	vmul.f32 v9, v1;
	v20 =	vor.u32 $0x6, v5;
	v9 =	vld.idx.msk [tilespmem:v6+s3+$0x0], $0xffff;
	v28 =	vor.u32 $0x5, v5  }
0x7b: {  	v34 =	vor.u32 $0x3, v5;
	v36 =	vor.u32 $0x4, v5;
	v3 =	vadd.s32 $0x7000, v6;
	v21 =	vld.idx.msk [tilespmem:v21+s3+$0x0], $0xffff;
	[tilespmem:v5+s23+$0x0] =	vst.idx.msk $0xffff, v16  }
0x7c: {  	v15 =	vmul.f32 v15, v1;
	v16 =	vmul.f32 v23, v1;
	[tilespmem:v30+s23+$0x0] =	vst.idx.msk $0xffff, v22;
	v22 =	vld.idx.msk [tilespmem:v32+s3+$0x0], $0xffff  }
0x7d: {  	v32 =	vmul.f32 v24, v1;
	v30 =	vor.u32 $0x8, v5;
	v24 =	vld.idx.msk [tilespmem:v35+s3+$0x0], $0xffff;
	v35 =	vmul.f32 v39, v1  }
0x7e: {  	s20 =	simm.s32 $0x10;
	s25 =	simm.s32 $0x20;
	v23 =	vld.idx.msk [tilespmem:v29+s3+$0x0], $0xffff;
	[tilespmem:v38+s23+$0x0] =	vst.idx.msk $0xffff, v33;
	v33 =	vadd.s32 $0xF000, v6;
	v29 =	vmul.f32 v37, v1;
	v37 =	vor.u32 $0x7, v5  }
.LBB2_5:
0x7f: {  	p0 =	sne.s32 s25, $0x3F0  }
0x80: {  	v27 =	vld.idx.msk [tilespmem:v27+s3+$0x0], $0xffff;
	s16 =	sadd.s32 $0x10, s16;
	v17 =	vmul.f32 v17, v1;
	v38 =	vmul.f32 v4, v1;
	[tilespmem:v34+s23+$0x0] =	vst.idx.msk $0xffff, v11;
	s26 =	smov.u32 s25;
	s25 =	sadd.s32 $0x10, s25  }
0x81: {  	v34 =	vmul.f32 v8, v1;
	v1 =	vmov v10;
	v31 =	vld.idx.msk [tilespmem:v31+s3+$0x0], $0xffff;
	[tilespmem:v36+s23+$0x0] =	vst.idx.msk $0xffff, v14;
	v36 =	vor.u32 $0x9, v5  }
0x82: {  	v39 =	vmul.f32 v21, v1;
	v21 =	vadd.s32 $0xB000, v6;
	v10 =	vld [tilespmem:s16+$0x0];
	[tilespmem:v28+s23+$0x0] =	vst.idx.msk $0xffff, v13;
	v28 =	vor.u32 $0xA, v5  }
0x83: {  	v40 =	vmul.f32 v22, v1;
	v41 =	vld.idx.msk [tilespmem:v19+s3+$0x0], $0xffff;
	[tilespmem:v20+s23+$0x0] =	vst.idx.msk $0xffff, v32;
	v19 =	vor.u32 $0xB, v5  }
0x84: {  	v11 =	vmul.f32 v23, v1;
	v20 =	vadd.s32 $0x8000, v6;
	v6 =	vor.u32 $0xC, v5;
	v4 =	vld.idx.msk [tilespmem:v33+s3+$0x0], $0xffff;
	[tilespmem:v37+s23+$0x0] =	vst.idx.msk $0xffff, v35  }
0x85: {  	v8 =	vmov s20;
	s20 =	smov.u32 s26;
	v22 =	vor.u32 $0xD, v5;
	v14 =	vmul.f32 v24, v1;
	v23 =	vld.idx.msk [tilespmem:v25+s3+$0x0], $0xffff;
	[tilespmem:v30+s23+$0x0] =	vst.idx.msk $0xffff, v29  }
0x86: {  	v24 =	vshll.u32 v8, $0x4;
	v13 =	vmul.f32 v27, v1;
	v8 =	vld.idx.msk [tilespmem:v18+s3+$0x0], $0xffff;
	[tilespmem:v36+s23+$0x0] =	vst.idx.msk $0xffff, v26;
	v18 =	vor.u32 $0xE, v5  }
0x87: {  	v25 =	vmul.f32 v31, v1;
	v26 =	vor.u32 $0xF, v5;
	v29 =	vadd.s32 $0x3000, v10;
	v21 =	vld.idx.msk [tilespmem:v21+s3+$0x0], $0xffff;
	[tilespmem:v28+s23+$0x0] =	vst.idx.msk $0xffff, v17  }
0x88: {  	v30 =	vmul.f32 v9, v1;
	v5 =	vor.u32 v0, v24;
	v17 =	vld.idx.msk [tilespmem:v12+s3+$0x0], $0xffff;
	[tilespmem:v19+s23+$0x0] =	vst.idx.msk $0xffff, v15  }
0x89: {  	v24 =	vadd.s32 $0x1000, v10;
	v32 =	vadd.s32 $0x2000, v10;
	v35 =	vor.u32 $0x1, v5;
	v33 =	vld.idx.msk [tilespmem:v7+s3+$0x0], $0xffff;
	[tilespmem:v6+s23+$0x0] =	vst.idx.msk $0xffff, v34;
	v6 =	vmovc v10  }
0x8a: {  	v43 =	vor.u32 $0x2, v5;
	v37 =	vadd.s32 $0x4000, v6;
	v27 =	vadd.s32 $0x5000, v6;
	v42 =	vld.idx.msk [tilespmem:v20+s3+$0x0], $0xffff;
	[tilespmem:v22+s23+$0x0] =	vst.idx.msk $0xffff, v16  }
0x8b: {  	v19 =	vadd.s32 $0x6000, v6;
	v20 =	vor.u32 $0x6, v5;
	v44 =	vld.idx.msk [tilespmem:v3+s3+$0x0], $0xffff;
	v3 =	vadd.s32 $0x7000, v6;
	[tilespmem:v18+s23+$0x0] =	vst.idx.msk $0xffff, v2;
	v2 =	vmovc v25  }
0x8c: {  	s19 =	sadd.s32 $0x10, s19;
	v28 =	vor.u32 $0x5, v5;
	v7 =	vadd.s32 $0x9000, v6;
	v12 =	vadd.s32 $0xA000, v6;
	v9 =	vld.idx.msk [tilespmem:v10+s3+$0x0], $0xffff;
	[tilespmem:v26+s23+$0x0] =	vst.idx.msk $0xffff, v38  }
.Ltmp3:
0x8d: {  	v34 =	vor.u32 $0x3, v5;
	v18 =	vadd.s32 $0xC000, v6;
	v15 =	vmul.f32 v21, v1;
	v10 =	vld [tilespmem:s19+$0x0];
	[tilespmem:v5+s23+$0x0] =	vst.idx.msk $0xffff, v30;
	(pc) =	sbr.rel @p0 .LBB2_5-.Ltmp3, $4  }
0x8e: {  	v36 =	vor.u32 $0x4, v5;
	v31 =	vadd.s32 $0xE000, v6;
	v25 =	vadd.s32 $0xD000, v6;
	v21 =	vld.idx.msk [tilespmem:v24+s3+$0x0], $0xffff;
	[tilespmem:v35+s23+$0x0] =	vst.idx.msk $0xffff, v39  }
0x8f: {  	v16 =	vmul.f32 v23, v1;
	v26 =	vmul.f32 v33, v1;
	v22 =	vld.idx.msk [tilespmem:v32+s3+$0x0], $0xffff;
	[tilespmem:v43+s23+$0x0] =	vst.idx.msk $0xffff, v40  }
0x90: {  	v30 =	vor.u32 $0x8, v5;
	v32 =	vmul.f32 v41, v1;
	v23 =	vld.idx.msk [tilespmem:v29+s3+$0x0], $0xffff;
	v29 =	vmul.f32 v42, v1  }
0x91: {  	v33 =	vadd.s32 $0xF000, v6;
	v35 =	vmul.f32 v44, v1;
	v24 =	vld.idx.msk [tilespmem:v37+s3+$0x0], $0xffff;
	v37 =	vor.u32 $0x7, v5  }
0x92: {  	_ =	sdelay $0x3  }
0x93: {  	[tilespmem:v34+s23+$0x0] =	vst.idx.msk $0xffff, v11  }
0x94: {  	v11 =	vor.u32 $0x9, v5;
	[tilespmem:v36+s23+$0x0] =	vst.idx.msk $0xffff, v14  }
0x95: {  	[tilespmem:v28+s23+$0x0] =	vst.idx.msk $0xffff, v13;
	v13 =	vor.u32 $0xA, v5  }
0x96: {  	v14 =	vld.idx.msk [tilespmem:v27+s3+$0x0], $0xffff;
	[tilespmem:v20+s23+$0x0] =	vst.idx.msk $0xffff, v32;
	v20 =	vor.u32 $0xB, v5  }
0x97: {  	v27 =	vld.idx.msk [tilespmem:v31+s3+$0x0], $0xffff;
	v31 =	vor.u32 $0xC, v5;
	[tilespmem:v37+s23+$0x0] =	vst.idx.msk $0xffff, v35  }
0x98: {  	v19 =	vld.idx.msk [tilespmem:v19+s3+$0x0], $0xffff;
	v17 =	vmul.f32 v17, v1;
	[tilespmem:v30+s23+$0x0] =	vst.idx.msk $0xffff, v29;
	v29 =	vor.u32 $0xD, v5  }
0x99: {  	v59 =	vld.idx.msk [tilespmem:v33+s3+$0x0], $0xffff;
	v8 =	vmul.f32 v8, v1;
	v30 =	vmov s20;
	[tilespmem:v11+s23+$0x0] =	vst.idx.msk $0xffff, v26;
	v11 =	vor.u32 $0xE, v5  }
0x9a: {  	v25 =	vld.idx.msk [tilespmem:v25+s3+$0x0], $0xffff;
	v28 =	vadd.s32 $0xB000, v6;
	v26 =	vshll.u32 v30, $0x4;
	v5 =	vor.u32 $0xF, v5;
	[tilespmem:v13+s23+$0x0] =	vst.idx.msk $0xffff, v17  }
0x9b: {  	v18 =	vld.idx.msk [tilespmem:v18+s3+$0x0], $0xffff;
	v6 =	vadd.s32 $0x8000, v6;
	v17 =	vor.u32 v0, v26;
	[tilespmem:v20+s23+$0x0] =	vst.idx.msk $0xffff, v15  }
0x9c: {  	v12 =	vld.idx.msk [tilespmem:v12+s3+$0x0], $0xffff;
	v15 =	vor.u32 $0x1, v17;
	[tilespmem:v31+s23+$0x0] =	vst.idx.msk $0xffff, v8  }
0x9d: {  	v1 =	vmul.f32 v4, v1;
	v4 =	vld.idx.msk [tilespmem:v7+s3+$0x0], $0xffff;
	v7 =	vor.u32 $0x2, v17;
	[tilespmem:v29+s23+$0x0] =	vst.idx.msk $0xffff, v16  }
0x9e: {  	v3 =	vld.idx.msk [tilespmem:v3+s3+$0x0], $0xffff;
	v8 =	vmul.f32 v9, v10;
	[tilespmem:v11+s23+$0x0] =	vst.idx.msk $0xffff, v2;
	v2 =	vor.u32 $0x3, v17  }
0x9f: {  	v13 =	vld.idx.msk [tilespmem:v28+s3+$0x0], $0xffff;
	v9 =	vmul.f32 v21, v10;
	[tilespmem:v5+s23+$0x0] =	vst.idx.msk $0xffff, v1;
	v1 =	vor.u32 $0x4, v17  }
0xa0: {  	v6 =	vld.idx.msk [tilespmem:v6+s3+$0x0], $0xffff;
	v11 =	vor.u32 $0x5, v17;
	v5 =	vmul.f32 v22, v10;
	[tilespmem:v17+s23+$0x0] =	vst.idx.msk $0xffff, v8  }
0xa1: {  	v16 =	vor.u32 $0x6, v17;
	v8 =	vmul.f32 v23, v10;
	[tilespmem:v15+s23+$0x0] =	vst.idx.msk $0xffff, v9  }
0xa2: {  	v9 =	vmul.f32 v24, v10;
	[tilespmem:v7+s23+$0x0] =	vst.idx.msk $0xffff, v5;
	v5 =	vor.u32 $0x7, v17  }
0xa3: {  	v7 =	vmul.f32 v14, v10;
	v14 =	vor.u32 $0x8, v17;
	[tilespmem:v2+s23+$0x0] =	vst.idx.msk $0xffff, v8  }
0xa4: {  	v2 =	vmul.f32 v19, v10;
	[tilespmem:v1+s23+$0x0] =	vst.idx.msk $0xffff, v9;
	v1 =	vor.u32 $0x9, v17  }
0xa5: {  	v3 =	vmul.f32 v3, v10;
	[tilespmem:v11+s23+$0x0] =	vst.idx.msk $0xffff, v7;
	v7 =	vor.u32 $0xA, v17  }
0xa6: {  	v6 =	vmul.f32 v6, v10;
	[tilespmem:v16+s23+$0x0] =	vst.idx.msk $0xffff, v2;
	v2 =	vor.u32 $0xB, v17  }
0xa7: {  	v4 =	vmul.f32 v4, v10;
	[tilespmem:v5+s23+$0x0] =	vst.idx.msk $0xffff, v3;
	v3 =	vor.u32 $0xC, v17  }
0xa8: {  	v5 =	vmul.f32 v12, v10;
	[tilespmem:v14+s23+$0x0] =	vst.idx.msk $0xffff, v6;
	v6 =	vor.u32 $0xD, v17  }
0xa9: {  	v8 =	vmul.f32 v13, v10;
	[tilespmem:v1+s23+$0x0] =	vst.idx.msk $0xffff, v4;
	v1 =	vor.u32 $0xE, v17  }
0xaa: {  	v4 =	vmul.f32 v18, v10;
	[tilespmem:v7+s23+$0x0] =	vst.idx.msk $0xffff, v5;
	v5 =	vor.u32 $0xF, v17  }
0xab: {  	v7 =	vmul.f32 v25, v10;
	[tilespmem:v2+s23+$0x0] =	vst.idx.msk $0xffff, v8  }
0xac: {  	v2 =	vmul.f32 v27, v10;
	[tilespmem:v3+s23+$0x0] =	vst.idx.msk $0xffff, v4  }
0xad: {  	v3 =	vmul.f32 v59, v10;
	[tilespmem:v6+s23+$0x0] =	vst.idx.msk $0xffff, v7  }
0xae: {  	[tilespmem:v1+s23+$0x0] =	vst.idx.msk $0xffff, v2  }
0xaf: {  	[tilespmem:v5+s23+$0x0] =	vst.idx.msk $0xffff, v3  }
0xb0: {  	[spmem:s2] =	stream.indirect.scatter.add.f32 [tilespmem:s23], [sflag:$0x3], $0x10, s21, s24, $0xb8;
	[tilespmem:$0x1A800] =	vst v63  }
0xb1: {  	s16 =	simm.s32 $0x11080;
	s19 =	simm.s32 $0x12000  }
0xb2: {  	[spmem:s2] =	stream.indirect.scatter.add.f32 [tilespmem:s19], [sflag:$0x3], $0x10, s16, s24, $0xb8;
	[tilespmem:$0x1A800] =	vst v63  }
0xb3: {  	s25 =	simm.s32 $0x12800;
	s20 =	simm.s32 $0x11100  }
0xb4: {  	[spmem:s2] =	stream.indirect.scatter.add.f32 [tilespmem:s25], [sflag:$0x3], $0x10, s20, s24, $0xb8;
	[tilespmem:$0x1A800] =	vst v63  }
0xb5: {  	s26 =	simm.s32 $0x11180;
	s28 =	simm.s32 $0x13000  }
0xb6: {  	[spmem:s2] =	stream.indirect.scatter.add.f32 [tilespmem:s28], [sflag:$0x3], $0x10, s26, s24, $0xb8;
	[tilespmem:$0x1A800] =	vst v63  }
0xb7: {  	s20 =	simm.s32 $0x11200;
	s25 =	simm.s32 $0x13800  }
0xb8: {  	[spmem:s2] =	stream.indirect.scatter.add.f32 [tilespmem:s25], [sflag:$0x3], $0x10, s20, s24, $0xb8;
	[tilespmem:$0x1A800] =	vst v63  }
0xb9: {  	s26 =	simm.s32 $0x11280;
	s28 =	simm.s32 $0x14000  }
0xba: {  	[spmem:s2] =	stream.indirect.scatter.add.f32 [tilespmem:s28], [sflag:$0x3], $0x10, s26, s24, $0xb8;
	[tilespmem:$0x1A800] =	vst v63  }
0xbb: {  	p0 =	seq.s32 s14, $0x0;
	s19 =	simm.s32 $0x11300;
	s20 =	simm.s32 $0x14800  }
0xbc: {  	[spmem:s2] =	stream.indirect.scatter.add.f32 [tilespmem:s20], [sflag:$0x3], $0x10, s19, s24, $0xb8;
	[tilespmem:$0x1A800] =	vst v63  }
0xbd: {  	s25 =	simm.s32 $0x11380;
	s26 =	simm.s32 $0x15000;
	s19 =	simm.s32 @!p0 $0x4  }
0xbe: {  	[spmem:s2] =	stream.indirect.scatter.add.f32 [tilespmem:s26], [sflag:$0x3], $0x10, s25, s24, $0xb8;
	[tilespmem:$0x1A800] =	vst v63  }
0xbf: {  	_ =	swait.ge @!p0 [sflag:s19], $0x800  }
0xc0: {  	[sflag:s19] =	ssyncset.done @!p0 $0x0  }
0xc1: {  	[sflag:s19] =	ssyncadd.s32 @!p0 $0xFFFFF800  }
0xc2: {  	_ =	swait.ge @!p0 [sflag:s19], $0x800  }
0xc3: {  	[sflag:s19] =	ssyncset.done @!p0 $0x0  }
0xc4: {  	[sflag:s19] =	ssyncadd.s32 @!p0 $0xFFFFF800  }
0xc5: {  	_ =	swait.ge @!p0 [sflag:s19], $0x800  }
0xc6: {  	[sflag:s19] =	ssyncset.done @!p0 $0x0  }
0xc7: {  	[sflag:s19] =	ssyncadd.s32 @!p0 $0xFFFFF800  }
0xc8: {  	_ =	swait.ge @!p0 [sflag:s19], $0x800  }
0xc9: {  	[sflag:s19] =	ssyncset.done @!p0 $0x0  }
0xca: {  	[sflag:s19] =	ssyncadd.s32 @!p0 $0xFFFFF800  }
0xcb: {  	_ =	swait.ge @!p0 [sflag:s19], $0x800  }
0xcc: {  	[sflag:s19] =	ssyncset.done @!p0 $0x0  }
0xcd: {  	[sflag:s19] =	ssyncadd.s32 @!p0 $0xFFFFF800  }
0xce: {  	_ =	swait.ge @!p0 [sflag:s19], $0x800  }
0xcf: {  	[sflag:s19] =	ssyncset.done @!p0 $0x0  }
0xd0: {  	[sflag:s19] =	ssyncadd.s32 @!p0 $0xFFFFF800  }
0xd1: {  	_ =	swait.ge @!p0 [sflag:s19], $0x800  }
0xd2: {  	[sflag:s19] =	ssyncset.done @!p0 $0x0  }
0xd3: {  	[sflag:s19] =	ssyncadd.s32 @!p0 $0xFFFFF800  }
0xd4: {  	s16 =	sshll.u32 s14, $0xB;
	_ =	swait.ge @!p0 [sflag:s19], $0x800  }
0xd5: {  	s28 =	sadd.s32 s16, s12;
	[sflag:s19] =	ssyncset.done @!p0 $0x0  }
0xd6: {  	[sflag:s19] =	ssyncadd.s32 @!p0 $0xFFFFF800;
	s19 =	sshrl.u32 s28, $0x3  }
0xd7: {  	s25 =	simm.s32 $0x0;
	s26 =	simm.s32 $0x10400;
	s20 =	sadd.s32 s5, s19  }
0xd8: {  	[tilespmem:s26], [sflag:$0x2] =	stream.linear.gather [hbm4b:s20+s25], $0x400, $0x38;
	[tilespmem:$0x1A800] =	vst v63  }
0xd9: {  	s28 =	simm.s32 $0x10C00;
	s20 =	sadd.s32 s6, s19  }
0xda: {  	[tilespmem:s28], [sflag:$0x2] =	stream.linear.gather [hbm4b:s20+s25], $0x400, $0x38;
	[tilespmem:$0x1A800] =	vst v63  }
0xdb: {  	s19 =	sadd.s32 s7, s19  }
0xdc: {  	[tilespmem:s15], [sflag:$0x2] =	stream.linear.gather [hbm4b:s19+s25], $0x400, $0x38;
	[tilespmem:$0x1A800] =	vst v63  }
0xdd: {  	_ =	swait.ge [sflag:s17], $0x400  }
0xde: {  	[sflag:s17] =	ssyncset.done $0x0  }
0xdf: {  	[sflag:s17] =	ssyncadd.s32 $0xFFFFFC00  }
0xe0: {  	_ =	swait.ge [sflag:s17], $0x400  }
0xe1: {  	[sflag:s17] =	ssyncset.done $0x0  }
0xe2: {  	[sflag:s17] =	ssyncadd.s32 $0xFFFFFC00  }
0xe3: {  	_ =	swait.ge [sflag:s17], $0x400  }
0xe4: {  	[sflag:s17] =	ssyncset.done $0x0  }
0xe5: {  	[sflag:s17] =	ssyncadd.s32 $0xFFFFFC00  }
0xe6: {  	v2 =	vld [tilespmem:s26+$0x0];
	_ =	sdelay $0x4  }
0xe7: {  	v3 =	vadd.s32 $0x1000, v2  }
0xe8: {  	v4 =	vadd.s32 $0x2000, v2  }
0xe9: {  	v5 =	vadd.s32 $0x3000, v2  }
0xea: {  	v1 =	vld [tilespmem:s28+$0x0];
	v6 =	vadd.s32 $0x4000, v2  }
0xeb: {  	v8 =	vadd.s32 $0x5000, v2;
	v7 =	vld.idx.msk [tilespmem:v2+s3+$0x0], $0xffff  }
0xec: {  	v9 =	vadd.s32 $0xE000, v2;
	v3 =	vld.idx.msk [tilespmem:v3+s3+$0x0], $0xffff  }
0xed: {  	v10 =	vld.idx.msk [tilespmem:v4+s3+$0x0], $0xffff  }
0xee: {  	v13 =	vadd.s32 $0xD000, v2;
	v5 =	vld.idx.msk [tilespmem:v5+s3+$0x0], $0xffff  }
0xef: {  	v18 =	vadd.s32 $0x9000, v2;
	v12 =	vld.idx.msk [tilespmem:v6+s3+$0x0], $0xffff  }
0xf0: {  	v4 =	vadd.s32 $0x6000, v2;
	v15 =	vld.idx.msk [tilespmem:v8+s3+$0x0], $0xffff  }
0xf1: {  	s19 =	simm.s32 $0x10410;
	v11 =	vadd.s32 $0xF000, v2;
	v9 =	vld.idx.msk [tilespmem:v9+s3+$0x0], $0xffff  }
0xf2: {  	v16 =	vadd.s32 $0xB000, v2;
	v6 =	vld [tilespmem:s19+$0x0]  }
0xf3: {  	v20 =	vadd.s32 $0x7000, v2;
	v23 =	vld.idx.msk [tilespmem:v13+s3+$0x0], $0xffff  }
0xf4: {  	v17 =	vadd.s32 $0xA000, v2;
	v8 =	vadd.s32 $0xC000, v2;
	v26 =	vld.idx.msk [tilespmem:v18+s3+$0x0], $0xffff  }
0xf5: {  	v24 =	vld.idx.msk [tilespmem:v4+s3+$0x0], $0xffff;
	v22 =	vmul.f32 v3, v1;
	v3 =	vadd.s32 $0x8000, v2;
	v60 =	vmul.f32 v10, v1  }
0xf6: {  	v4 =	vld.idx.msk [tilespmem:v11+s3+$0x0], $0xffff;
	v11 =	vmul.f32 v5, v1;
	v2 =	vmov s25;
	v14 =	vmul.f32 v12, v1  }
0xf7: {  	v13 =	vmul.f32 v15, v1;
	v15 =	vld.idx.msk [tilespmem:v16+s3+$0x0], $0xffff;
	v29 =	vadd.s32 $0x3000, v6;
	v16 =	vmul.f32 v7, v1  }
0xf8: {  	v39 =	vld.idx.msk [tilespmem:v20+s3+$0x0], $0xffff;
	v21 =	vadd.s32 $0x1000, v6;
	v61 =	vadd.s32 $0x2000, v6;
	v62 =	vadd.s32 $0x4000, v6  }
0xf9: {  	v17 =	vld.idx.msk [tilespmem:v17+s3+$0x0], $0xffff;
	v27 =	vadd.s32 $0x5000, v6;
	v19 =	vadd.s32 $0x6000, v6;
	v5 =	vshll.u32 v2, $0x4  }
0xfa: {  	s20 =	simm.s32 $0x10C10;
	v8 =	vld.idx.msk [tilespmem:v8+s3+$0x0], $0xffff;
	v7 =	vadd.s32 $0x9000, v6;
	v12 =	vadd.s32 $0xA000, v6;
	v5 =	vor.u32 v0, v5  }
0xfb: {  	v10 =	vld [tilespmem:s20+$0x0];
	v18 =	vadd.s32 $0xC000, v6;
	v25 =	vadd.s32 $0xD000, v6;
	v30 =	vor.u32 $0x1, v5  }
0xfc: {  	v31 =	vadd.s32 $0xE000, v6;
	v26 =	vmul.f32 v26, v1;
	v38 =	vor.u32 $0x2, v5;
	v63 =	vld.idx.msk [tilespmem:v3+s3+$0x0], $0xffff  }
0xfd: {  	v33 =	vadd.s32 $0xF000, v6;
	v35 =	vmul.f32 v39, v1;
	v2 =	vmul.f32 v9, v1;
	v9 =	vld.idx.msk [tilespmem:v6+s3+$0x0], $0xffff  }
0xfe: {  	v20 =	vor.u32 $0x6, v5;
	v28 =	vor.u32 $0x5, v5;
	v34 =	vor.u32 $0x3, v5;
	v21 =	vld.idx.msk [tilespmem:v21+s3+$0x0], $0xffff  }
0xff: {  	v36 =	vor.u32 $0x4, v5;
	v37 =	vor.u32 $0x7, v5;
	v32 =	vmul.f32 v24, v1;
	v24 =	vld.idx.msk [tilespmem:v62+s3+$0x0], $0xffff;
	[tilespmem:v5+s18+$0x0] =	vst.idx.msk $0xffff, v16  }
0x100: {  	v15 =	vmul.f32 v15, v1;
	v16 =	vmul.f32 v23, v1;
	v23 =	vld.idx.msk [tilespmem:v29+s3+$0x0], $0xffff;
	[tilespmem:v30+s18+$0x0] =	vst.idx.msk $0xffff, v22  }
0x101: {  	s26 =	simm.s32 $0x20;
	s25 =	simm.s32 $0x10;
	v3 =	vadd.s32 $0x7000, v6;
	v22 =	vld.idx.msk [tilespmem:v61+s3+$0x0], $0xffff;
	v30 =	vor.u32 $0x8, v5;
	[tilespmem:v38+s18+$0x0] =	vst.idx.msk $0xffff, v60;
	v29 =	vmul.f32 v63, v1  }
.LBB2_7:
0x102: {  	p0 =	sne.s32 s26, $0x3F0  }
0x103: {  	v27 =	vld.idx.msk [tilespmem:v27+s3+$0x0], $0xffff;
	s19 =	sadd.s32 $0x10, s19;
	v17 =	vmul.f32 v17, v1;
	v38 =	vmul.f32 v4, v1;
	[tilespmem:v34+s18+$0x0] =	vst.idx.msk $0xffff, v11;
	s28 =	smov.u32 s26;
	s26 =	sadd.s32 $0x10, s26  }
0x104: {  	v34 =	vmul.f32 v8, v1;
	v1 =	vmov v10;
	v31 =	vld.idx.msk [tilespmem:v31+s3+$0x0], $0xffff;
	[tilespmem:v36+s18+$0x0] =	vst.idx.msk $0xffff, v14;
	v36 =	vor.u32 $0x9, v5  }
0x105: {  	v39 =	vmul.f32 v21, v1;
	v21 =	vadd.s32 $0xB000, v6;
	v10 =	vld [tilespmem:s19+$0x0];
	[tilespmem:v28+s18+$0x0] =	vst.idx.msk $0xffff, v13;
	v28 =	vor.u32 $0xA, v5  }
0x106: {  	v40 =	vmul.f32 v22, v1;
	v41 =	vld.idx.msk [tilespmem:v19+s3+$0x0], $0xffff;
	[tilespmem:v20+s18+$0x0] =	vst.idx.msk $0xffff, v32;
	v19 =	vor.u32 $0xB, v5  }
0x107: {  	v11 =	vmul.f32 v23, v1;
	v20 =	vadd.s32 $0x8000, v6;
	v6 =	vor.u32 $0xC, v5;
	v4 =	vld.idx.msk [tilespmem:v33+s3+$0x0], $0xffff;
	[tilespmem:v37+s18+$0x0] =	vst.idx.msk $0xffff, v35  }
0x108: {  	v8 =	vmov s25;
	s25 =	smov.u32 s28;
	v22 =	vor.u32 $0xD, v5;
	v14 =	vmul.f32 v24, v1;
	v23 =	vld.idx.msk [tilespmem:v25+s3+$0x0], $0xffff;
	[tilespmem:v30+s18+$0x0] =	vst.idx.msk $0xffff, v29  }
0x109: {  	v24 =	vshll.u32 v8, $0x4;
	v13 =	vmul.f32 v27, v1;
	v8 =	vld.idx.msk [tilespmem:v18+s3+$0x0], $0xffff;
	[tilespmem:v36+s18+$0x0] =	vst.idx.msk $0xffff, v26;
	v18 =	vor.u32 $0xE, v5  }
0x10a: {  	v25 =	vmul.f32 v31, v1;
	v26 =	vor.u32 $0xF, v5;
	v29 =	vadd.s32 $0x3000, v10;
	v21 =	vld.idx.msk [tilespmem:v21+s3+$0x0], $0xffff;
	[tilespmem:v28+s18+$0x0] =	vst.idx.msk $0xffff, v17  }
0x10b: {  	v30 =	vmul.f32 v9, v1;
	v5 =	vor.u32 v0, v24;
	v17 =	vld.idx.msk [tilespmem:v12+s3+$0x0], $0xffff;
	[tilespmem:v19+s18+$0x0] =	vst.idx.msk $0xffff, v15  }
0x10c: {  	v24 =	vadd.s32 $0x1000, v10;
	v32 =	vadd.s32 $0x2000, v10;
	v35 =	vor.u32 $0x1, v5;
	v33 =	vld.idx.msk [tilespmem:v7+s3+$0x0], $0xffff;
	[tilespmem:v6+s18+$0x0] =	vst.idx.msk $0xffff, v34;
	v6 =	vmovc v10  }
0x10d: {  	v43 =	vor.u32 $0x2, v5;
	v37 =	vadd.s32 $0x4000, v6;
	v27 =	vadd.s32 $0x5000, v6;
	v42 =	vld.idx.msk [tilespmem:v20+s3+$0x0], $0xffff;
	[tilespmem:v22+s18+$0x0] =	vst.idx.msk $0xffff, v16  }
0x10e: {  	v19 =	vadd.s32 $0x6000, v6;
	v20 =	vor.u32 $0x6, v5;
	v44 =	vld.idx.msk [tilespmem:v3+s3+$0x0], $0xffff;
	v3 =	vadd.s32 $0x7000, v6;
	[tilespmem:v18+s18+$0x0] =	vst.idx.msk $0xffff, v2;
	v2 =	vmovc v25  }
0x10f: {  	s20 =	sadd.s32 $0x10, s20;
	v28 =	vor.u32 $0x5, v5;
	v7 =	vadd.s32 $0x9000, v6;
	v12 =	vadd.s32 $0xA000, v6;
	v9 =	vld.idx.msk [tilespmem:v10+s3+$0x0], $0xffff;
	[tilespmem:v26+s18+$0x0] =	vst.idx.msk $0xffff, v38  }
.Ltmp4:
0x110: {  	v34 =	vor.u32 $0x3, v5;
	v18 =	vadd.s32 $0xC000, v6;
	v15 =	vmul.f32 v21, v1;
	v10 =	vld [tilespmem:s20+$0x0];
	[tilespmem:v5+s18+$0x0] =	vst.idx.msk $0xffff, v30;
	(pc) =	sbr.rel @p0 .LBB2_7-.Ltmp4, $4  }
0x111: {  	v36 =	vor.u32 $0x4, v5;
	v31 =	vadd.s32 $0xE000, v6;
	v25 =	vadd.s32 $0xD000, v6;
	v21 =	vld.idx.msk [tilespmem:v24+s3+$0x0], $0xffff;
	[tilespmem:v35+s18+$0x0] =	vst.idx.msk $0xffff, v39  }
0x112: {  	v16 =	vmul.f32 v23, v1;
	v26 =	vmul.f32 v33, v1;
	v22 =	vld.idx.msk [tilespmem:v32+s3+$0x0], $0xffff;
	[tilespmem:v43+s18+$0x0] =	vst.idx.msk $0xffff, v40  }
0x113: {  	v30 =	vor.u32 $0x8, v5;
	v32 =	vmul.f32 v41, v1;
	v23 =	vld.idx.msk [tilespmem:v29+s3+$0x0], $0xffff;
	v29 =	vmul.f32 v42, v1  }
0x114: {  	v33 =	vadd.s32 $0xF000, v6;
	v35 =	vmul.f32 v44, v1;
	v24 =	vld.idx.msk [tilespmem:v37+s3+$0x0], $0xffff;
	v37 =	vor.u32 $0x7, v5  }
0x115: {  	_ =	sdelay $0x3  }
0x116: {  	[tilespmem:v34+s18+$0x0] =	vst.idx.msk $0xffff, v11  }
0x117: {  	v58 =	vor.u32 $0x9, v5;
	[tilespmem:v36+s18+$0x0] =	vst.idx.msk $0xffff, v14  }
0x118: {  	v60 =	vor.u32 $0xA, v5;
	[tilespmem:v28+s18+$0x0] =	vst.idx.msk $0xffff, v13  }
0x119: {  	v59 =	vld.idx.msk [tilespmem:v27+s3+$0x0], $0xffff;
	v62 =	vor.u32 $0xB, v5;
	[tilespmem:v20+s18+$0x0] =	vst.idx.msk $0xffff, v32  }
0x11a: {  	v27 =	vld.idx.msk [tilespmem:v31+s3+$0x0], $0xffff;
	v63 =	vor.u32 $0xC, v5;
	[tilespmem:v37+s18+$0x0] =	vst.idx.msk $0xffff, v35  }
0x11b: {  	v19 =	vld.idx.msk [tilespmem:v19+s3+$0x0], $0xffff;
	v17 =	vmul.f32 v17, v1;
	v36 =	vor.u32 $0xD, v5;
	[tilespmem:v30+s18+$0x0] =	vst.idx.msk $0xffff, v29  }
0x11c: {  	v61 =	vadd.s32 $0xB000, v6;
	v38 =	vmov s25;
	v25 =	vld.idx.msk [tilespmem:v25+s3+$0x0], $0xffff;
	v39 =	vor.u32 $0xE, v5;
	[tilespmem:v58+s18+$0x0] =	vst.idx.msk $0xffff, v26  }
0x11d: {  	v8 =	vmul.f32 v8, v1;
	v18 =	vld.idx.msk [tilespmem:v18+s3+$0x0], $0xffff;
	v41 =	vor.u32 $0xF, v5;
	v40 =	vshll.u32 v38, $0x4;
	[tilespmem:v60+s18+$0x0] =	vst.idx.msk $0xffff, v17  }
0x11e: {  	v12 =	vld.idx.msk [tilespmem:v12+s3+$0x0], $0xffff;
	v43 =	vor.u32 v0, v40;
	v37 =	vadd.s32 $0x8000, v6;
	[tilespmem:v62+s18+$0x0] =	vst.idx.msk $0xffff, v15  }
0x11f: {  	v45 =	vld.idx.msk [tilespmem:v7+s3+$0x0], $0xffff;
	v44 =	vor.u32 $0x1, v43;
	[tilespmem:v63+s18+$0x0] =	vst.idx.msk $0xffff, v8  }
0x120: {  	v1 =	vmul.f32 v4, v1;
	v3 =	vld.idx.msk [tilespmem:v3+s3+$0x0], $0xffff;
	v46 =	vor.u32 $0x2, v43;
	[tilespmem:v36+s18+$0x0] =	vst.idx.msk $0xffff, v16  }
0x121: {  	v47 =	vmul.f32 v9, v10;
	v32 =	vld.idx.msk [tilespmem:v33+s3+$0x0], $0xffff;
	[tilespmem:v39+s18+$0x0] =	vst.idx.msk $0xffff, v2;
	v2 =	vor.u32 $0x3, v43  }
0x122: {  	v48 =	vmul.f32 v21, v10;
	v42 =	vld.idx.msk [tilespmem:v61+s3+$0x0], $0xffff;
	[tilespmem:v41+s18+$0x0] =	vst.idx.msk $0xffff, v1;
	v1 =	vor.u32 $0x4, v43  }
0x123: {  	v49 =	vmul.f32 v22, v10;
	v50 =	vor.u32 $0x5, v43;
	v6 =	vld.idx.msk [tilespmem:v37+s3+$0x0], $0xffff;
	[tilespmem:v43+s18+$0x0] =	vst.idx.msk $0xffff, v47  }
0x124: {  	v51 =	vmul.f32 v23, v10;
	v52 =	vor.u32 $0x6, v43;
	[tilespmem:v44+s18+$0x0] =	vst.idx.msk $0xffff, v48  }
0x125: {  	v54 =	vor.u32 $0x7, v43;
	v53 =	vmul.f32 v24, v10;
	[tilespmem:v46+s18+$0x0] =	vst.idx.msk $0xffff, v49  }
0x126: {  	v56 =	vor.u32 $0x8, v43;
	v55 =	vmul.f32 v59, v10;
	[tilespmem:v2+s18+$0x0] =	vst.idx.msk $0xffff, v51  }
0x127: {  	v2 =	vmul.f32 v19, v10;
	[tilespmem:v1+s18+$0x0] =	vst.idx.msk $0xffff, v53;
	v1 =	vor.u32 $0x9, v43  }
0x128: {  	v57 =	vor.u32 $0xA, v43;
	v3 =	vmul.f32 v3, v10;
	[tilespmem:v50+s18+$0x0] =	vst.idx.msk $0xffff, v55  }
0x129: {  	v6 =	vmul.f32 v6, v10;
	[tilespmem:v52+s18+$0x0] =	vst.idx.msk $0xffff, v2;
	v2 =	vor.u32 $0xB, v43  }
0x12a: {  	v4 =	vmul.f32 v45, v10;
	[tilespmem:v54+s18+$0x0] =	vst.idx.msk $0xffff, v3;
	v3 =	vor.u32 $0xC, v43  }
0x12b: {  	v59 =	vor.u32 $0xD, v43;
	v58 =	vmul.f32 v12, v10;
	[tilespmem:v56+s18+$0x0] =	vst.idx.msk $0xffff, v6  }
0x12c: {  	v60 =	vmul.f32 v42, v10;
	[tilespmem:v1+s18+$0x0] =	vst.idx.msk $0xffff, v4;
	v1 =	vor.u32 $0xE, v43  }
0x12d: {  	v61 =	vmul.f32 v18, v10;
	v62 =	vor.u32 $0xF, v43;
	[tilespmem:v57+s18+$0x0] =	vst.idx.msk $0xffff, v58  }
0x12e: {  	v63 =	vmul.f32 v25, v10;
	[tilespmem:v2+s18+$0x0] =	vst.idx.msk $0xffff, v60  }
0x12f: {  	v2 =	vmul.f32 v27, v10;
	[tilespmem:v3+s18+$0x0] =	vst.idx.msk $0xffff, v61  }
0x130: {  	v3 =	vmul.f32 v32, v10;
	[tilespmem:v59+s18+$0x0] =	vst.idx.msk $0xffff, v63  }
0x131: {  	[tilespmem:v1+s18+$0x0] =	vst.idx.msk $0xffff, v2  }
0x132: {  	[tilespmem:v62+s18+$0x0] =	vst.idx.msk $0xffff, v3  }
0x133: {  	[spmem:s2] =	stream.indirect.scatter.add.f32 [tilespmem:s18], [sflag:$0x4], $0x10, s15, s24, $0xb8;
	[tilespmem:$0x1A800] =	vst v63  }
0x134: {  	s19 =	simm.s32 $0x11480;
	s20 =	simm.s32 $0x16000  }
0x135: {  	[spmem:s2] =	stream.indirect.scatter.add.f32 [tilespmem:s20], [sflag:$0x4], $0x10, s19, s24, $0xb8;
	[tilespmem:$0x1A800] =	vst v63  }
0x136: {  	s25 =	simm.s32 $0x16800;
	s20 =	simm.s32 $0x11500  }
0x137: {  	[spmem:s2] =	stream.indirect.scatter.add.f32 [tilespmem:s25], [sflag:$0x4], $0x10, s20, s24, $0xb8;
	[tilespmem:$0x1A800] =	vst v63  }
0x138: {  	s26 =	simm.s32 $0x11580;
	s28 =	simm.s32 $0x17000  }
0x139: {  	[spmem:s2] =	stream.indirect.scatter.add.f32 [tilespmem:s28], [sflag:$0x4], $0x10, s26, s24, $0xb8;
	[tilespmem:$0x1A800] =	vst v63  }
0x13a: {  	_ = 	snop  }
0x13b: {  	[spmem:s2] =	stream.indirect.scatter.add.f32 [tilespmem:s30], [sflag:$0x4], $0x10, s29, s24, $0xb8;
	[tilespmem:$0x1A800] =	vst v63  }
0x13c: {  	_ = 	snop  }
0x13d: {  	[spmem:s2] =	stream.indirect.scatter.add.f32 [tilespmem:s0], [sflag:$0x4], $0x10, s31, s24, $0xb8;
	[tilespmem:$0x1A800] =	vst v63  }
0x13e: {  	_ = 	snop  }
0x13f: {  	[spmem:s2] =	stream.indirect.scatter.add.f32 [tilespmem:s1], [sflag:$0x4], $0x10, s4, s24, $0xb8;
	[tilespmem:$0x1A800] =	vst v63  }
0x140: {  	_ = 	snop  }
0x141: {  	[spmem:s2] =	stream.indirect.scatter.add.f32 [tilespmem:s9], [sflag:$0x4], $0x10, s8, s24, $0xb8;
	[tilespmem:$0x1A800] =	vst v63  }
0x142: {  	_ =	swait.ge [sflag:s10], $0x800  }
0x143: {  	[sflag:s10] =	ssyncset.done $0x0  }
0x144: {  	[sflag:s10] =	ssyncadd.s32 $0xFFFFF800  }
0x145: {  	_ =	swait.ge [sflag:s10], $0x800  }
0x146: {  	[sflag:s10] =	ssyncset.done $0x0  }
0x147: {  	[sflag:s10] =	ssyncadd.s32 $0xFFFFF800  }
0x148: {  	_ =	swait.ge [sflag:s10], $0x800  }
0x149: {  	[sflag:s10] =	ssyncset.done $0x0  }
0x14a: {  	[sflag:s10] =	ssyncadd.s32 $0xFFFFF800  }
0x14b: {  	_ =	swait.ge [sflag:s10], $0x800  }
0x14c: {  	[sflag:s10] =	ssyncset.done $0x0  }
0x14d: {  	[sflag:s10] =	ssyncadd.s32 $0xFFFFF800  }
0x14e: {  	_ =	swait.ge [sflag:s10], $0x800  }
0x14f: {  	[sflag:s10] =	ssyncset.done $0x0  }
0x150: {  	[sflag:s10] =	ssyncadd.s32 $0xFFFFF800  }
0x151: {  	_ =	swait.ge [sflag:s10], $0x800  }
0x152: {  	[sflag:s10] =	ssyncset.done $0x0  }
0x153: {  	[sflag:s10] =	ssyncadd.s32 $0xFFFFF800  }
0x154: {  	p0 =	seq.s32 s14, $0x19;
	_ =	swait.ge [sflag:s10], $0x800  }
.Ltmp5:
0x155: {  	[sflag:s10] =	ssyncset.done $0x0;
	(pc) =	sbr.rel @p0 .LBB2_10-.Ltmp5, $4  }
0x156: {  	[sflag:s10] =	ssyncadd.s32 $0xFFFFF800  }
0x157: {  	_ =	swait.ge [sflag:s10], $0x800  }
0x158: {  	[sflag:s10] =	ssyncset.done $0x0  }
0x159: {  	[sflag:s10] =	ssyncadd.s32 $0xFFFFF800  }
0x15a: {  	s16 =	sadd.s32 s16, s13  }
0x15b: {  	s16 =	sshrl.u32 s16, $0x3  }
0x15c: {  	s20 =	simm.s32 $0x10000;
	s19 =	sadd.s32 s5, s16  }
0x15d: {  	[tilespmem:s20], [sflag:$0x1] =	stream.linear.gather [hbm4b:s19+s3], $0x400, $0x38;
	[tilespmem:$0x1A800] =	vst v63  }
.Ltmp6:
0x15e: {  	_ = 	snop;
	(pc) =	sbr.rel .LBB2_4-.Ltmp6, $4  }
0x15f: {  	s28 =	simm.s32 $0x10800;
	s26 =	sadd.s32 s6, s16  }
0x160: {  	[tilespmem:s28], [sflag:$0x1] =	stream.linear.gather [hbm4b:s26+s3], $0x400, $0x38;
	[tilespmem:$0x1A800] =	vst v63  }
0x161: {  	s14 =	sadd.s32 $0x1, s14;
	s16 =	sadd.s32 s7, s16  }
0x162: {  	[tilespmem:s21], [sflag:$0x1] =	stream.linear.gather [hbm4b:s16+s3], $0x400, $0x38;
	[tilespmem:$0x1A800] =	vst v63  }
.LBB2_11:
0x163: {  	_ =	sfence.sel $0x180000  }
0x164: {  	[bflag:$0x0] =	sbarrier.arrive $0xFFFF  }
0x165: {  	_ =	strace $0x90000047  }
0x166: {  	s0 =	stileid.u32;
	[bflag:$0x2] =	sbarrier.arrive $0xFFFF  }
0x167: {  	p0 =	sne.s32 s0, $0x0;
	s0 =	rddreg [dreg:$0x3]  }
0x168: {  	s0 =	sadd.s32 @!p0 $0x100000, s0  }
0x169: {  	[sflag:s0] =	ssyncadd.tile.s32 @!p0 $0x1;
	_ =	shalt  }
.Lfunc_end2:
_tile_overlayer_lowered:
.L_overlay_start_2:
0x16a: {  	(tag) =	ssettag $0x2  }
0x16b: {  	s0 =	rddreg [dreg:$0x0];
	s2 =	stileid.u32  }
0x16c: {  	s1 =	rddreg [dreg:$0x1];
	p0 =	sne.s32 s2, $0x0  }
0x16d: {  	s3 =	rddreg [dreg:$0x2];
	[bflag:$0x3] =	sbarrier.arrive $0xFFFF;
	s2 =	simm.s32 @!p0 $0x1C05  }
0x16e: {  	[timem:s3], [sflag:s2] =	dma.local @!p0 [hbm:s0], s1  }
0x16f: {  	s0 =	simm.s32 @!p0 $0x5  }
0x170: {  	_ =	swait.ge @!p0 [sflag:s0], s1  }
0x171: {  	s1 =	ssub.s32 @!p0 $0x0, s1;
	[sflag:s0] =	ssyncset.done @!p0 $0x0  }
0x172: {  	[sflag:s0] =	ssyncadd.s32 @!p0 s1  }
0x173: {  	[bflag:$0x3] =	sbarrier.arrive $0xFFFF  }
0x174: {  	_ =	shalt  }

</sc_bundles>
